<compile_context>
chip_gen: v7x
topology: tpu7x:2x2x1
jax: 0.10.2.dev20260603
libtpu: 0.0.44.dev20260713+nightly
codegen_flags: <defaults>
</compile_context>

<pallas_src>
import functools

import jax
import jax.numpy as jnp
from jax import lax
from jax.experimental import pallas as pl
from jax.experimental.pallas import tpu as pltpu, tpu_sc as plsc

N = 262144
NCOL = 66
OCOL = 13
NUMERIC = 10
BLOCKS = ((10, 18), (18, 34), (34, 66))

NC = 2
NS = 16
L = 16
NW = NC * NS
ROWS_PER_W = N // NW
CH = 512
NCHUNK = ROWS_PER_W // CH

_mesh = plsc.VectorSubcoreMesh(core_axis_name="c", subcore_axis_name="s")


@functools.partial(
    pl.kernel,
    out_type=jax.ShapeDtypeStruct((N * OCOL,), jnp.float32),
    mesh=_mesh,
    compiler_params=pltpu.CompilerParams(
        needs_layout_passes=False, use_tc_tiling_on_sc=False
    ),
    scratch_types=[
        pltpu.VMEM((CH * NCOL,), jnp.float32),
        pltpu.VMEM((CH * NCOL,), jnp.float32),
        pltpu.VMEM((CH * OCOL,), jnp.float32),
        pltpu.VMEM((CH * OCOL,), jnp.float32),
        pltpu.SemaphoreType.DMA,
        pltpu.SemaphoreType.DMA,
        pltpu.SemaphoreType.DMA,
        pltpu.SemaphoreType.DMA,
    ],
)
def _onehot_to_numeric(x_hbm, out_hbm, in0, in1, ob0, ob1, si0, si1, so0, so1):
    ins = (in0, in1)
    obs = (ob0, ob1)
    sis = (si0, si1)
    sos = (so0, so1)
    wid = lax.axis_index("s") * NC + lax.axis_index("c")
    base_row = wid * ROWS_PER_W
    lane = lax.iota(jnp.int32, L)

    def compute_chunk(inbuf, outbuf):
        def group_body(g, carry):
            lr = g * L + lane
            srow = lr * NCOL
            orow = lr * OCOL
            for c in range(NUMERIC):
                v = plsc.load_gather(inbuf, [srow + c])
                plsc.store_scatter(outbuf, [orow + c], v)
            for slot, (s, e) in enumerate(BLOCKS):
                m = plsc.load_gather(inbuf, [srow + s])
                a = jnp.zeros((L,), jnp.float32)
                for j in range(1, e - s):
                    v = plsc.load_gather(inbuf, [srow + s + j])
                    upd = v > m
                    m = jnp.where(upd, v, m)
                    a = jnp.where(upd, jnp.float32(j), a)
                plsc.store_scatter(outbuf, [orow + NUMERIC + slot], a)
            return carry

        lax.fori_loop(0, CH // L, group_body, 0)

    def start_in(ch, b):
        r0 = base_row + ch * CH
        pltpu.async_copy(x_hbm.at[pl.ds(r0 * NCOL, CH * NCOL)], ins[b], sis[b])

    def start_out(ch, b):
        r0 = base_row + ch * CH
        pltpu.async_copy(obs[b], out_hbm.at[pl.ds(r0 * OCOL, CH * OCOL)], sos[b])

    def wait_in(b):
        pltpu.make_async_copy(
            x_hbm.at[pl.ds(0, CH * NCOL)], ins[b], sis[b]
        ).wait()

    def wait_out(b):
        pltpu.make_async_copy(
            obs[b], out_hbm.at[pl.ds(0, CH * OCOL)], sos[b]
        ).wait()

    start_in(0, 0)

    @pl.loop(0, NCHUNK, step=2)
    def chunk_pair(base):
        for b in (0, 1):
            ch = base + b

            @pl.when(ch + 1 < NCHUNK)
            def _():
                start_in(ch + 1, 1 - b)

            wait_in(b)

            @pl.when(ch >= 2)
            def _():
                wait_out(b)

            compute_chunk(ins[b], obs[b])
            start_out(ch, b)

    wait_out(0)
    wait_out(1)


def kernel(X):
    out = _onehot_to_numeric(X.reshape(-1))
    return out.reshape(N, OCOL)

# --- scband reference (transcript-rebuilt; emitter-appended) ---
"""Pipeline reference for scband-one-hot-to-numeric-35527969473191 (READ-ONLY COPY).

The authoritative reference and input builder live on the scoring server;
editing this copy changes nothing except your own understanding.
"""

import jax, jax.numpy as jnp
import numpy as np

# categorical_features = {10: 8, 18: 16, 34: 32}
CAT_STARTS = [10, 18, 34]
CAT_ENDS = [18, 34, 66]
NUMERIC_DIM = 13  # min(starts) + n_categoricals = 10 + 3


def setup_inputs(seed: int = 0) -> dict:
    key = jax.random.key(seed)
    X = jax.random.normal(key, (262144, 66), dtype=jnp.float32)
    return {"X": X}


def reference(X):
    # transform(): keep leading numeric_dim columns, overwrite the trailing
    # categorical slots (cols 10,11,12) with argmax over each one-hot block.
    X_numeric = X[..., :NUMERIC_DIM]
    idx0 = CAT_STARTS[0]
    for i, (start, end) in enumerate(zip(CAT_STARTS, CAT_ENDS)):
        arg = jnp.argmax(X[..., start:end], axis=-1).astype(X.dtype)
        X_numeric = X_numeric.at[..., idx0 + i].set(arg)
    return X_numeric

if __name__ == "__main__":
    import jax
    _d = setup_inputs()
    print(jax.jit(kernel)(*tuple(_d.values())))

</pallas_src>

<mosaic_0001>
#map = affine_map<(d0, d1) -> (0)>
module attributes {stable_mosaic.version = 14 : i64} {
  func.func @_onehot_to_numeric(%arg0: i32, %arg1: i32, %arg2: memref<17301504xf32, #tpu.memory_space<hbm>>, %arg3: memref<3407872xf32, #tpu.memory_space<hbm>>, %arg4: memref<33792xf32, #tpu.memory_space<vmem>>, %arg5: memref<33792xf32, #tpu.memory_space<vmem>>, %arg6: memref<6656xf32, #tpu.memory_space<vmem>>, %arg7: memref<6656xf32, #tpu.memory_space<vmem>>, %arg8: memref<!tpu.dma_semaphore, #tpu.memory_space<semaphore_mem>>, %arg9: memref<!tpu.dma_semaphore, #tpu.memory_space<semaphore_mem>>, %arg10: memref<!tpu.dma_semaphore, #tpu.memory_space<semaphore_mem>>, %arg11: memref<!tpu.dma_semaphore, #tpu.memory_space<semaphore_mem>>) attributes {dimension_semantics = [#tpu.dimension_semantics<core_parallel>, #tpu.dimension_semantics<subcore_parallel>], iteration_bounds = array<i64: 2, 16>, scalar_prefetch = 0 : i64, scratch_operands = 8 : i64, tpu.core_type = #tpu.core_type<sc_vector_subcore>, window_params = [{transform_indices = #map}, {transform_indices = #map}]} {
    %mul3A = arith.constant 2 : i32
    %mul3A_0 = arith.muli %arg1, %mul3A : i32
    %add3A = arith.addi %mul3A_0, %arg0 : i32
    %mul3A_1 = arith.constant 8192 : i32
    %mul3A_2 = arith.muli %add3A, %mul3A_1 : i32
    %iota3A = tpu.iota {dimensions = array<i32: 0>} : vector<16xi32>
    %add3A_3 = arith.constant 0 : i32
    %add3A_4 = arith.addi %mul3A_2, %add3A_3 : i32
    %mul3A_5 = arith.constant 66 : i32
    %mul3A_6 = arith.muli %add3A_4, %mul3A_5 : i32
    %dma_start3A = tpu.memref_slice %arg2[%mul3A_6] : memref<17301504xf32, #tpu.memory_space<hbm>> -> memref<33792xf32, #tpu.memory_space<hbm>>
    %dma_start3A_7 = tpu.memref_slice %arg2[%mul3A_6] : memref<17301504xf32, #tpu.memory_space<hbm>> -> memref<33792xf32, #tpu.memory_space<hbm>>
    tpu.enqueue_dma source(%dma_start3A_7 : memref<33792xf32, #tpu.memory_space<hbm>>) target(%arg4 : memref<33792xf32, #tpu.memory_space<vmem>>) target_semaphore(%arg8 : memref<!tpu.dma_semaphore, #tpu.memory_space<semaphore_mem>>)
    %scan3A = arith.constant 0 : i32
    %scan3A_8 = arith.constant 8 : i32
    %scan3A_9 = arith.addi %scan3A, %scan3A_8 : i32
    %scan3A_10 = arith.constant 1 : i32
    scf.for %scan3A_19 = %scan3A to %scan3A_9 step %scan3A_10  : i32 {
      %mul3A_20 = arith.constant 2 : i32
      %mul3A_21 = arith.muli %scan3A_19, %mul3A_20 : i32
      %add3A_22 = arith.constant 0 : i32
      %add3A_23 = arith.addi %add3A_22, %mul3A_21 : i32
      %add3A_24 = arith.constant 0 : i32
      %add3A_25 = arith.addi %add3A_23, %add3A_24 : i32
      %add3A_26 = arith.constant 1 : i32
      %add3A_27 = arith.addi %add3A_25, %add3A_26 : i32
      %lt3A = arith.constant 16 : i32
      %lt3A_28 = arith.cmpi slt, %add3A_27, %lt3A : i32
      %convert_element_type3A = arith.extui %lt3A_28 : i1 to i32
      %cond3A = arith.constant 0 : i32
      %cond3A_29 = arith.cmpi ne, %convert_element_type3A, %cond3A : i32
      scf.if %cond3A_29 {
        %add3A_82 = arith.constant 1 : i32
        %add3A_83 = arith.addi %add3A_25, %add3A_82 : i32
        %mul3A_84 = arith.constant 512 : i32
        %mul3A_85 = arith.muli %add3A_83, %mul3A_84 : i32
        %add3A_86 = arith.addi %mul3A_2, %mul3A_85 : i32
        %mul3A_87 = arith.constant 66 : i32
        %mul3A_88 = arith.muli %add3A_86, %mul3A_87 : i32
        %dma_start3A_89 = tpu.memref_slice %arg2[%mul3A_88] : memref<17301504xf32, #tpu.memory_space<hbm>> -> memref<33792xf32, #tpu.memory_space<hbm>>
        %dma_start3A_90 = tpu.memref_slice %arg2[%mul3A_88] : memref<17301504xf32, #tpu.memory_space<hbm>> -> memref<33792xf32, #tpu.memory_space<hbm>>
        tpu.enqueue_dma source(%dma_start3A_90 : memref<33792xf32, #tpu.memory_space<hbm>>) target(%arg5 : memref<33792xf32, #tpu.memory_space<vmem>>) target_semaphore(%arg9 : memref<!tpu.dma_semaphore, #tpu.memory_space<semaphore_mem>>)
      } else {
      }
      %dma_wait3A_30 = arith.constant 0 : i32
      %dma_wait3A_31 = tpu.memref_slice %arg2[%dma_wait3A_30] : memref<17301504xf32, #tpu.memory_space<hbm>> -> memref<33792xf32, #tpu.memory_space<hbm>>
      %dma_wait3A_32 = arith.constant 0 : i32
      %dma_wait3A_33 = tpu.memref_slice %arg2[%dma_wait3A_32] : memref<17301504xf32, #tpu.memory_space<hbm>> -> memref<33792xf32, #tpu.memory_space<hbm>>
      tpu.wait_dma2 semaphore(%arg8 : memref<!tpu.dma_semaphore, #tpu.memory_space<semaphore_mem>>) src(%dma_wait3A_33 : memref<33792xf32, #tpu.memory_space<hbm>>) dst(%arg4 : memref<33792xf32, #tpu.memory_space<vmem>>)
      %ge3A = arith.constant 2 : i32
      %ge3A_34 = arith.cmpi sge, %add3A_25, %ge3A : i32
      %convert_element_type3A_35 = arith.extui %ge3A_34 : i1 to i32
      %cond3A_36 = arith.constant 0 : i32
      %cond3A_37 = arith.cmpi ne, %convert_element_type3A_35, %cond3A_36 : i32
      scf.if %cond3A_37 {
        %dma_wait3A_82 = arith.constant 0 : i32
        %dma_wait3A_83 = tpu.memref_slice %arg3[%dma_wait3A_82] : memref<3407872xf32, #tpu.memory_space<hbm>> -> memref<6656xf32, #tpu.memory_space<hbm>>
        %dma_wait3A_84 = arith.constant 0 : i32
        %dma_wait3A_85 = tpu.memref_slice %arg3[%dma_wait3A_84] : memref<3407872xf32, #tpu.memory_space<hbm>> -> memref<6656xf32, #tpu.memory_space<hbm>>
        tpu.wait_dma2 semaphore(%arg10 : memref<!tpu.dma_semaphore, #tpu.memory_space<semaphore_mem>>) src(%arg6 : memref<6656xf32, #tpu.memory_space<vmem>>) dst(%dma_wait3A_85 : memref<6656xf32, #tpu.memory_space<hbm>>)
      } else {
      }
      %scan3A_38 = arith.constant 0 : i32
      %scan3A_39 = arith.constant 0 : i32
      %scan3A_40 = arith.constant 32 : i32
      %scan3A_41 = arith.addi %scan3A_39, %scan3A_40 : i32
      %scan3A_42 = arith.constant 1 : i32
      scf.for %scan3A_82 = %scan3A_39 to %scan3A_41 step %scan3A_42  : i32 {
        %mul3A_83 = arith.constant 16 : i32
        %mul3A_84 = arith.muli %scan3A_82, %mul3A_83 : i32
        %add3A_85 = vector.broadcast %mul3A_84 : i32 to vector<16xi32>
        %add3A_86 = arith.addi %add3A_85, %iota3A : vector<16xi32>
        %mul3A_87 = arith.constant 66 : i32
        %mul3A_88 = vector.broadcast %mul3A_87 : i32 to vector<16xi32>
        %mul3A_89 = arith.muli %add3A_86, %mul3A_88 : vector<16xi32>
        %mul3A_90 = arith.constant 13 : i32
        %mul3A_91 = vector.broadcast %mul3A_90 : i32 to vector<16xi32>
        %mul3A_92 = arith.muli %add3A_86, %mul3A_91 : vector<16xi32>
        %add3A_93 = arith.constant 0 : i32
        %add3A_94 = vector.broadcast %add3A_93 : i32 to vector<16xi32>
        %add3A_95 = arith.addi %mul3A_89, %add3A_94 : vector<16xi32>
        %gather3A = tpu.vector_load_idx %arg4[%add3A_95] : memref<33792xf32, #tpu.memory_space<vmem>>[vector<16xi32>], vector<16xf32>,
        %add3A_96 = arith.constant 0 : i32
        %add3A_97 = vector.broadcast %add3A_96 : i32 to vector<16xi32>
        %add3A_98 = arith.addi %mul3A_92, %add3A_97 : vector<16xi32>
        tpu.vector_store_idx %arg6[%add3A_98], %gather3A : memref<6656xf32, #tpu.memory_space<vmem>>[vector<16xi32>], vector<16xf32>,
        %add3A_99 = arith.constant 1 : i32
        %add3A_100 = vector.broadcast %add3A_99 : i32 to vector<16xi32>
        %add3A_101 = arith.addi %mul3A_89, %add3A_100 : vector<16xi32>
        %gather3A_102 = tpu.vector_load_idx %arg4[%add3A_101] : memref<33792xf32, #tpu.memory_space<vmem>>[vector<16xi32>], vector<16xf32>,
        %add3A_103 = arith.constant 1 : i32
        %add3A_104 = vector.broadcast %add3A_103 : i32 to vector<16xi32>
        %add3A_105 = arith.addi %mul3A_92, %add3A_104 : vector<16xi32>
        tpu.vector_store_idx %arg6[%add3A_105], %gather3A_102 : memref<6656xf32, #tpu.memory_space<vmem>>[vector<16xi32>], vector<16xf32>,
        %add3A_106 = arith.constant 2 : i32
        %add3A_107 = vector.broadcast %add3A_106 : i32 to vector<16xi32>
        %add3A_108 = arith.addi %mul3A_89, %add3A_107 : vector<16xi32>
        %gather3A_109 = tpu.vector_load_idx %arg4[%add3A_108] : memref<33792xf32, #tpu.memory_space<vmem>>[vector<16xi32>], vector<16xf32>,
        %add3A_110 = arith.constant 2 : i32
        %add3A_111 = vector.broadcast %add3A_110 : i32 to vector<16xi32>
        %add3A_112 = arith.addi %mul3A_92, %add3A_111 : vector<16xi32>
        tpu.vector_store_idx %arg6[%add3A_112], %gather3A_109 : memref<6656xf32, #tpu.memory_space<vmem>>[vector<16xi32>], vector<16xf32>,
        %add3A_113 = arith.constant 3 : i32
        %add3A_114 = vector.broadcast %add3A_113 : i32 to vector<16xi32>
        %add3A_115 = arith.addi %mul3A_89, %add3A_114 : vector<16xi32>
        %gather3A_116 = tpu.vector_load_idx %arg4[%add3A_115] : memref<33792xf32, #tpu.memory_space<vmem>>[vector<16xi32>], vector<16xf32>,
        %add3A_117 = arith.constant 3 : i32
        %add3A_118 = vector.broadcast %add3A_117 : i32 to vector<16xi32>
        %add3A_119 = arith.addi %mul3A_92, %add3A_118 : vector<16xi32>
        tpu.vector_store_idx %arg6[%add3A_119], %gather3A_116 : memref<6656xf32, #tpu.memory_space<vmem>>[vector<16xi32>], vector<16xf32>,
        %add3A_120 = arith.constant 4 : i32
        %add3A_121 = vector.broadcast %add3A_120 : i32 to vector<16xi32>
        %add3A_122 = arith.addi %mul3A_89, %add3A_121 : vector<16xi32>
        %gather3A_123 = tpu.vector_load_idx %arg4[%add3A_122] : memref<33792xf32, #tpu.memory_space<vmem>>[vector<16xi32>], vector<16xf32>,
        %add3A_124 = arith.constant 4 : i32
        %add3A_125 = vector.broadcast %add3A_124 : i32 to vector<16xi32>
        %add3A_126 = arith.addi %mul3A_92, %add3A_125 : vector<16xi32>
        tpu.vector_store_idx %arg6[%add3A_126], %gather3A_123 : memref<6656xf32, #tpu.memory_space<vmem>>[vector<16xi32>], vector<16xf32>,
        %add3A_127 = arith.constant 5 : i32
        %add3A_128 = vector.broadcast %add3A_127 : i32 to vector<16xi32>
        %add3A_129 = arith.addi %mul3A_89, %add3A_128 : vector<16xi32>
        %gather3A_130 = tpu.vector_load_idx %arg4[%add3A_129] : memref<33792xf32, #tpu.memory_space<vmem>>[vector<16xi32>], vector<16xf32>,
        %add3A_131 = arith.constant 5 : i32
        %add3A_132 = vector.broadcast %add3A_131 : i32 to vector<16xi32>
        %add3A_133 = arith.addi %mul3A_92, %add3A_132 : vector<16xi32>
        tpu.vector_store_idx %arg6[%add3A_133], %gather3A_130 : memref<6656xf32, #tpu.memory_space<vmem>>[vector<16xi32>], vector<16xf32>,
        %add3A_134 = arith.constant 6 : i32
        %add3A_135 = vector.broadcast %add3A_134 : i32 to vector<16xi32>
        %add3A_136 = arith.addi %mul3A_89, %add3A_135 : vector<16xi32>
        %gather3A_137 = tpu.vector_load_idx %arg4[%add3A_136] : memref<33792xf32, #tpu.memory_space<vmem>>[vector<16xi32>], vector<16xf32>,
        %add3A_138 = arith.constant 6 : i32
        %add3A_139 = vector.broadcast %add3A_138 : i32 to vector<16xi32>
        %add3A_140 = arith.addi %mul3A_92, %add3A_139 : vector<16xi32>
        tpu.vector_store_idx %arg6[%add3A_140], %gather3A_137 : memref<6656xf32, #tpu.memory_space<vmem>>[vector<16xi32>], vector<16xf32>,
        %add3A_141 = arith.constant 7 : i32
        %add3A_142 = vector.broadcast %add3A_141 : i32 to vector<16xi32>
        %add3A_143 = arith.addi %mul3A_89, %add3A_142 : vector<16xi32>
        %gather3A_144 = tpu.vector_load_idx %arg4[%add3A_143] : memref<33792xf32, #tpu.memory_space<vmem>>[vector<16xi32>], vector<16xf32>,
        %add3A_145 = arith.constant 7 : i32
        %add3A_146 = vector.broadcast %add3A_145 : i32 to vector<16xi32>
        %add3A_147 = arith.addi %mul3A_92, %add3A_146 : vector<16xi32>
        tpu.vector_store_idx %arg6[%add3A_147], %gather3A_144 : memref<6656xf32, #tpu.memory_space<vmem>>[vector<16xi32>], vector<16xf32>,
        %add3A_148 = arith.constant 8 : i32
        %add3A_149 = vector.broadcast %add3A_148 : i32 to vector<16xi32>
        %add3A_150 = arith.addi %mul3A_89, %add3A_149 : vector<16xi32>
        %gather3A_151 = tpu.vector_load_idx %arg4[%add3A_150] : memref<33792xf32, #tpu.memory_space<vmem>>[vector<16xi32>], vector<16xf32>,
        %add3A_152 = arith.constant 8 : i32
        %add3A_153 = vector.broadcast %add3A_152 : i32 to vector<16xi32>
        %add3A_154 = arith.addi %mul3A_92, %add3A_153 : vector<16xi32>
        tpu.vector_store_idx %arg6[%add3A_154], %gather3A_151 : memref<6656xf32, #tpu.memory_space<vmem>>[vector<16xi32>], vector<16xf32>,
        %add3A_155 = arith.constant 9 : i32
        %add3A_156 = vector.broadcast %add3A_155 : i32 to vector<16xi32>
        %add3A_157 = arith.addi %mul3A_89, %add3A_156 : vector<16xi32>
        %gather3A_158 = tpu.vector_load_idx %arg4[%add3A_157] : memref<33792xf32, #tpu.memory_space<vmem>>[vector<16xi32>], vector<16xf32>,
        %add3A_159 = arith.constant 9 : i32
        %add3A_160 = vector.broadcast %add3A_159 : i32 to vector<16xi32>
        %add3A_161 = arith.addi %mul3A_92, %add3A_160 : vector<16xi32>
        tpu.vector_store_idx %arg6[%add3A_161], %gather3A_158 : memref<6656xf32, #tpu.memory_space<vmem>>[vector<16xi32>], vector<16xf32>,
        %add3A_162 = arith.constant 10 : i32
        %add3A_163 = vector.broadcast %add3A_162 : i32 to vector<16xi32>
        %add3A_164 = arith.addi %mul3A_89, %add3A_163 : vector<16xi32>
        %gather3A_165 = tpu.vector_load_idx %arg4[%add3A_164] : memref<33792xf32, #tpu.memory_space<vmem>>[vector<16xi32>], vector<16xf32>,
        %broadcast_in_dim3A = arith.constant 0.000000e+00 : f32
        %broadcast_in_dim3A_166 = vector.broadcast %broadcast_in_dim3A : f32 to vector<16xf32>
        %add3A_167 = arith.constant 10 : i32
        %add3A_168 = vector.broadcast %add3A_167 : i32 to vector<16xi32>
        %add3A_169 = arith.addi %mul3A_89, %add3A_168 : vector<16xi32>
        %add3A_170 = arith.constant 1 : i32
        %add3A_171 = vector.broadcast %add3A_170 : i32 to vector<16xi32>
        %add3A_172 = arith.addi %add3A_169, %add3A_171 : vector<16xi32>
        %gather3A_173 = tpu.vector_load_idx %arg4[%add3A_172] : memref<33792xf32, #tpu.memory_space<vmem>>[vector<16xi32>], vector<16xf32>,
        %gt3A = arith.cmpf ogt, %gather3A_173, %gather3A_165 : vector<16xf32>
        %select_n3A = arith.select %gt3A, %gather3A_173, %gather3A_165 : vector<16xi1>, vector<16xf32>
        %jit3A = arith.constant 1.000000e+00 : f32
        %broadcast_in_dim3A_174 = vector.broadcast %jit3A : f32 to vector<16xf32>
        %select_n3A_175 = arith.select %gt3A, %broadcast_in_dim3A_174, %broadcast_in_dim3A_166 : vector<16xi1>, vector<16xf32>
        %add3A_176 = arith.constant 10 : i32
        %add3A_177 = vector.broadcast %add3A_176 : i32 to vector<16xi32>
        %add3A_178 = arith.addi %mul3A_89, %add3A_177 : vector<16xi32>
        %add3A_179 = arith.constant 2 : i32
        %add3A_180 = vector.broadcast %add3A_179 : i32 to vector<16xi32>
        %add3A_181 = arith.addi %add3A_178, %add3A_180 : vector<16xi32>
        %gather3A_182 = tpu.vector_load_idx %arg4[%add3A_181] : memref<33792xf32, #tpu.memory_space<vmem>>[vector<16xi32>], vector<16xf32>,
        %gt3A_183 = arith.cmpf ogt, %gather3A_182, %select_n3A : vector<16xf32>
        %select_n3A_184 = arith.select %gt3A_183, %gather3A_182, %select_n3A : vector<16xi1>, vector<16xf32>
        %jit3A_185 = arith.constant 2.000000e+00 : f32
        %broadcast_in_dim3A_186 = vector.broadcast %jit3A_185 : f32 to vector<16xf32>
        %select_n3A_187 = arith.select %gt3A_183, %broadcast_in_dim3A_186, %select_n3A_175 : vector<16xi1>, vector<16xf32>
        %add3A_188 = arith.constant 10 : i32
        %add3A_189 = vector.broadcast %add3A_188 : i32 to vector<16xi32>
        %add3A_190 = arith.addi %mul3A_89, %add3A_189 : vector<16xi32>
        %add3A_191 = arith.constant 3 : i32
        %add3A_192 = vector.broadcast %add3A_191 : i32 to vector<16xi32>
        %add3A_193 = arith.addi %add3A_190, %add3A_192 : vector<16xi32>
        %gather3A_194 = tpu.vector_load_idx %arg4[%add3A_193] : memref<33792xf32, #tpu.memory_space<vmem>>[vector<16xi32>], vector<16xf32>,
        %gt3A_195 = arith.cmpf ogt, %gather3A_194, %select_n3A_184 : vector<16xf32>
        %select_n3A_196 = arith.select %gt3A_195, %gather3A_194, %select_n3A_184 : vector<16xi1>, vector<16xf32>
        %jit3A_197 = arith.constant 3.000000e+00 : f32
        %broadcast_in_dim3A_198 = vector.broadcast %jit3A_197 : f32 to vector<16xf32>
        %select_n3A_199 = arith.select %gt3A_195, %broadcast_in_dim3A_198, %select_n3A_187 : vector<16xi1>, vector<16xf32>
        %add3A_200 = arith.constant 10 : i32
        %add3A_201 = vector.broadcast %add3A_200 : i32 to vector<16xi32>
        %add3A_202 = arith.addi %mul3A_89, %add3A_201 : vector<16xi32>
        %add3A_203 = arith.constant 4 : i32
        %add3A_204 = vector.broadcast %add3A_203 : i32 to vector<16xi32>
        %add3A_205 = arith.addi %add3A_202, %add3A_204 : vector<16xi32>
        %gather3A_206 = tpu.vector_load_idx %arg4[%add3A_205] : memref<33792xf32, #tpu.memory_space<vmem>>[vector<16xi32>], vector<16xf32>,
        %gt3A_207 = arith.cmpf ogt, %gather3A_206, %select_n3A_196 : vector<16xf32>
        %select_n3A_208 = arith.select %gt3A_207, %gather3A_206, %select_n3A_196 : vector<16xi1>, vector<16xf32>
        %jit3A_209 = arith.constant 4.000000e+00 : f32
        %broadcast_in_dim3A_210 = vector.broadcast %jit3A_209 : f32 to vector<16xf32>
        %select_n3A_211 = arith.select %gt3A_207, %broadcast_in_dim3A_210, %select_n3A_199 : vector<16xi1>, vector<16xf32>
        %add3A_212 = arith.constant 10 : i32
        %add3A_213 = vector.broadcast %add3A_212 : i32 to vector<16xi32>
        %add3A_214 = arith.addi %mul3A_89, %add3A_213 : vector<16xi32>
        %add3A_215 = arith.constant 5 : i32
        %add3A_216 = vector.broadcast %add3A_215 : i32 to vector<16xi32>
        %add3A_217 = arith.addi %add3A_214, %add3A_216 : vector<16xi32>
        %gather3A_218 = tpu.vector_load_idx %arg4[%add3A_217] : memref<33792xf32, #tpu.memory_space<vmem>>[vector<16xi32>], vector<16xf32>,
        %gt3A_219 = arith.cmpf ogt, %gather3A_218, %select_n3A_208 : vector<16xf32>
        %select_n3A_220 = arith.select %gt3A_219, %gather3A_218, %select_n3A_208 : vector<16xi1>, vector<16xf32>
        %jit3A_221 = arith.constant 5.000000e+00 : f32
        %broadcast_in_dim3A_222 = vector.broadcast %jit3A_221 : f32 to vector<16xf32>
        %select_n3A_223 = arith.select %gt3A_219, %broadcast_in_dim3A_222, %select_n3A_211 : vector<16xi1>, vector<16xf32>
        %add3A_224 = arith.constant 10 : i32
        %add3A_225 = vector.broadcast %add3A_224 : i32 to vector<16xi32>
        %add3A_226 = arith.addi %mul3A_89, %add3A_225 : vector<16xi32>
        %add3A_227 = arith.constant 6 : i32
        %add3A_228 = vector.broadcast %add3A_227 : i32 to vector<16xi32>
        %add3A_229 = arith.addi %add3A_226, %add3A_228 : vector<16xi32>
        %gather3A_230 = tpu.vector_load_idx %arg4[%add3A_229] : memref<33792xf32, #tpu.memory_space<vmem>>[vector<16xi32>], vector<16xf32>,
        %gt3A_231 = arith.cmpf ogt, %gather3A_230, %select_n3A_220 : vector<16xf32>
        %select_n3A_232 = arith.select %gt3A_231, %gather3A_230, %select_n3A_220 : vector<16xi1>, vector<16xf32>
        %jit3A_233 = arith.constant 6.000000e+00 : f32
        %broadcast_in_dim3A_234 = vector.broadcast %jit3A_233 : f32 to vector<16xf32>
        %select_n3A_235 = arith.select %gt3A_231, %broadcast_in_dim3A_234, %select_n3A_223 : vector<16xi1>, vector<16xf32>
        %add3A_236 = arith.constant 10 : i32
        %add3A_237 = vector.broadcast %add3A_236 : i32 to vector<16xi32>
        %add3A_238 = arith.addi %mul3A_89, %add3A_237 : vector<16xi32>
        %add3A_239 = arith.constant 7 : i32
        %add3A_240 = vector.broadcast %add3A_239 : i32 to vector<16xi32>
        %add3A_241 = arith.addi %add3A_238, %add3A_240 : vector<16xi32>
        %gather3A_242 = tpu.vector_load_idx %arg4[%add3A_241] : memref<33792xf32, #tpu.memory_space<vmem>>[vector<16xi32>], vector<16xf32>,
        %gt3A_243 = arith.cmpf ogt, %gather3A_242, %select_n3A_232 : vector<16xf32>
        %select_n3A_244 = arith.select %gt3A_243, %gather3A_242, %select_n3A_232 : vector<16xi1>, vector<16xf32>
        %jit3A_245 = arith.constant 7.000000e+00 : f32
        %broadcast_in_dim3A_246 = vector.broadcast %jit3A_245 : f32 to vector<16xf32>
        %select_n3A_247 = arith.select %gt3A_243, %broadcast_in_dim3A_246, %select_n3A_235 : vector<16xi1>, vector<16xf32>
        %add3A_248 = arith.constant 10 : i32
        %add3A_249 = vector.broadcast %add3A_248 : i32 to vector<16xi32>
        %add3A_250 = arith.addi %mul3A_92, %add3A_249 : vector<16xi32>
        %add3A_251 = arith.constant 0 : i32
        %add3A_252 = vector.broadcast %add3A_251 : i32 to vector<16xi32>
        %add3A_253 = arith.addi %add3A_250, %add3A_252 : vector<16xi32>
        tpu.vector_store_idx %arg6[%add3A_253], %select_n3A_247 : memref<6656xf32, #tpu.memory_space<vmem>>[vector<16xi32>], vector<16xf32>,
        %add3A_254 = arith.constant 18 : i32
        %add3A_255 = vector.broadcast %add3A_254 : i32 to vector<16xi32>
        %add3A_256 = arith.addi %mul3A_89, %add3A_255 : vector<16xi32>
        %gather3A_257 = tpu.vector_load_idx %arg4[%add3A_256] : memref<33792xf32, #tpu.memory_space<vmem>>[vector<16xi32>], vector<16xf32>,
        %broadcast_in_dim3A_258 = arith.constant 0.000000e+00 : f32
        %broadcast_in_dim3A_259 = vector.broadcast %broadcast_in_dim3A_258 : f32 to vector<16xf32>
        %add3A_260 = arith.constant 18 : i32
        %add3A_261 = vector.broadcast %add3A_260 : i32 to vector<16xi32>
        %add3A_262 = arith.addi %mul3A_89, %add3A_261 : vector<16xi32>
        %add3A_263 = arith.constant 1 : i32
        %add3A_264 = vector.broadcast %add3A_263 : i32 to vector<16xi32>
        %add3A_265 = arith.addi %add3A_262, %add3A_264 : vector<16xi32>
        %gather3A_266 = tpu.vector_load_idx %arg4[%add3A_265] : memref<33792xf32, #tpu.memory_space<vmem>>[vector<16xi32>], vector<16xf32>,
        %gt3A_267 = arith.cmpf ogt, %gather3A_266, %gather3A_257 : vector<16xf32>
        %select_n3A_268 = arith.select %gt3A_267, %gather3A_266, %gather3A_257 : vector<16xi1>, vector<16xf32>
        %jit3A_269 = arith.constant 1.000000e+00 : f32
        %broadcast_in_dim3A_270 = vector.broadcast %jit3A_269 : f32 to vector<16xf32>
        %select_n3A_271 = arith.select %gt3A_267, %broadcast_in_dim3A_270, %broadcast_in_dim3A_259 : vector<16xi1>, vector<16xf32>
        %add3A_272 = arith.constant 18 : i32
        %add3A_273 = vector.broadcast %add3A_272 : i32 to vector<16xi32>
        %add3A_274 = arith.addi %mul3A_89, %add3A_273 : vector<16xi32>
        %add3A_275 = arith.constant 2 : i32
        %add3A_276 = vector.broadcast %add3A_275 : i32 to vector<16xi32>
        %add3A_277 = arith.addi %add3A_274, %add3A_276 : vector<16xi32>
        %gather3A_278 = tpu.vector_load_idx %arg4[%add3A_277] : memref<33792xf32, #tpu.memory_space<vmem>>[vector<16xi32>], vector<16xf32>,
        %gt3A_279 = arith.cmpf ogt, %gather3A_278, %select_n3A_268 : vector<16xf32>
        %select_n3A_280 = arith.select %gt3A_279, %gather3A_278, %select_n3A_268 : vector<16xi1>, vector<16xf32>
        %jit3A_281 = arith.constant 2.000000e+00 : f32
        %broadcast_in_dim3A_282 = vector.broadcast %jit3A_281 : f32 to vector<16xf32>
        %select_n3A_283 = arith.select %gt3A_279, %broadcast_in_dim3A_282, %select_n3A_271 : vector<16xi1>, vector<16xf32>
        %add3A_284 = arith.constant 18 : i32
        %add3A_285 = vector.broadcast %add3A_284 : i32 to vector<16xi32>
        %add3A_286 = arith.addi %mul3A_89, %add3A_285 : vector<16xi32>
        %add3A_287 = arith.constant 3 : i32
        %add3A_288 = vector.broadcast %add3A_287 : i32 to vector<16xi32>
        %add3A_289 = arith.addi %add3A_286, %add3A_288 : vector<16xi32>
        %gather3A_290 = tpu.vector_load_idx %arg4[%add3A_289] : memref<33792xf32, #tpu.memory_space<vmem>>[vector<16xi32>], vector<16xf32>,
        %gt3A_291 = arith.cmpf ogt, %gather3A_290, %select_n3A_280 : vector<16xf32>
        %select_n3A_292 = arith.select %gt3A_291, %gather3A_290, %select_n3A_280 : vector<16xi1>, vector<16xf32>
        %jit3A_293 = arith.constant 3.000000e+00 : f32
        %broadcast_in_dim3A_294 = vector.broadcast %jit3A_293 : f32 to vector<16xf32>
        %select_n3A_295 = arith.select %gt3A_291, %broadcast_in_dim3A_294, %select_n3A_283 : vector<16xi1>, vector<16xf32>
        %add3A_296 = arith.constant 18 : i32
        %add3A_297 = vector.broadcast %add3A_296 : i32 to vector<16xi32>
        %add3A_298 = arith.addi %mul3A_89, %add3A_297 : vector<16xi32>
        %add3A_299 = arith.constant 4 : i32
        %add3A_300 = vector.broadcast %add3A_299 : i32 to vector<16xi32>
        %add3A_301 = arith.addi %add3A_298, %add3A_300 : vector<16xi32>
        %gather3A_302 = tpu.vector_load_idx %arg4[%add3A_301] : memref<33792xf32, #tpu.memory_space<vmem>>[vector<16xi32>], vector<16xf32>,
        %gt3A_303 = arith.cmpf ogt, %gather3A_302, %select_n3A_292 : vector<16xf32>
        %select_n3A_304 = arith.select %gt3A_303, %gather3A_302, %select_n3A_292 : vector<16xi1>, vector<16xf32>
        %jit3A_305 = arith.constant 4.000000e+00 : f32
        %broadcast_in_dim3A_306 = vector.broadcast %jit3A_305 : f32 to vector<16xf32>
        %select_n3A_307 = arith.select %gt3A_303, %broadcast_in_dim3A_306, %select_n3A_295 : vector<16xi1>, vector<16xf32>
        %add3A_308 = arith.constant 18 : i32
        %add3A_309 = vector.broadcast %add3A_308 : i32 to vector<16xi32>
        %add3A_310 = arith.addi %mul3A_89, %add3A_309 : vector<16xi32>
        %add3A_311 = arith.constant 5 : i32
        %add3A_312 = vector.broadcast %add3A_311 : i32 to vector<16xi32>
        %add3A_313 = arith.addi %add3A_310, %add3A_312 : vector<16xi32>
        %gather3A_314 = tpu.vector_load_idx %arg4[%add3A_313] : memref<33792xf32, #tpu.memory_space<vmem>>[vector<16xi32>], vector<16xf32>,
        %gt3A_315 = arith.cmpf ogt, %gather3A_314, %select_n3A_304 : vector<16xf32>
        %select_n3A_316 = arith.select %gt3A_315, %gather3A_314, %select_n3A_304 : vector<16xi1>, vector<16xf32>
        %jit3A_317 = arith.constant 5.000000e+00 : f32
        %broadcast_in_dim3A_318 = vector.broadcast %jit3A_317 : f32 to vector<16xf32>
        %select_n3A_319 = arith.select %gt3A_315, %broadcast_in_dim3A_318, %select_n3A_307 : vector<16xi1>, vector<16xf32>
        %add3A_320 = arith.constant 18 : i32
        %add3A_321 = vector.broadcast %add3A_320 : i32 to vector<16xi32>
        %add3A_322 = arith.addi %mul3A_89, %add3A_321 : vector<16xi32>
        %add3A_323 = arith.constant 6 : i32
        %add3A_324 = vector.broadcast %add3A_323 : i32 to vector<16xi32>
        %add3A_325 = arith.addi %add3A_322, %add3A_324 : vector<16xi32>
        %gather3A_326 = tpu.vector_load_idx %arg4[%add3A_325] : memref<33792xf32, #tpu.memory_space<vmem>>[vector<16xi32>], vector<16xf32>,
        %gt3A_327 = arith.cmpf ogt, %gather3A_326, %select_n3A_316 : vector<16xf32>
        %select_n3A_328 = arith.select %gt3A_327, %gather3A_326, %select_n3A_316 : vector<16xi1>, vector<16xf32>
        %jit3A_329 = arith.constant 6.000000e+00 : f32
        %broadcast_in_dim3A_330 = vector.broadcast %jit3A_329 : f32 to vector<16xf32>
        %select_n3A_331 = arith.select %gt3A_327, %broadcast_in_dim3A_330, %select_n3A_319 : vector<16xi1>, vector<16xf32>
        %add3A_332 = arith.constant 18 : i32
        %add3A_333 = vector.broadcast %add3A_332 : i32 to vector<16xi32>
        %add3A_334 = arith.addi %mul3A_89, %add3A_333 : vector<16xi32>
        %add3A_335 = arith.constant 7 : i32
        %add3A_336 = vector.broadcast %add3A_335 : i32 to vector<16xi32>
        %add3A_337 = arith.addi %add3A_334, %add3A_336 : vector<16xi32>
        %gather3A_338 = tpu.vector_load_idx %arg4[%add3A_337] : memref<33792xf32, #tpu.memory_space<vmem>>[vector<16xi32>], vector<16xf32>,
        %gt3A_339 = arith.cmpf ogt, %gather3A_338, %select_n3A_328 : vector<16xf32>
        %select_n3A_340 = arith.select %gt3A_339, %gather3A_338, %select_n3A_328 : vector<16xi1>, vector<16xf32>
        %jit3A_341 = arith.constant 7.000000e+00 : f32
        %broadcast_in_dim3A_342 = vector.broadcast %jit3A_341 : f32 to vector<16xf32>
        %select_n3A_343 = arith.select %gt3A_339, %broadcast_in_dim3A_342, %select_n3A_331 : vector<16xi1>, vector<16xf32>
        %add3A_344 = arith.constant 18 : i32
        %add3A_345 = vector.broadcast %add3A_344 : i32 to vector<16xi32>
        %add3A_346 = arith.addi %mul3A_89, %add3A_345 : vector<16xi32>
        %add3A_347 = arith.constant 8 : i32
        %add3A_348 = vector.broadcast %add3A_347 : i32 to vector<16xi32>
        %add3A_349 = arith.addi %add3A_346, %add3A_348 : vector<16xi32>
        %gather3A_350 = tpu.vector_load_idx %arg4[%add3A_349] : memref<33792xf32, #tpu.memory_space<vmem>>[vector<16xi32>], vector<16xf32>,
        %gt3A_351 = arith.cmpf ogt, %gather3A_350, %select_n3A_340 : vector<16xf32>
        %select_n3A_352 = arith.select %gt3A_351, %gather3A_350, %select_n3A_340 : vector<16xi1>, vector<16xf32>
        %jit3A_353 = arith.constant 8.000000e+00 : f32
        %broadcast_in_dim3A_354 = vector.broadcast %jit3A_353 : f32 to vector<16xf32>
        %select_n3A_355 = arith.select %gt3A_351, %broadcast_in_dim3A_354, %select_n3A_343 : vector<16xi1>, vector<16xf32>
        %add3A_356 = arith.constant 18 : i32
        %add3A_357 = vector.broadcast %add3A_356 : i32 to vector<16xi32>
        %add3A_358 = arith.addi %mul3A_89, %add3A_357 : vector<16xi32>
        %add3A_359 = arith.constant 9 : i32
        %add3A_360 = vector.broadcast %add3A_359 : i32 to vector<16xi32>
        %add3A_361 = arith.addi %add3A_358, %add3A_360 : vector<16xi32>
        %gather3A_362 = tpu.vector_load_idx %arg4[%add3A_361] : memref<33792xf32, #tpu.memory_space<vmem>>[vector<16xi32>], vector<16xf32>,
        %gt3A_363 = arith.cmpf ogt, %gather3A_362, %select_n3A_352 : vector<16xf32>
        %select_n3A_364 = arith.select %gt3A_363, %gather3A_362, %select_n3A_352 : vector<16xi1>, vector<16xf32>
        %jit3A_365 = arith.constant 9.000000e+00 : f32
        %broadcast_in_dim3A_366 = vector.broadcast %jit3A_365 : f32 to vector<16xf32>
        %select_n3A_367 = arith.select %gt3A_363, %broadcast_in_dim3A_366, %select_n3A_355 : vector<16xi1>, vector<16xf32>
        %add3A_368 = arith.constant 18 : i32
        %add3A_369 = vector.broadcast %add3A_368 : i32 to vector<16xi32>
        %add3A_370 = arith.addi %mul3A_89, %add3A_369 : vector<16xi32>
        %add3A_371 = arith.constant 10 : i32
        %add3A_372 = vector.broadcast %add3A_371 : i32 to vector<16xi32>
        %add3A_373 = arith.addi %add3A_370, %add3A_372 : vector<16xi32>
        %gather3A_374 = tpu.vector_load_idx %arg4[%add3A_373] : memref<33792xf32, #tpu.memory_space<vmem>>[vector<16xi32>], vector<16xf32>,
        %gt3A_375 = arith.cmpf ogt, %gather3A_374, %select_n3A_364 : vector<16xf32>
        %select_n3A_376 = arith.select %gt3A_375, %gather3A_374, %select_n3A_364 : vector<16xi1>, vector<16xf32>
        %jit3A_377 = arith.constant 1.000000e+01 : f32
        %broadcast_in_dim3A_378 = vector.broadcast %jit3A_377 : f32 to vector<16xf32>
        %select_n3A_379 = arith.select %gt3A_375, %broadcast_in_dim3A_378, %select_n3A_367 : vector<16xi1>, vector<16xf32>
        %add3A_380 = arith.constant 18 : i32
        %add3A_381 = vector.broadcast %add3A_380 : i32 to vector<16xi32>
        %add3A_382 = arith.addi %mul3A_89, %add3A_381 : vector<16xi32>
        %add3A_383 = arith.constant 11 : i32
        %add3A_384 = vector.broadcast %add3A_383 : i32 to vector<16xi32>
        %add3A_385 = arith.addi %add3A_382, %add3A_384 : vector<16xi32>
        %gather3A_386 = tpu.vector_load_idx %arg4[%add3A_385] : memref<33792xf32, #tpu.memory_space<vmem>>[vector<16xi32>], vector<16xf32>,
        %gt3A_387 = arith.cmpf ogt, %gather3A_386, %select_n3A_376 : vector<16xf32>
        %select_n3A_388 = arith.select %gt3A_387, %gather3A_386, %select_n3A_376 : vector<16xi1>, vector<16xf32>
        %jit3A_389 = arith.constant 1.100000e+01 : f32
        %broadcast_in_dim3A_390 = vector.broadcast %jit3A_389 : f32 to vector<16xf32>
        %select_n3A_391 = arith.select %gt3A_387, %broadcast_in_dim3A_390, %select_n3A_379 : vector<16xi1>, vector<16xf32>
        %add3A_392 = arith.constant 18 : i32
        %add3A_393 = vector.broadcast %add3A_392 : i32 to vector<16xi32>
        %add3A_394 = arith.addi %mul3A_89, %add3A_393 : vector<16xi32>
        %add3A_395 = arith.constant 12 : i32
        %add3A_396 = vector.broadcast %add3A_395 : i32 to vector<16xi32>
        %add3A_397 = arith.addi %add3A_394, %add3A_396 : vector<16xi32>
        %gather3A_398 = tpu.vector_load_idx %arg4[%add3A_397] : memref<33792xf32, #tpu.memory_space<vmem>>[vector<16xi32>], vector<16xf32>,
        %gt3A_399 = arith.cmpf ogt, %gather3A_398, %select_n3A_388 : vector<16xf32>
        %select_n3A_400 = arith.select %gt3A_399, %gather3A_398, %select_n3A_388 : vector<16xi1>, vector<16xf32>
        %jit3A_401 = arith.constant 1.200000e+01 : f32
        %broadcast_in_dim3A_402 = vector.broadcast %jit3A_401 : f32 to vector<16xf32>
        %select_n3A_403 = arith.select %gt3A_399, %broadcast_in_dim3A_402, %select_n3A_391 : vector<16xi1>, vector<16xf32>
        %add3A_404 = arith.constant 18 : i32
        %add3A_405 = vector.broadcast %add3A_404 : i32 to vector<16xi32>
        %add3A_406 = arith.addi %mul3A_89, %add3A_405 : vector<16xi32>
        %add3A_407 = arith.constant 13 : i32
        %add3A_408 = vector.broadcast %add3A_407 : i32 to vector<16xi32>
        %add3A_409 = arith.addi %add3A_406, %add3A_408 : vector<16xi32>
        %gather3A_410 = tpu.vector_load_idx %arg4[%add3A_409] : memref<33792xf32, #tpu.memory_space<vmem>>[vector<16xi32>], vector<16xf32>,
        %gt3A_411 = arith.cmpf ogt, %gather3A_410, %select_n3A_400 : vector<16xf32>
        %select_n3A_412 = arith.select %gt3A_411, %gather3A_410, %select_n3A_400 : vector<16xi1>, vector<16xf32>
        %jit3A_413 = arith.constant 1.300000e+01 : f32
        %broadcast_in_dim3A_414 = vector.broadcast %jit3A_413 : f32 to vector<16xf32>
        %select_n3A_415 = arith.select %gt3A_411, %broadcast_in_dim3A_414, %select_n3A_403 : vector<16xi1>, vector<16xf32>
        %add3A_416 = arith.constant 18 : i32
        %add3A_417 = vector.broadcast %add3A_416 : i32 to vector<16xi32>
        %add3A_418 = arith.addi %mul3A_89, %add3A_417 : vector<16xi32>
        %add3A_419 = arith.constant 14 : i32
        %add3A_420 = vector.broadcast %add3A_419 : i32 to vector<16xi32>
        %add3A_421 = arith.addi %add3A_418, %add3A_420 : vector<16xi32>
        %gather3A_422 = tpu.vector_load_idx %arg4[%add3A_421] : memref<33792xf32, #tpu.memory_space<vmem>>[vector<16xi32>], vector<16xf32>,
        %gt3A_423 = arith.cmpf ogt, %gather3A_422, %select_n3A_412 : vector<16xf32>
        %select_n3A_424 = arith.select %gt3A_423, %gather3A_422, %select_n3A_412 : vector<16xi1>, vector<16xf32>
        %jit3A_425 = arith.constant 1.400000e+01 : f32
        %broadcast_in_dim3A_426 = vector.broadcast %jit3A_425 : f32 to vector<16xf32>
        %select_n3A_427 = arith.select %gt3A_423, %broadcast_in_dim3A_426, %select_n3A_415 : vector<16xi1>, vector<16xf32>
        %add3A_428 = arith.constant 18 : i32
        %add3A_429 = vector.broadcast %add3A_428 : i32 to vector<16xi32>
        %add3A_430 = arith.addi %mul3A_89, %add3A_429 : vector<16xi32>
        %add3A_431 = arith.constant 15 : i32
        %add3A_432 = vector.broadcast %add3A_431 : i32 to vector<16xi32>
        %add3A_433 = arith.addi %add3A_430, %add3A_432 : vector<16xi32>
        %gather3A_434 = tpu.vector_load_idx %arg4[%add3A_433] : memref<33792xf32, #tpu.memory_space<vmem>>[vector<16xi32>], vector<16xf32>,
        %gt3A_435 = arith.cmpf ogt, %gather3A_434, %select_n3A_424 : vector<16xf32>
        %select_n3A_436 = arith.select %gt3A_435, %gather3A_434, %select_n3A_424 : vector<16xi1>, vector<16xf32>
        %jit3A_437 = arith.constant 1.500000e+01 : f32
        %broadcast_in_dim3A_438 = vector.broadcast %jit3A_437 : f32 to vector<16xf32>
        %select_n3A_439 = arith.select %gt3A_435, %broadcast_in_dim3A_438, %select_n3A_427 : vector<16xi1>, vector<16xf32>
        %add3A_440 = arith.constant 10 : i32
        %add3A_441 = vector.broadcast %add3A_440 : i32 to vector<16xi32>
        %add3A_442 = arith.addi %mul3A_92, %add3A_441 : vector<16xi32>
        %add3A_443 = arith.constant 1 : i32
        %add3A_444 = vector.broadcast %add3A_443 : i32 to vector<16xi32>
        %add3A_445 = arith.addi %add3A_442, %add3A_444 : vector<16xi32>
        tpu.vector_store_idx %arg6[%add3A_445], %select_n3A_439 : memref<6656xf32, #tpu.memory_space<vmem>>[vector<16xi32>], vector<16xf32>,
        %add3A_446 = arith.constant 34 : i32
        %add3A_447 = vector.broadcast %add3A_446 : i32 to vector<16xi32>
        %add3A_448 = arith.addi %mul3A_89, %add3A_447 : vector<16xi32>
        %gather3A_449 = tpu.vector_load_idx %arg4[%add3A_448] : memref<33792xf32, #tpu.memory_space<vmem>>[vector<16xi32>], vector<16xf32>,
        %broadcast_in_dim3A_450 = arith.constant 0.000000e+00 : f32
        %broadcast_in_dim3A_451 = vector.broadcast %broadcast_in_dim3A_450 : f32 to vector<16xf32>
        %add3A_452 = arith.constant 34 : i32
        %add3A_453 = vector.broadcast %add3A_452 : i32 to vector<16xi32>
        %add3A_454 = arith.addi %mul3A_89, %add3A_453 : vector<16xi32>
        %add3A_455 = arith.constant 1 : i32
        %add3A_456 = vector.broadcast %add3A_455 : i32 to vector<16xi32>
        %add3A_457 = arith.addi %add3A_454, %add3A_456 : vector<16xi32>
        %gather3A_458 = tpu.vector_load_idx %arg4[%add3A_457] : memref<33792xf32, #tpu.memory_space<vmem>>[vector<16xi32>], vector<16xf32>,
        %gt3A_459 = arith.cmpf ogt, %gather3A_458, %gather3A_449 : vector<16xf32>
        %select_n3A_460 = arith.select %gt3A_459, %gather3A_458, %gather3A_449 : vector<16xi1>, vector<16xf32>
        %jit3A_461 = arith.constant 1.000000e+00 : f32
        %broadcast_in_dim3A_462 = vector.broadcast %jit3A_461 : f32 to vector<16xf32>
        %select_n3A_463 = arith.select %gt3A_459, %broadcast_in_dim3A_462, %broadcast_in_dim3A_451 : vector<16xi1>, vector<16xf32>
        %add3A_464 = arith.constant 34 : i32
        %add3A_465 = vector.broadcast %add3A_464 : i32 to vector<16xi32>
        %add3A_466 = arith.addi %mul3A_89, %add3A_465 : vector<16xi32>
        %add3A_467 = arith.constant 2 : i32
        %add3A_468 = vector.broadcast %add3A_467 : i32 to vector<16xi32>
        %add3A_469 = arith.addi %add3A_466, %add3A_468 : vector<16xi32>
        %gather3A_470 = tpu.vector_load_idx %arg4[%add3A_469] : memref<33792xf32, #tpu.memory_space<vmem>>[vector<16xi32>], vector<16xf32>,
        %gt3A_471 = arith.cmpf ogt, %gather3A_470, %select_n3A_460 : vector<16xf32>
        %select_n3A_472 = arith.select %gt3A_471, %gather3A_470, %select_n3A_460 : vector<16xi1>, vector<16xf32>
        %jit3A_473 = arith.constant 2.000000e+00 : f32
        %broadcast_in_dim3A_474 = vector.broadcast %jit3A_473 : f32 to vector<16xf32>
        %select_n3A_475 = arith.select %gt3A_471, %broadcast_in_dim3A_474, %select_n3A_463 : vector<16xi1>, vector<16xf32>
        %add3A_476 = arith.constant 34 : i32
        %add3A_477 = vector.broadcast %add3A_476 : i32 to vector<16xi32>
        %add3A_478 = arith.addi %mul3A_89, %add3A_477 : vector<16xi32>
        %add3A_479 = arith.constant 3 : i32
        %add3A_480 = vector.broadcast %add3A_479 : i32 to vector<16xi32>
        %add3A_481 = arith.addi %add3A_478, %add3A_480 : vector<16xi32>
        %gather3A_482 = tpu.vector_load_idx %arg4[%add3A_481] : memref<33792xf32, #tpu.memory_space<vmem>>[vector<16xi32>], vector<16xf32>,
        %gt3A_483 = arith.cmpf ogt, %gather3A_482, %select_n3A_472 : vector<16xf32>
        %select_n3A_484 = arith.select %gt3A_483, %gather3A_482, %select_n3A_472 : vector<16xi1>, vector<16xf32>
        %jit3A_485 = arith.constant 3.000000e+00 : f32
        %broadcast_in_dim3A_486 = vector.broadcast %jit3A_485 : f32 to vector<16xf32>
        %select_n3A_487 = arith.select %gt3A_483, %broadcast_in_dim3A_486, %select_n3A_475 : vector<16xi1>, vector<16xf32>
        %add3A_488 = arith.constant 34 : i32
        %add3A_489 = vector.broadcast %add3A_488 : i32 to vector<16xi32>
        %add3A_490 = arith.addi %mul3A_89, %add3A_489 : vector<16xi32>
        %add3A_491 = arith.constant 4 : i32
        %add3A_492 = vector.broadcast %add3A_491 : i32 to vector<16xi32>
        %add3A_493 = arith.addi %add3A_490, %add3A_492 : vector<16xi32>
        %gather3A_494 = tpu.vector_load_idx %arg4[%add3A_493] : memref<33792xf32, #tpu.memory_space<vmem>>[vector<16xi32>], vector<16xf32>,
        %gt3A_495 = arith.cmpf ogt, %gather3A_494, %select_n3A_484 : vector<16xf32>
        %select_n3A_496 = arith.select %gt3A_495, %gather3A_494, %select_n3A_484 : vector<16xi1>, vector<16xf32>
        %jit3A_497 = arith.constant 4.000000e+00 : f32
        %broadcast_in_dim3A_498 = vector.broadcast %jit3A_497 : f32 to vector<16xf32>
        %select_n3A_499 = arith.select %gt3A_495, %broadcast_in_dim3A_498, %select_n3A_487 : vector<16xi1>, vector<16xf32>
        %add3A_500 = arith.constant 34 : i32
        %add3A_501 = vector.broadcast %add3A_500 : i32 to vector<16xi32>
        %add3A_502 = arith.addi %mul3A_89, %add3A_501 : vector<16xi32>
        %add3A_503 = arith.constant 5 : i32
        %add3A_504 = vector.broadcast %add3A_503 : i32 to vector<16xi32>
        %add3A_505 = arith.addi %add3A_502, %add3A_504 : vector<16xi32>
        %gather3A_506 = tpu.vector_load_idx %arg4[%add3A_505] : memref<33792xf32, #tpu.memory_space<vmem>>[vector<16xi32>], vector<16xf32>,
        %gt3A_507 = arith.cmpf ogt, %gather3A_506, %select_n3A_496 : vector<16xf32>
        %select_n3A_508 = arith.select %gt3A_507, %gather3A_506, %select_n3A_496 : vector<16xi1>, vector<16xf32>
        %jit3A_509 = arith.constant 5.000000e+00 : f32
        %broadcast_in_dim3A_510 = vector.broadcast %jit3A_509 : f32 to vector<16xf32>
        %select_n3A_511 = arith.select %gt3A_507, %broadcast_in_dim3A_510, %select_n3A_499 : vector<16xi1>, vector<16xf32>
        %add3A_512 = arith.constant 34 : i32
        %add3A_513 = vector.broadcast %add3A_512 : i32 to vector<16xi32>
        %add3A_514 = arith.addi %mul3A_89, %add3A_513 : vector<16xi32>
        %add3A_515 = arith.constant 6 : i32
        %add3A_516 = vector.broadcast %add3A_515 : i32 to vector<16xi32>
        %add3A_517 = arith.addi %add3A_514, %add3A_516 : vector<16xi32>
        %gather3A_518 = tpu.vector_load_idx %arg4[%add3A_517] : memref<33792xf32, #tpu.memory_space<vmem>>[vector<16xi32>], vector<16xf32>,
        %gt3A_519 = arith.cmpf ogt, %gather3A_518, %select_n3A_508 : vector<16xf32>
        %select_n3A_520 = arith.select %gt3A_519, %gather3A_518, %select_n3A_508 : vector<16xi1>, vector<16xf32>
        %jit3A_521 = arith.constant 6.000000e+00 : f32
        %broadcast_in_dim3A_522 = vector.broadcast %jit3A_521 : f32 to vector<16xf32>
        %select_n3A_523 = arith.select %gt3A_519, %broadcast_in_dim3A_522, %select_n3A_511 : vector<16xi1>, vector<16xf32>
        %add3A_524 = arith.constant 34 : i32
        %add3A_525 = vector.broadcast %add3A_524 : i32 to vector<16xi32>
        %add3A_526 = arith.addi %mul3A_89, %add3A_525 : vector<16xi32>
        %add3A_527 = arith.constant 7 : i32
        %add3A_528 = vector.broadcast %add3A_527 : i32 to vector<16xi32>
        %add3A_529 = arith.addi %add3A_526, %add3A_528 : vector<16xi32>
        %gather3A_530 = tpu.vector_load_idx %arg4[%add3A_529] : memref<33792xf32, #tpu.memory_space<vmem>>[vector<16xi32>], vector<16xf32>,
        %gt3A_531 = arith.cmpf ogt, %gather3A_530, %select_n3A_520 : vector<16xf32>
        %select_n3A_532 = arith.select %gt3A_531, %gather3A_530, %select_n3A_520 : vector<16xi1>, vector<16xf32>
        %jit3A_533 = arith.constant 7.000000e+00 : f32
        %broadcast_in_dim3A_534 = vector.broadcast %jit3A_533 : f32 to vector<16xf32>
        %select_n3A_535 = arith.select %gt3A_531, %broadcast_in_dim3A_534, %select_n3A_523 : vector<16xi1>, vector<16xf32>
        %add3A_536 = arith.constant 34 : i32
        %add3A_537 = vector.broadcast %add3A_536 : i32 to vector<16xi32>
        %add3A_538 = arith.addi %mul3A_89, %add3A_537 : vector<16xi32>
        %add3A_539 = arith.constant 8 : i32
        %add3A_540 = vector.broadcast %add3A_539 : i32 to vector<16xi32>
        %add3A_541 = arith.addi %add3A_538, %add3A_540 : vector<16xi32>
        %gather3A_542 = tpu.vector_load_idx %arg4[%add3A_541] : memref<33792xf32, #tpu.memory_space<vmem>>[vector<16xi32>], vector<16xf32>,
        %gt3A_543 = arith.cmpf ogt, %gather3A_542, %select_n3A_532 : vector<16xf32>
        %select_n3A_544 = arith.select %gt3A_543, %gather3A_542, %select_n3A_532 : vector<16xi1>, vector<16xf32>
        %jit3A_545 = arith.constant 8.000000e+00 : f32
        %broadcast_in_dim3A_546 = vector.broadcast %jit3A_545 : f32 to vector<16xf32>
        %select_n3A_547 = arith.select %gt3A_543, %broadcast_in_dim3A_546, %select_n3A_535 : vector<16xi1>, vector<16xf32>
        %add3A_548 = arith.constant 34 : i32
        %add3A_549 = vector.broadcast %add3A_548 : i32 to vector<16xi32>
        %add3A_550 = arith.addi %mul3A_89, %add3A_549 : vector<16xi32>
        %add3A_551 = arith.constant 9 : i32
        %add3A_552 = vector.broadcast %add3A_551 : i32 to vector<16xi32>
        %add3A_553 = arith.addi %add3A_550, %add3A_552 : vector<16xi32>
        %gather3A_554 = tpu.vector_load_idx %arg4[%add3A_553] : memref<33792xf32, #tpu.memory_space<vmem>>[vector<16xi32>], vector<16xf32>,
        %gt3A_555 = arith.cmpf ogt, %gather3A_554, %select_n3A_544 : vector<16xf32>
        %select_n3A_556 = arith.select %gt3A_555, %gather3A_554, %select_n3A_544 : vector<16xi1>, vector<16xf32>
        %jit3A_557 = arith.constant 9.000000e+00 : f32
        %broadcast_in_dim3A_558 = vector.broadcast %jit3A_557 : f32 to vector<16xf32>
        %select_n3A_559 = arith.select %gt3A_555, %broadcast_in_dim3A_558, %select_n3A_547 : vector<16xi1>, vector<16xf32>
        %add3A_560 = arith.constant 34 : i32
        %add3A_561 = vector.broadcast %add3A_560 : i32 to vector<16xi32>
        %add3A_562 = arith.addi %mul3A_89, %add3A_561 : vector<16xi32>
        %add3A_563 = arith.constant 10 : i32
        %add3A_564 = vector.broadcast %add3A_563 : i32 to vector<16xi32>
        %add3A_565 = arith.addi %add3A_562, %add3A_564 : vector<16xi32>
        %gather3A_566 = tpu.vector_load_idx %arg4[%add3A_565] : memref<33792xf32, #tpu.memory_space<vmem>>[vector<16xi32>], vector<16xf32>,
        %gt3A_567 = arith.cmpf ogt, %gather3A_566, %select_n3A_556 : vector<16xf32>
        %select_n3A_568 = arith.select %gt3A_567, %gather3A_566, %select_n3A_556 : vector<16xi1>, vector<16xf32>
        %jit3A_569 = arith.constant 1.000000e+01 : f32
        %broadcast_in_dim3A_570 = vector.broadcast %jit3A_569 : f32 to vector<16xf32>
        %select_n3A_571 = arith.select %gt3A_567, %broadcast_in_dim3A_570, %select_n3A_559 : vector<16xi1>, vector<16xf32>
        %add3A_572 = arith.constant 34 : i32
        %add3A_573 = vector.broadcast %add3A_572 : i32 to vector<16xi32>
        %add3A_574 = arith.addi %mul3A_89, %add3A_573 : vector<16xi32>
        %add3A_575 = arith.constant 11 : i32
        %add3A_576 = vector.broadcast %add3A_575 : i32 to vector<16xi32>
        %add3A_577 = arith.addi %add3A_574, %add3A_576 : vector<16xi32>
        %gather3A_578 = tpu.vector_load_idx %arg4[%add3A_577] : memref<33792xf32, #tpu.memory_space<vmem>>[vector<16xi32>], vector<16xf32>,
        %gt3A_579 = arith.cmpf ogt, %gather3A_578, %select_n3A_568 : vector<16xf32>
        %select_n3A_580 = arith.select %gt3A_579, %gather3A_578, %select_n3A_568 : vector<16xi1>, vector<16xf32>
        %jit3A_581 = arith.constant 1.100000e+01 : f32
        %broadcast_in_dim3A_582 = vector.broadcast %jit3A_581 : f32 to vector<16xf32>
        %select_n3A_583 = arith.select %gt3A_579, %broadcast_in_dim3A_582, %select_n3A_571 : vector<16xi1>, vector<16xf32>
        %add3A_584 = arith.constant 34 : i32
        %add3A_585 = vector.broadcast %add3A_584 : i32 to vector<16xi32>
        %add3A_586 = arith.addi %mul3A_89, %add3A_585 : vector<16xi32>
        %add3A_587 = arith.constant 12 : i32
        %add3A_588 = vector.broadcast %add3A_587 : i32 to vector<16xi32>
        %add3A_589 = arith.addi %add3A_586, %add3A_588 : vector<16xi32>
        %gather3A_590 = tpu.vector_load_idx %arg4[%add3A_589] : memref<33792xf32, #tpu.memory_space<vmem>>[vector<16xi32>], vector<16xf32>,
        %gt3A_591 = arith.cmpf ogt, %gather3A_590, %select_n3A_580 : vector<16xf32>
        %select_n3A_592 = arith.select %gt3A_591, %gather3A_590, %select_n3A_580 : vector<16xi1>, vector<16xf32>
        %jit3A_593 = arith.constant 1.200000e+01 : f32
        %broadcast_in_dim3A_594 = vector.broadcast %jit3A_593 : f32 to vector<16xf32>
        %select_n3A_595 = arith.select %gt3A_591, %broadcast_in_dim3A_594, %select_n3A_583 : vector<16xi1>, vector<16xf32>
        %add3A_596 = arith.constant 34 : i32
        %add3A_597 = vector.broadcast %add3A_596 : i32 to vector<16xi32>
        %add3A_598 = arith.addi %mul3A_89, %add3A_597 : vector<16xi32>
        %add3A_599 = arith.constant 13 : i32
        %add3A_600 = vector.broadcast %add3A_599 : i32 to vector<16xi32>
        %add3A_601 = arith.addi %add3A_598, %add3A_600 : vector<16xi32>
        %gather3A_602 = tpu.vector_load_idx %arg4[%add3A_601] : memref<33792xf32, #tpu.memory_space<vmem>>[vector<16xi32>], vector<16xf32>,
        %gt3A_603 = arith.cmpf ogt, %gather3A_602, %select_n3A_592 : vector<16xf32>
        %select_n3A_604 = arith.select %gt3A_603, %gather3A_602, %select_n3A_592 : vector<16xi1>, vector<16xf32>
        %jit3A_605 = arith.constant 1.300000e+01 : f32
        %broadcast_in_dim3A_606 = vector.broadcast %jit3A_605 : f32 to vector<16xf32>
        %select_n3A_607 = arith.select %gt3A_603, %broadcast_in_dim3A_606, %select_n3A_595 : vector<16xi1>, vector<16xf32>
        %add3A_608 = arith.constant 34 : i32
        %add3A_609 = vector.broadcast %add3A_608 : i32 to vector<16xi32>
        %add3A_610 = arith.addi %mul3A_89, %add3A_609 : vector<16xi32>
        %add3A_611 = arith.constant 14 : i32
        %add3A_612 = vector.broadcast %add3A_611 : i32 to vector<16xi32>
        %add3A_613 = arith.addi %add3A_610, %add3A_612 : vector<16xi32>
        %gather3A_614 = tpu.vector_load_idx %arg4[%add3A_613] : memref<33792xf32, #tpu.memory_space<vmem>>[vector<16xi32>], vector<16xf32>,
        %gt3A_615 = arith.cmpf ogt, %gather3A_614, %select_n3A_604 : vector<16xf32>
        %select_n3A_616 = arith.select %gt3A_615, %gather3A_614, %select_n3A_604 : vector<16xi1>, vector<16xf32>
        %jit3A_617 = arith.constant 1.400000e+01 : f32
        %broadcast_in_dim3A_618 = vector.broadcast %jit3A_617 : f32 to vector<16xf32>
        %select_n3A_619 = arith.select %gt3A_615, %broadcast_in_dim3A_618, %select_n3A_607 : vector<16xi1>, vector<16xf32>
        %add3A_620 = arith.constant 34 : i32
        %add3A_621 = vector.broadcast %add3A_620 : i32 to vector<16xi32>
        %add3A_622 = arith.addi %mul3A_89, %add3A_621 : vector<16xi32>
        %add3A_623 = arith.constant 15 : i32
        %add3A_624 = vector.broadcast %add3A_623 : i32 to vector<16xi32>
        %add3A_625 = arith.addi %add3A_622, %add3A_624 : vector<16xi32>
        %gather3A_626 = tpu.vector_load_idx %arg4[%add3A_625] : memref<33792xf32, #tpu.memory_space<vmem>>[vector<16xi32>], vector<16xf32>,
        %gt3A_627 = arith.cmpf ogt, %gather3A_626, %select_n3A_616 : vector<16xf32>
        %select_n3A_628 = arith.select %gt3A_627, %gather3A_626, %select_n3A_616 : vector<16xi1>, vector<16xf32>
        %jit3A_629 = arith.constant 1.500000e+01 : f32
        %broadcast_in_dim3A_630 = vector.broadcast %jit3A_629 : f32 to vector<16xf32>
        %select_n3A_631 = arith.select %gt3A_627, %broadcast_in_dim3A_630, %select_n3A_619 : vector<16xi1>, vector<16xf32>
        %add3A_632 = arith.constant 34 : i32
        %add3A_633 = vector.broadcast %add3A_632 : i32 to vector<16xi32>
        %add3A_634 = arith.addi %mul3A_89, %add3A_633 : vector<16xi32>
        %add3A_635 = arith.constant 16 : i32
        %add3A_636 = vector.broadcast %add3A_635 : i32 to vector<16xi32>
        %add3A_637 = arith.addi %add3A_634, %add3A_636 : vector<16xi32>
        %gather3A_638 = tpu.vector_load_idx %arg4[%add3A_637] : memref<33792xf32, #tpu.memory_space<vmem>>[vector<16xi32>], vector<16xf32>,
        %gt3A_639 = arith.cmpf ogt, %gather3A_638, %select_n3A_628 : vector<16xf32>
        %select_n3A_640 = arith.select %gt3A_639, %gather3A_638, %select_n3A_628 : vector<16xi1>, vector<16xf32>
        %jit3A_641 = arith.constant 1.600000e+01 : f32
        %broadcast_in_dim3A_642 = vector.broadcast %jit3A_641 : f32 to vector<16xf32>
        %select_n3A_643 = arith.select %gt3A_639, %broadcast_in_dim3A_642, %select_n3A_631 : vector<16xi1>, vector<16xf32>
        %add3A_644 = arith.constant 34 : i32
        %add3A_645 = vector.broadcast %add3A_644 : i32 to vector<16xi32>
        %add3A_646 = arith.addi %mul3A_89, %add3A_645 : vector<16xi32>
        %add3A_647 = arith.constant 17 : i32
        %add3A_648 = vector.broadcast %add3A_647 : i32 to vector<16xi32>
        %add3A_649 = arith.addi %add3A_646, %add3A_648 : vector<16xi32>
        %gather3A_650 = tpu.vector_load_idx %arg4[%add3A_649] : memref<33792xf32, #tpu.memory_space<vmem>>[vector<16xi32>], vector<16xf32>,
        %gt3A_651 = arith.cmpf ogt, %gather3A_650, %select_n3A_640 : vector<16xf32>
        %select_n3A_652 = arith.select %gt3A_651, %gather3A_650, %select_n3A_640 : vector<16xi1>, vector<16xf32>
        %jit3A_653 = arith.constant 1.700000e+01 : f32
        %broadcast_in_dim3A_654 = vector.broadcast %jit3A_653 : f32 to vector<16xf32>
        %select_n3A_655 = arith.select %gt3A_651, %broadcast_in_dim3A_654, %select_n3A_643 : vector<16xi1>, vector<16xf32>
        %add3A_656 = arith.constant 34 : i32
        %add3A_657 = vector.broadcast %add3A_656 : i32 to vector<16xi32>
        %add3A_658 = arith.addi %mul3A_89, %add3A_657 : vector<16xi32>
        %add3A_659 = arith.constant 18 : i32
        %add3A_660 = vector.broadcast %add3A_659 : i32 to vector<16xi32>
        %add3A_661 = arith.addi %add3A_658, %add3A_660 : vector<16xi32>
        %gather3A_662 = tpu.vector_load_idx %arg4[%add3A_661] : memref<33792xf32, #tpu.memory_space<vmem>>[vector<16xi32>], vector<16xf32>,
        %gt3A_663 = arith.cmpf ogt, %gather3A_662, %select_n3A_652 : vector<16xf32>
        %select_n3A_664 = arith.select %gt3A_663, %gather3A_662, %select_n3A_652 : vector<16xi1>, vector<16xf32>
        %jit3A_665 = arith.constant 1.800000e+01 : f32
        %broadcast_in_dim3A_666 = vector.broadcast %jit3A_665 : f32 to vector<16xf32>
        %select_n3A_667 = arith.select %gt3A_663, %broadcast_in_dim3A_666, %select_n3A_655 : vector<16xi1>, vector<16xf32>
        %add3A_668 = arith.constant 34 : i32
        %add3A_669 = vector.broadcast %add3A_668 : i32 to vector<16xi32>
        %add3A_670 = arith.addi %mul3A_89, %add3A_669 : vector<16xi32>
        %add3A_671 = arith.constant 19 : i32
        %add3A_672 = vector.broadcast %add3A_671 : i32 to vector<16xi32>
        %add3A_673 = arith.addi %add3A_670, %add3A_672 : vector<16xi32>
        %gather3A_674 = tpu.vector_load_idx %arg4[%add3A_673] : memref<33792xf32, #tpu.memory_space<vmem>>[vector<16xi32>], vector<16xf32>,
        %gt3A_675 = arith.cmpf ogt, %gather3A_674, %select_n3A_664 : vector<16xf32>
        %select_n3A_676 = arith.select %gt3A_675, %gather3A_674, %select_n3A_664 : vector<16xi1>, vector<16xf32>
        %jit3A_677 = arith.constant 1.900000e+01 : f32
        %broadcast_in_dim3A_678 = vector.broadcast %jit3A_677 : f32 to vector<16xf32>
        %select_n3A_679 = arith.select %gt3A_675, %broadcast_in_dim3A_678, %select_n3A_667 : vector<16xi1>, vector<16xf32>
        %add3A_680 = arith.constant 34 : i32
        %add3A_681 = vector.broadcast %add3A_680 : i32 to vector<16xi32>
        %add3A_682 = arith.addi %mul3A_89, %add3A_681 : vector<16xi32>
        %add3A_683 = arith.constant 20 : i32
        %add3A_684 = vector.broadcast %add3A_683 : i32 to vector<16xi32>
        %add3A_685 = arith.addi %add3A_682, %add3A_684 : vector<16xi32>
        %gather3A_686 = tpu.vector_load_idx %arg4[%add3A_685] : memref<33792xf32, #tpu.memory_space<vmem>>[vector<16xi32>], vector<16xf32>,
        %gt3A_687 = arith.cmpf ogt, %gather3A_686, %select_n3A_676 : vector<16xf32>
        %select_n3A_688 = arith.select %gt3A_687, %gather3A_686, %select_n3A_676 : vector<16xi1>, vector<16xf32>
        %jit3A_689 = arith.constant 2.000000e+01 : f32
        %broadcast_in_dim3A_690 = vector.broadcast %jit3A_689 : f32 to vector<16xf32>
        %select_n3A_691 = arith.select %gt3A_687, %broadcast_in_dim3A_690, %select_n3A_679 : vector<16xi1>, vector<16xf32>
        %add3A_692 = arith.constant 34 : i32
        %add3A_693 = vector.broadcast %add3A_692 : i32 to vector<16xi32>
        %add3A_694 = arith.addi %mul3A_89, %add3A_693 : vector<16xi32>
        %add3A_695 = arith.constant 21 : i32
        %add3A_696 = vector.broadcast %add3A_695 : i32 to vector<16xi32>
        %add3A_697 = arith.addi %add3A_694, %add3A_696 : vector<16xi32>
        %gather3A_698 = tpu.vector_load_idx %arg4[%add3A_697] : memref<33792xf32, #tpu.memory_space<vmem>>[vector<16xi32>], vector<16xf32>,
        %gt3A_699 = arith.cmpf ogt, %gather3A_698, %select_n3A_688 : vector<16xf32>
        %select_n3A_700 = arith.select %gt3A_699, %gather3A_698, %select_n3A_688 : vector<16xi1>, vector<16xf32>
        %jit3A_701 = arith.constant 2.100000e+01 : f32
        %broadcast_in_dim3A_702 = vector.broadcast %jit3A_701 : f32 to vector<16xf32>
        %select_n3A_703 = arith.select %gt3A_699, %broadcast_in_dim3A_702, %select_n3A_691 : vector<16xi1>, vector<16xf32>
        %add3A_704 = arith.constant 34 : i32
        %add3A_705 = vector.broadcast %add3A_704 : i32 to vector<16xi32>
        %add3A_706 = arith.addi %mul3A_89, %add3A_705 : vector<16xi32>
        %add3A_707 = arith.constant 22 : i32
        %add3A_708 = vector.broadcast %add3A_707 : i32 to vector<16xi32>
        %add3A_709 = arith.addi %add3A_706, %add3A_708 : vector<16xi32>
        %gather3A_710 = tpu.vector_load_idx %arg4[%add3A_709] : memref<33792xf32, #tpu.memory_space<vmem>>[vector<16xi32>], vector<16xf32>,
        %gt3A_711 = arith.cmpf ogt, %gather3A_710, %select_n3A_700 : vector<16xf32>
        %select_n3A_712 = arith.select %gt3A_711, %gather3A_710, %select_n3A_700 : vector<16xi1>, vector<16xf32>
        %jit3A_713 = arith.constant 2.200000e+01 : f32
        %broadcast_in_dim3A_714 = vector.broadcast %jit3A_713 : f32 to vector<16xf32>
        %select_n3A_715 = arith.select %gt3A_711, %broadcast_in_dim3A_714, %select_n3A_703 : vector<16xi1>, vector<16xf32>
        %add3A_716 = arith.constant 34 : i32
        %add3A_717 = vector.broadcast %add3A_716 : i32 to vector<16xi32>
        %add3A_718 = arith.addi %mul3A_89, %add3A_717 : vector<16xi32>
        %add3A_719 = arith.constant 23 : i32
        %add3A_720 = vector.broadcast %add3A_719 : i32 to vector<16xi32>
        %add3A_721 = arith.addi %add3A_718, %add3A_720 : vector<16xi32>
        %gather3A_722 = tpu.vector_load_idx %arg4[%add3A_721] : memref<33792xf32, #tpu.memory_space<vmem>>[vector<16xi32>], vector<16xf32>,
        %gt3A_723 = arith.cmpf ogt, %gather3A_722, %select_n3A_712 : vector<16xf32>
        %select_n3A_724 = arith.select %gt3A_723, %gather3A_722, %select_n3A_712 : vector<16xi1>, vector<16xf32>
        %jit3A_725 = arith.constant 2.300000e+01 : f32
        %broadcast_in_dim3A_726 = vector.broadcast %jit3A_725 : f32 to vector<16xf32>
        %select_n3A_727 = arith.select %gt3A_723, %broadcast_in_dim3A_726, %select_n3A_715 : vector<16xi1>, vector<16xf32>
        %add3A_728 = arith.constant 34 : i32
        %add3A_729 = vector.broadcast %add3A_728 : i32 to vector<16xi32>
        %add3A_730 = arith.addi %mul3A_89, %add3A_729 : vector<16xi32>
        %add3A_731 = arith.constant 24 : i32
        %add3A_732 = vector.broadcast %add3A_731 : i32 to vector<16xi32>
        %add3A_733 = arith.addi %add3A_730, %add3A_732 : vector<16xi32>
        %gather3A_734 = tpu.vector_load_idx %arg4[%add3A_733] : memref<33792xf32, #tpu.memory_space<vmem>>[vector<16xi32>], vector<16xf32>,
        %gt3A_735 = arith.cmpf ogt, %gather3A_734, %select_n3A_724 : vector<16xf32>
        %select_n3A_736 = arith.select %gt3A_735, %gather3A_734, %select_n3A_724 : vector<16xi1>, vector<16xf32>
        %jit3A_737 = arith.constant 2.400000e+01 : f32
        %broadcast_in_dim3A_738 = vector.broadcast %jit3A_737 : f32 to vector<16xf32>
        %select_n3A_739 = arith.select %gt3A_735, %broadcast_in_dim3A_738, %select_n3A_727 : vector<16xi1>, vector<16xf32>
        %add3A_740 = arith.constant 34 : i32
        %add3A_741 = vector.broadcast %add3A_740 : i32 to vector<16xi32>
        %add3A_742 = arith.addi %mul3A_89, %add3A_741 : vector<16xi32>
        %add3A_743 = arith.constant 25 : i32
        %add3A_744 = vector.broadcast %add3A_743 : i32 to vector<16xi32>
        %add3A_745 = arith.addi %add3A_742, %add3A_744 : vector<16xi32>
        %gather3A_746 = tpu.vector_load_idx %arg4[%add3A_745] : memref<33792xf32, #tpu.memory_space<vmem>>[vector<16xi32>], vector<16xf32>,
        %gt3A_747 = arith.cmpf ogt, %gather3A_746, %select_n3A_736 : vector<16xf32>
        %select_n3A_748 = arith.select %gt3A_747, %gather3A_746, %select_n3A_736 : vector<16xi1>, vector<16xf32>
        %jit3A_749 = arith.constant 2.500000e+01 : f32
        %broadcast_in_dim3A_750 = vector.broadcast %jit3A_749 : f32 to vector<16xf32>
        %select_n3A_751 = arith.select %gt3A_747, %broadcast_in_dim3A_750, %select_n3A_739 : vector<16xi1>, vector<16xf32>
        %add3A_752 = arith.constant 34 : i32
        %add3A_753 = vector.broadcast %add3A_752 : i32 to vector<16xi32>
        %add3A_754 = arith.addi %mul3A_89, %add3A_753 : vector<16xi32>
        %add3A_755 = arith.constant 26 : i32
        %add3A_756 = vector.broadcast %add3A_755 : i32 to vector<16xi32>
        %add3A_757 = arith.addi %add3A_754, %add3A_756 : vector<16xi32>
        %gather3A_758 = tpu.vector_load_idx %arg4[%add3A_757] : memref<33792xf32, #tpu.memory_space<vmem>>[vector<16xi32>], vector<16xf32>,
        %gt3A_759 = arith.cmpf ogt, %gather3A_758, %select_n3A_748 : vector<16xf32>
        %select_n3A_760 = arith.select %gt3A_759, %gather3A_758, %select_n3A_748 : vector<16xi1>, vector<16xf32>
        %jit3A_761 = arith.constant 2.600000e+01 : f32
        %broadcast_in_dim3A_762 = vector.broadcast %jit3A_761 : f32 to vector<16xf32>
        %select_n3A_763 = arith.select %gt3A_759, %broadcast_in_dim3A_762, %select_n3A_751 : vector<16xi1>, vector<16xf32>
        %add3A_764 = arith.constant 34 : i32
        %add3A_765 = vector.broadcast %add3A_764 : i32 to vector<16xi32>
        %add3A_766 = arith.addi %mul3A_89, %add3A_765 : vector<16xi32>
        %add3A_767 = arith.constant 27 : i32
        %add3A_768 = vector.broadcast %add3A_767 : i32 to vector<16xi32>
        %add3A_769 = arith.addi %add3A_766, %add3A_768 : vector<16xi32>
        %gather3A_770 = tpu.vector_load_idx %arg4[%add3A_769] : memref<33792xf32, #tpu.memory_space<vmem>>[vector<16xi32>], vector<16xf32>,
        %gt3A_771 = arith.cmpf ogt, %gather3A_770, %select_n3A_760 : vector<16xf32>
        %select_n3A_772 = arith.select %gt3A_771, %gather3A_770, %select_n3A_760 : vector<16xi1>, vector<16xf32>
        %jit3A_773 = arith.constant 2.700000e+01 : f32
        %broadcast_in_dim3A_774 = vector.broadcast %jit3A_773 : f32 to vector<16xf32>
        %select_n3A_775 = arith.select %gt3A_771, %broadcast_in_dim3A_774, %select_n3A_763 : vector<16xi1>, vector<16xf32>
        %add3A_776 = arith.constant 34 : i32
        %add3A_777 = vector.broadcast %add3A_776 : i32 to vector<16xi32>
        %add3A_778 = arith.addi %mul3A_89, %add3A_777 : vector<16xi32>
        %add3A_779 = arith.constant 28 : i32
        %add3A_780 = vector.broadcast %add3A_779 : i32 to vector<16xi32>
        %add3A_781 = arith.addi %add3A_778, %add3A_780 : vector<16xi32>
        %gather3A_782 = tpu.vector_load_idx %arg4[%add3A_781] : memref<33792xf32, #tpu.memory_space<vmem>>[vector<16xi32>], vector<16xf32>,
        %gt3A_783 = arith.cmpf ogt, %gather3A_782, %select_n3A_772 : vector<16xf32>
        %select_n3A_784 = arith.select %gt3A_783, %gather3A_782, %select_n3A_772 : vector<16xi1>, vector<16xf32>
        %jit3A_785 = arith.constant 2.800000e+01 : f32
        %broadcast_in_dim3A_786 = vector.broadcast %jit3A_785 : f32 to vector<16xf32>
        %select_n3A_787 = arith.select %gt3A_783, %broadcast_in_dim3A_786, %select_n3A_775 : vector<16xi1>, vector<16xf32>
        %add3A_788 = arith.constant 34 : i32
        %add3A_789 = vector.broadcast %add3A_788 : i32 to vector<16xi32>
        %add3A_790 = arith.addi %mul3A_89, %add3A_789 : vector<16xi32>
        %add3A_791 = arith.constant 29 : i32
        %add3A_792 = vector.broadcast %add3A_791 : i32 to vector<16xi32>
        %add3A_793 = arith.addi %add3A_790, %add3A_792 : vector<16xi32>
        %gather3A_794 = tpu.vector_load_idx %arg4[%add3A_793] : memref<33792xf32, #tpu.memory_space<vmem>>[vector<16xi32>], vector<16xf32>,
        %gt3A_795 = arith.cmpf ogt, %gather3A_794, %select_n3A_784 : vector<16xf32>
        %select_n3A_796 = arith.select %gt3A_795, %gather3A_794, %select_n3A_784 : vector<16xi1>, vector<16xf32>
        %jit3A_797 = arith.constant 2.900000e+01 : f32
        %broadcast_in_dim3A_798 = vector.broadcast %jit3A_797 : f32 to vector<16xf32>
        %select_n3A_799 = arith.select %gt3A_795, %broadcast_in_dim3A_798, %select_n3A_787 : vector<16xi1>, vector<16xf32>
        %add3A_800 = arith.constant 34 : i32
        %add3A_801 = vector.broadcast %add3A_800 : i32 to vector<16xi32>
        %add3A_802 = arith.addi %mul3A_89, %add3A_801 : vector<16xi32>
        %add3A_803 = arith.constant 30 : i32
        %add3A_804 = vector.broadcast %add3A_803 : i32 to vector<16xi32>
        %add3A_805 = arith.addi %add3A_802, %add3A_804 : vector<16xi32>
        %gather3A_806 = tpu.vector_load_idx %arg4[%add3A_805] : memref<33792xf32, #tpu.memory_space<vmem>>[vector<16xi32>], vector<16xf32>,
        %gt3A_807 = arith.cmpf ogt, %gather3A_806, %select_n3A_796 : vector<16xf32>
        %select_n3A_808 = arith.select %gt3A_807, %gather3A_806, %select_n3A_796 : vector<16xi1>, vector<16xf32>
        %jit3A_809 = arith.constant 3.000000e+01 : f32
        %broadcast_in_dim3A_810 = vector.broadcast %jit3A_809 : f32 to vector<16xf32>
        %select_n3A_811 = arith.select %gt3A_807, %broadcast_in_dim3A_810, %select_n3A_799 : vector<16xi1>, vector<16xf32>
        %add3A_812 = arith.constant 34 : i32
        %add3A_813 = vector.broadcast %add3A_812 : i32 to vector<16xi32>
        %add3A_814 = arith.addi %mul3A_89, %add3A_813 : vector<16xi32>
        %add3A_815 = arith.constant 31 : i32
        %add3A_816 = vector.broadcast %add3A_815 : i32 to vector<16xi32>
        %add3A_817 = arith.addi %add3A_814, %add3A_816 : vector<16xi32>
        %gather3A_818 = tpu.vector_load_idx %arg4[%add3A_817] : memref<33792xf32, #tpu.memory_space<vmem>>[vector<16xi32>], vector<16xf32>,
        %gt3A_819 = arith.cmpf ogt, %gather3A_818, %select_n3A_808 : vector<16xf32>
        %select_n3A_820 = arith.select %gt3A_819, %gather3A_818, %select_n3A_808 : vector<16xi1>, vector<16xf32>
        %jit3A_821 = arith.constant 3.100000e+01 : f32
        %broadcast_in_dim3A_822 = vector.broadcast %jit3A_821 : f32 to vector<16xf32>
        %select_n3A_823 = arith.select %gt3A_819, %broadcast_in_dim3A_822, %select_n3A_811 : vector<16xi1>, vector<16xf32>
        %add3A_824 = arith.constant 10 : i32
        %add3A_825 = vector.broadcast %add3A_824 : i32 to vector<16xi32>
        %add3A_826 = arith.addi %mul3A_92, %add3A_825 : vector<16xi32>
        %add3A_827 = arith.constant 2 : i32
        %add3A_828 = vector.broadcast %add3A_827 : i32 to vector<16xi32>
        %add3A_829 = arith.addi %add3A_826, %add3A_828 : vector<16xi32>
        tpu.vector_store_idx %arg6[%add3A_829], %select_n3A_823 : memref<6656xf32, #tpu.memory_space<vmem>>[vector<16xi32>], vector<16xf32>,
      }
      %scan3A_43 = arith.constant 32 : i32
      %mul3A_44 = arith.constant 512 : i32
      %mul3A_45 = arith.muli %add3A_25, %mul3A_44 : i32
      %add3A_46 = arith.addi %mul3A_2, %mul3A_45 : i32
      %mul3A_47 = arith.constant 13 : i32
      %mul3A_48 = arith.muli %add3A_46, %mul3A_47 : i32
      %dma_start3A_49 = tpu.memref_slice %arg3[%mul3A_48] : memref<3407872xf32, #tpu.memory_space<hbm>> -> memref<6656xf32, #tpu.memory_space<hbm>>
      %dma_start3A_50 = tpu.memref_slice %arg3[%mul3A_48] : memref<3407872xf32, #tpu.memory_space<hbm>> -> memref<6656xf32, #tpu.memory_space<hbm>>
      tpu.enqueue_dma source(%arg6 : memref<6656xf32, #tpu.memory_space<vmem>>) target(%dma_start3A_50 : memref<6656xf32, #tpu.memory_space<hbm>>) target_semaphore(%arg10 : memref<!tpu.dma_semaphore, #tpu.memory_space<semaphore_mem>>)
      %add3A_51 = arith.constant 1 : i32
      %add3A_52 = arith.addi %add3A_23, %add3A_51 : i32
      %add3A_53 = arith.constant 1 : i32
      %add3A_54 = arith.addi %add3A_52, %add3A_53 : i32
      %lt3A_55 = arith.constant 16 : i32
      %lt3A_56 = arith.cmpi slt, %add3A_54, %lt3A_55 : i32
      %convert_element_type3A_57 = arith.extui %lt3A_56 : i1 to i32
      %cond3A_58 = arith.constant 0 : i32
      %cond3A_59 = arith.cmpi ne, %convert_element_type3A_57, %cond3A_58 : i32
      scf.if %cond3A_59 {
        %add3A_82 = arith.constant 1 : i32
        %add3A_83 = arith.addi %add3A_52, %add3A_82 : i32
        %mul3A_84 = arith.constant 512 : i32
        %mul3A_85 = arith.muli %add3A_83, %mul3A_84 : i32
        %add3A_86 = arith.addi %mul3A_2, %mul3A_85 : i32
        %mul3A_87 = arith.constant 66 : i32
        %mul3A_88 = arith.muli %add3A_86, %mul3A_87 : i32
        %dma_start3A_89 = tpu.memref_slice %arg2[%mul3A_88] : memref<17301504xf32, #tpu.memory_space<hbm>> -> memref<33792xf32, #tpu.memory_space<hbm>>
        %dma_start3A_90 = tpu.memref_slice %arg2[%mul3A_88] : memref<17301504xf32, #tpu.memory_space<hbm>> -> memref<33792xf32, #tpu.memory_space<hbm>>
        tpu.enqueue_dma source(%dma_start3A_90 : memref<33792xf32, #tpu.memory_space<hbm>>) target(%arg4 : memref<33792xf32, #tpu.memory_space<vmem>>) target_semaphore(%arg8 : memref<!tpu.dma_semaphore, #tpu.memory_space<semaphore_mem>>)
      } else {
      }
      %dma_wait3A_60 = arith.constant 0 : i32
      %dma_wait3A_61 = tpu.memref_slice %arg2[%dma_wait3A_60] : memref<17301504xf32, #tpu.memory_space<hbm>> -> memref<33792xf32, #tpu.memory_space<hbm>>
      %dma_wait3A_62 = arith.constant 0 : i32
      %dma_wait3A_63 = tpu.memref_slice %arg2[%dma_wait3A_62] : memref<17301504xf32, #tpu.memory_space<hbm>> -> memref<33792xf32, #tpu.memory_space<hbm>>
      tpu.wait_dma2 semaphore(%arg9 : memref<!tpu.dma_semaphore, #tpu.memory_space<semaphore_mem>>) src(%dma_wait3A_63 : memref<33792xf32, #tpu.memory_space<hbm>>) dst(%arg5 : memref<33792xf32, #tpu.memory_space<vmem>>)
      %ge3A_64 = arith.constant 2 : i32
      %ge3A_65 = arith.cmpi sge, %add3A_52, %ge3A_64 : i32
      %convert_element_type3A_66 = arith.extui %ge3A_65 : i1 to i32
      %cond3A_67 = arith.constant 0 : i32
      %cond3A_68 = arith.cmpi ne, %convert_element_type3A_66, %cond3A_67 : i32
      scf.if %cond3A_68 {
        %dma_wait3A_82 = arith.constant 0 : i32
        %dma_wait3A_83 = tpu.memref_slice %arg3[%dma_wait3A_82] : memref<3407872xf32, #tpu.memory_space<hbm>> -> memref<6656xf32, #tpu.memory_space<hbm>>
        %dma_wait3A_84 = arith.constant 0 : i32
        %dma_wait3A_85 = tpu.memref_slice %arg3[%dma_wait3A_84] : memref<3407872xf32, #tpu.memory_space<hbm>> -> memref<6656xf32, #tpu.memory_space<hbm>>
        tpu.wait_dma2 semaphore(%arg11 : memref<!tpu.dma_semaphore, #tpu.memory_space<semaphore_mem>>) src(%arg7 : memref<6656xf32, #tpu.memory_space<vmem>>) dst(%dma_wait3A_85 : memref<6656xf32, #tpu.memory_space<hbm>>)
      } else {
      }
      %scan3A_69 = arith.constant 0 : i32
      %scan3A_70 = arith.constant 0 : i32
      %scan3A_71 = arith.constant 32 : i32
      %scan3A_72 = arith.addi %scan3A_70, %scan3A_71 : i32
      %scan3A_73 = arith.constant 1 : i32
      scf.for %scan3A_82 = %scan3A_70 to %scan3A_72 step %scan3A_73  : i32 {
        %mul3A_83 = arith.constant 16 : i32
        %mul3A_84 = arith.muli %scan3A_82, %mul3A_83 : i32
        %add3A_85 = vector.broadcast %mul3A_84 : i32 to vector<16xi32>
        %add3A_86 = arith.addi %add3A_85, %iota3A : vector<16xi32>
        %mul3A_87 = arith.constant 66 : i32
        %mul3A_88 = vector.broadcast %mul3A_87 : i32 to vector<16xi32>
        %mul3A_89 = arith.muli %add3A_86, %mul3A_88 : vector<16xi32>
        %mul3A_90 = arith.constant 13 : i32
        %mul3A_91 = vector.broadcast %mul3A_90 : i32 to vector<16xi32>
        %mul3A_92 = arith.muli %add3A_86, %mul3A_91 : vector<16xi32>
        %add3A_93 = arith.constant 0 : i32
        %add3A_94 = vector.broadcast %add3A_93 : i32 to vector<16xi32>
        %add3A_95 = arith.addi %mul3A_89, %add3A_94 : vector<16xi32>
        %gather3A = tpu.vector_load_idx %arg5[%add3A_95] : memref<33792xf32, #tpu.memory_space<vmem>>[vector<16xi32>], vector<16xf32>,
        %add3A_96 = arith.constant 0 : i32
        %add3A_97 = vector.broadcast %add3A_96 : i32 to vector<16xi32>
        %add3A_98 = arith.addi %mul3A_92, %add3A_97 : vector<16xi32>
        tpu.vector_store_idx %arg7[%add3A_98], %gather3A : memref<6656xf32, #tpu.memory_space<vmem>>[vector<16xi32>], vector<16xf32>,
        %add3A_99 = arith.constant 1 : i32
        %add3A_100 = vector.broadcast %add3A_99 : i32 to vector<16xi32>
        %add3A_101 = arith.addi %mul3A_89, %add3A_100 : vector<16xi32>
        %gather3A_102 = tpu.vector_load_idx %arg5[%add3A_101] : memref<33792xf32, #tpu.memory_space<vmem>>[vector<16xi32>], vector<16xf32>,
        %add3A_103 = arith.constant 1 : i32
        %add3A_104 = vector.broadcast %add3A_103 : i32 to vector<16xi32>
        %add3A_105 = arith.addi %mul3A_92, %add3A_104 : vector<16xi32>
        tpu.vector_store_idx %arg7[%add3A_105], %gather3A_102 : memref<6656xf32, #tpu.memory_space<vmem>>[vector<16xi32>], vector<16xf32>,
        %add3A_106 = arith.constant 2 : i32
        %add3A_107 = vector.broadcast %add3A_106 : i32 to vector<16xi32>
        %add3A_108 = arith.addi %mul3A_89, %add3A_107 : vector<16xi32>
        %gather3A_109 = tpu.vector_load_idx %arg5[%add3A_108] : memref<33792xf32, #tpu.memory_space<vmem>>[vector<16xi32>], vector<16xf32>,
        %add3A_110 = arith.constant 2 : i32
        %add3A_111 = vector.broadcast %add3A_110 : i32 to vector<16xi32>
        %add3A_112 = arith.addi %mul3A_92, %add3A_111 : vector<16xi32>
        tpu.vector_store_idx %arg7[%add3A_112], %gather3A_109 : memref<6656xf32, #tpu.memory_space<vmem>>[vector<16xi32>], vector<16xf32>,
        %add3A_113 = arith.constant 3 : i32
        %add3A_114 = vector.broadcast %add3A_113 : i32 to vector<16xi32>
        %add3A_115 = arith.addi %mul3A_89, %add3A_114 : vector<16xi32>
        %gather3A_116 = tpu.vector_load_idx %arg5[%add3A_115] : memref<33792xf32, #tpu.memory_space<vmem>>[vector<16xi32>], vector<16xf32>,
        %add3A_117 = arith.constant 3 : i32
        %add3A_118 = vector.broadcast %add3A_117 : i32 to vector<16xi32>
        %add3A_119 = arith.addi %mul3A_92, %add3A_118 : vector<16xi32>
        tpu.vector_store_idx %arg7[%add3A_119], %gather3A_116 : memref<6656xf32, #tpu.memory_space<vmem>>[vector<16xi32>], vector<16xf32>,
        %add3A_120 = arith.constant 4 : i32
        %add3A_121 = vector.broadcast %add3A_120 : i32 to vector<16xi32>
        %add3A_122 = arith.addi %mul3A_89, %add3A_121 : vector<16xi32>
        %gather3A_123 = tpu.vector_load_idx %arg5[%add3A_122] : memref<33792xf32, #tpu.memory_space<vmem>>[vector<16xi32>], vector<16xf32>,
        %add3A_124 = arith.constant 4 : i32
        %add3A_125 = vector.broadcast %add3A_124 : i32 to vector<16xi32>
        %add3A_126 = arith.addi %mul3A_92, %add3A_125 : vector<16xi32>
        tpu.vector_store_idx %arg7[%add3A_126], %gather3A_123 : memref<6656xf32, #tpu.memory_space<vmem>>[vector<16xi32>], vector<16xf32>,
        %add3A_127 = arith.constant 5 : i32
        %add3A_128 = vector.broadcast %add3A_127 : i32 to vector<16xi32>
        %add3A_129 = arith.addi %mul3A_89, %add3A_128 : vector<16xi32>
        %gather3A_130 = tpu.vector_load_idx %arg5[%add3A_129] : memref<33792xf32, #tpu.memory_space<vmem>>[vector<16xi32>], vector<16xf32>,
        %add3A_131 = arith.constant 5 : i32
        %add3A_132 = vector.broadcast %add3A_131 : i32 to vector<16xi32>
        %add3A_133 = arith.addi %mul3A_92, %add3A_132 : vector<16xi32>
        tpu.vector_store_idx %arg7[%add3A_133], %gather3A_130 : memref<6656xf32, #tpu.memory_space<vmem>>[vector<16xi32>], vector<16xf32>,
        %add3A_134 = arith.constant 6 : i32
        %add3A_135 = vector.broadcast %add3A_134 : i32 to vector<16xi32>
        %add3A_136 = arith.addi %mul3A_89, %add3A_135 : vector<16xi32>
        %gather3A_137 = tpu.vector_load_idx %arg5[%add3A_136] : memref<33792xf32, #tpu.memory_space<vmem>>[vector<16xi32>], vector<16xf32>,
        %add3A_138 = arith.constant 6 : i32
        %add3A_139 = vector.broadcast %add3A_138 : i32 to vector<16xi32>
        %add3A_140 = arith.addi %mul3A_92, %add3A_139 : vector<16xi32>
        tpu.vector_store_idx %arg7[%add3A_140], %gather3A_137 : memref<6656xf32, #tpu.memory_space<vmem>>[vector<16xi32>], vector<16xf32>,
        %add3A_141 = arith.constant 7 : i32
        %add3A_142 = vector.broadcast %add3A_141 : i32 to vector<16xi32>
        %add3A_143 = arith.addi %mul3A_89, %add3A_142 : vector<16xi32>
        %gather3A_144 = tpu.vector_load_idx %arg5[%add3A_143] : memref<33792xf32, #tpu.memory_space<vmem>>[vector<16xi32>], vector<16xf32>,
        %add3A_145 = arith.constant 7 : i32
        %add3A_146 = vector.broadcast %add3A_145 : i32 to vector<16xi32>
        %add3A_147 = arith.addi %mul3A_92, %add3A_146 : vector<16xi32>
        tpu.vector_store_idx %arg7[%add3A_147], %gather3A_144 : memref<6656xf32, #tpu.memory_space<vmem>>[vector<16xi32>], vector<16xf32>,
        %add3A_148 = arith.constant 8 : i32
        %add3A_149 = vector.broadcast %add3A_148 : i32 to vector<16xi32>
        %add3A_150 = arith.addi %mul3A_89, %add3A_149 : vector<16xi32>
        %gather3A_151 = tpu.vector_load_idx %arg5[%add3A_150] : memref<33792xf32, #tpu.memory_space<vmem>>[vector<16xi32>], vector<16xf32>,
        %add3A_152 = arith.constant 8 : i32
        %add3A_153 = vector.broadcast %add3A_152 : i32 to vector<16xi32>
        %add3A_154 = arith.addi %mul3A_92, %add3A_153 : vector<16xi32>
        tpu.vector_store_idx %arg7[%add3A_154], %gather3A_151 : memref<6656xf32, #tpu.memory_space<vmem>>[vector<16xi32>], vector<16xf32>,
        %add3A_155 = arith.constant 9 : i32
        %add3A_156 = vector.broadcast %add3A_155 : i32 to vector<16xi32>
        %add3A_157 = arith.addi %mul3A_89, %add3A_156 : vector<16xi32>
        %gather3A_158 = tpu.vector_load_idx %arg5[%add3A_157] : memref<33792xf32, #tpu.memory_space<vmem>>[vector<16xi32>], vector<16xf32>,
        %add3A_159 = arith.constant 9 : i32
        %add3A_160 = vector.broadcast %add3A_159 : i32 to vector<16xi32>
        %add3A_161 = arith.addi %mul3A_92, %add3A_160 : vector<16xi32>
        tpu.vector_store_idx %arg7[%add3A_161], %gather3A_158 : memref<6656xf32, #tpu.memory_space<vmem>>[vector<16xi32>], vector<16xf32>,
        %add3A_162 = arith.constant 10 : i32
        %add3A_163 = vector.broadcast %add3A_162 : i32 to vector<16xi32>
        %add3A_164 = arith.addi %mul3A_89, %add3A_163 : vector<16xi32>
        %gather3A_165 = tpu.vector_load_idx %arg5[%add3A_164] : memref<33792xf32, #tpu.memory_space<vmem>>[vector<16xi32>], vector<16xf32>,
        %broadcast_in_dim3A = arith.constant 0.000000e+00 : f32
        %broadcast_in_dim3A_166 = vector.broadcast %broadcast_in_dim3A : f32 to vector<16xf32>
        %add3A_167 = arith.constant 10 : i32
        %add3A_168 = vector.broadcast %add3A_167 : i32 to vector<16xi32>
        %add3A_169 = arith.addi %mul3A_89, %add3A_168 : vector<16xi32>
        %add3A_170 = arith.constant 1 : i32
        %add3A_171 = vector.broadcast %add3A_170 : i32 to vector<16xi32>
        %add3A_172 = arith.addi %add3A_169, %add3A_171 : vector<16xi32>
        %gather3A_173 = tpu.vector_load_idx %arg5[%add3A_172] : memref<33792xf32, #tpu.memory_space<vmem>>[vector<16xi32>], vector<16xf32>,
        %gt3A = arith.cmpf ogt, %gather3A_173, %gather3A_165 : vector<16xf32>
        %select_n3A = arith.select %gt3A, %gather3A_173, %gather3A_165 : vector<16xi1>, vector<16xf32>
        %jit3A = arith.constant 1.000000e+00 : f32
        %broadcast_in_dim3A_174 = vector.broadcast %jit3A : f32 to vector<16xf32>
        %select_n3A_175 = arith.select %gt3A, %broadcast_in_dim3A_174, %broadcast_in_dim3A_166 : vector<16xi1>, vector<16xf32>
        %add3A_176 = arith.constant 10 : i32
        %add3A_177 = vector.broadcast %add3A_176 : i32 to vector<16xi32>
        %add3A_178 = arith.addi %mul3A_89, %add3A_177 : vector<16xi32>
        %add3A_179 = arith.constant 2 : i32
        %add3A_180 = vector.broadcast %add3A_179 : i32 to vector<16xi32>
        %add3A_181 = arith.addi %add3A_178, %add3A_180 : vector<16xi32>
        %gather3A_182 = tpu.vector_load_idx %arg5[%add3A_181] : memref<33792xf32, #tpu.memory_space<vmem>>[vector<16xi32>], vector<16xf32>,
        %gt3A_183 = arith.cmpf ogt, %gather3A_182, %select_n3A : vector<16xf32>
        %select_n3A_184 = arith.select %gt3A_183, %gather3A_182, %select_n3A : vector<16xi1>, vector<16xf32>
        %jit3A_185 = arith.constant 2.000000e+00 : f32
        %broadcast_in_dim3A_186 = vector.broadcast %jit3A_185 : f32 to vector<16xf32>
        %select_n3A_187 = arith.select %gt3A_183, %broadcast_in_dim3A_186, %select_n3A_175 : vector<16xi1>, vector<16xf32>
        %add3A_188 = arith.constant 10 : i32
        %add3A_189 = vector.broadcast %add3A_188 : i32 to vector<16xi32>
        %add3A_190 = arith.addi %mul3A_89, %add3A_189 : vector<16xi32>
        %add3A_191 = arith.constant 3 : i32
        %add3A_192 = vector.broadcast %add3A_191 : i32 to vector<16xi32>
        %add3A_193 = arith.addi %add3A_190, %add3A_192 : vector<16xi32>
        %gather3A_194 = tpu.vector_load_idx %arg5[%add3A_193] : memref<33792xf32, #tpu.memory_space<vmem>>[vector<16xi32>], vector<16xf32>,
        %gt3A_195 = arith.cmpf ogt, %gather3A_194, %select_n3A_184 : vector<16xf32>
        %select_n3A_196 = arith.select %gt3A_195, %gather3A_194, %select_n3A_184 : vector<16xi1>, vector<16xf32>
        %jit3A_197 = arith.constant 3.000000e+00 : f32
        %broadcast_in_dim3A_198 = vector.broadcast %jit3A_197 : f32 to vector<16xf32>
        %select_n3A_199 = arith.select %gt3A_195, %broadcast_in_dim3A_198, %select_n3A_187 : vector<16xi1>, vector<16xf32>
        %add3A_200 = arith.constant 10 : i32
        %add3A_201 = vector.broadcast %add3A_200 : i32 to vector<16xi32>
        %add3A_202 = arith.addi %mul3A_89, %add3A_201 : vector<16xi32>
        %add3A_203 = arith.constant 4 : i32
        %add3A_204 = vector.broadcast %add3A_203 : i32 to vector<16xi32>
        %add3A_205 = arith.addi %add3A_202, %add3A_204 : vector<16xi32>
        %gather3A_206 = tpu.vector_load_idx %arg5[%add3A_205] : memref<33792xf32, #tpu.memory_space<vmem>>[vector<16xi32>], vector<16xf32>,
        %gt3A_207 = arith.cmpf ogt, %gather3A_206, %select_n3A_196 : vector<16xf32>
        %select_n3A_208 = arith.select %gt3A_207, %gather3A_206, %select_n3A_196 : vector<16xi1>, vector<16xf32>
        %jit3A_209 = arith.constant 4.000000e+00 : f32
        %broadcast_in_dim3A_210 = vector.broadcast %jit3A_209 : f32 to vector<16xf32>
        %select_n3A_211 = arith.select %gt3A_207, %broadcast_in_dim3A_210, %select_n3A_199 : vector<16xi1>, vector<16xf32>
        %add3A_212 = arith.constant 10 : i32
        %add3A_213 = vector.broadcast %add3A_212 : i32 to vector<16xi32>
        %add3A_214 = arith.addi %mul3A_89, %add3A_213 : vector<16xi32>
        %add3A_215 = arith.constant 5 : i32
        %add3A_216 = vector.broadcast %add3A_215 : i32 to vector<16xi32>
        %add3A_217 = arith.addi %add3A_214, %add3A_216 : vector<16xi32>
        %gather3A_218 = tpu.vector_load_idx %arg5[%add3A_217] : memref<33792xf32, #tpu.memory_space<vmem>>[vector<16xi32>], vector<16xf32>,
        %gt3A_219 = arith.cmpf ogt, %gather3A_218, %select_n3A_208 : vector<16xf32>
        %select_n3A_220 = arith.select %gt3A_219, %gather3A_218, %select_n3A_208 : vector<16xi1>, vector<16xf32>
        %jit3A_221 = arith.constant 5.000000e+00 : f32
        %broadcast_in_dim3A_222 = vector.broadcast %jit3A_221 : f32 to vector<16xf32>
        %select_n3A_223 = arith.select %gt3A_219, %broadcast_in_dim3A_222, %select_n3A_211 : vector<16xi1>, vector<16xf32>
        %add3A_224 = arith.constant 10 : i32
        %add3A_225 = vector.broadcast %add3A_224 : i32 to vector<16xi32>
        %add3A_226 = arith.addi %mul3A_89, %add3A_225 : vector<16xi32>
        %add3A_227 = arith.constant 6 : i32
        %add3A_228 = vector.broadcast %add3A_227 : i32 to vector<16xi32>
        %add3A_229 = arith.addi %add3A_226, %add3A_228 : vector<16xi32>
        %gather3A_230 = tpu.vector_load_idx %arg5[%add3A_229] : memref<33792xf32, #tpu.memory_space<vmem>>[vector<16xi32>], vector<16xf32>,
        %gt3A_231 = arith.cmpf ogt, %gather3A_230, %select_n3A_220 : vector<16xf32>
        %select_n3A_232 = arith.select %gt3A_231, %gather3A_230, %select_n3A_220 : vector<16xi1>, vector<16xf32>
        %jit3A_233 = arith.constant 6.000000e+00 : f32
        %broadcast_in_dim3A_234 = vector.broadcast %jit3A_233 : f32 to vector<16xf32>
        %select_n3A_235 = arith.select %gt3A_231, %broadcast_in_dim3A_234, %select_n3A_223 : vector<16xi1>, vector<16xf32>
        %add3A_236 = arith.constant 10 : i32
        %add3A_237 = vector.broadcast %add3A_236 : i32 to vector<16xi32>
        %add3A_238 = arith.addi %mul3A_89, %add3A_237 : vector<16xi32>
        %add3A_239 = arith.constant 7 : i32
        %add3A_240 = vector.broadcast %add3A_239 : i32 to vector<16xi32>
        %add3A_241 = arith.addi %add3A_238, %add3A_240 : vector<16xi32>
        %gather3A_242 = tpu.vector_load_idx %arg5[%add3A_241] : memref<33792xf32, #tpu.memory_space<vmem>>[vector<16xi32>], vector<16xf32>,
        %gt3A_243 = arith.cmpf ogt, %gather3A_242, %select_n3A_232 : vector<16xf32>
        %select_n3A_244 = arith.select %gt3A_243, %gather3A_242, %select_n3A_232 : vector<16xi1>, vector<16xf32>
        %jit3A_245 = arith.constant 7.000000e+00 : f32
        %broadcast_in_dim3A_246 = vector.broadcast %jit3A_245 : f32 to vector<16xf32>
        %select_n3A_247 = arith.select %gt3A_243, %broadcast_in_dim3A_246, %select_n3A_235 : vector<16xi1>, vector<16xf32>
        %add3A_248 = arith.constant 10 : i32
        %add3A_249 = vector.broadcast %add3A_248 : i32 to vector<16xi32>
        %add3A_250 = arith.addi %mul3A_92, %add3A_249 : vector<16xi32>
        %add3A_251 = arith.constant 0 : i32
        %add3A_252 = vector.broadcast %add3A_251 : i32 to vector<16xi32>
        %add3A_253 = arith.addi %add3A_250, %add3A_252 : vector<16xi32>
        tpu.vector_store_idx %arg7[%add3A_253], %select_n3A_247 : memref<6656xf32, #tpu.memory_space<vmem>>[vector<16xi32>], vector<16xf32>,
        %add3A_254 = arith.constant 18 : i32
        %add3A_255 = vector.broadcast %add3A_254 : i32 to vector<16xi32>
        %add3A_256 = arith.addi %mul3A_89, %add3A_255 : vector<16xi32>
        %gather3A_257 = tpu.vector_load_idx %arg5[%add3A_256] : memref<33792xf32, #tpu.memory_space<vmem>>[vector<16xi32>], vector<16xf32>,
        %broadcast_in_dim3A_258 = arith.constant 0.000000e+00 : f32
        %broadcast_in_dim3A_259 = vector.broadcast %broadcast_in_dim3A_258 : f32 to vector<16xf32>
        %add3A_260 = arith.constant 18 : i32
        %add3A_261 = vector.broadcast %add3A_260 : i32 to vector<16xi32>
        %add3A_262 = arith.addi %mul3A_89, %add3A_261 : vector<16xi32>
        %add3A_263 = arith.constant 1 : i32
        %add3A_264 = vector.broadcast %add3A_263 : i32 to vector<16xi32>
        %add3A_265 = arith.addi %add3A_262, %add3A_264 : vector<16xi32>
        %gather3A_266 = tpu.vector_load_idx %arg5[%add3A_265] : memref<33792xf32, #tpu.memory_space<vmem>>[vector<16xi32>], vector<16xf32>,
        %gt3A_267 = arith.cmpf ogt, %gather3A_266, %gather3A_257 : vector<16xf32>
        %select_n3A_268 = arith.select %gt3A_267, %gather3A_266, %gather3A_257 : vector<16xi1>, vector<16xf32>
        %jit3A_269 = arith.constant 1.000000e+00 : f32
        %broadcast_in_dim3A_270 = vector.broadcast %jit3A_269 : f32 to vector<16xf32>
        %select_n3A_271 = arith.select %gt3A_267, %broadcast_in_dim3A_270, %broadcast_in_dim3A_259 : vector<16xi1>, vector<16xf32>
        %add3A_272 = arith.constant 18 : i32
        %add3A_273 = vector.broadcast %add3A_272 : i32 to vector<16xi32>
        %add3A_274 = arith.addi %mul3A_89, %add3A_273 : vector<16xi32>
        %add3A_275 = arith.constant 2 : i32
        %add3A_276 = vector.broadcast %add3A_275 : i32 to vector<16xi32>
        %add3A_277 = arith.addi %add3A_274, %add3A_276 : vector<16xi32>
        %gather3A_278 = tpu.vector_load_idx %arg5[%add3A_277] : memref<33792xf32, #tpu.memory_space<vmem>>[vector<16xi32>], vector<16xf32>,
        %gt3A_279 = arith.cmpf ogt, %gather3A_278, %select_n3A_268 : vector<16xf32>
        %select_n3A_280 = arith.select %gt3A_279, %gather3A_278, %select_n3A_268 : vector<16xi1>, vector<16xf32>
        %jit3A_281 = arith.constant 2.000000e+00 : f32
        %broadcast_in_dim3A_282 = vector.broadcast %jit3A_281 : f32 to vector<16xf32>
        %select_n3A_283 = arith.select %gt3A_279, %broadcast_in_dim3A_282, %select_n3A_271 : vector<16xi1>, vector<16xf32>
        %add3A_284 = arith.constant 18 : i32
        %add3A_285 = vector.broadcast %add3A_284 : i32 to vector<16xi32>
        %add3A_286 = arith.addi %mul3A_89, %add3A_285 : vector<16xi32>
        %add3A_287 = arith.constant 3 : i32
        %add3A_288 = vector.broadcast %add3A_287 : i32 to vector<16xi32>
        %add3A_289 = arith.addi %add3A_286, %add3A_288 : vector<16xi32>
        %gather3A_290 = tpu.vector_load_idx %arg5[%add3A_289] : memref<33792xf32, #tpu.memory_space<vmem>>[vector<16xi32>], vector<16xf32>,
        %gt3A_291 = arith.cmpf ogt, %gather3A_290, %select_n3A_280 : vector<16xf32>
        %select_n3A_292 = arith.select %gt3A_291, %gather3A_290, %select_n3A_280 : vector<16xi1>, vector<16xf32>
        %jit3A_293 = arith.constant 3.000000e+00 : f32
        %broadcast_in_dim3A_294 = vector.broadcast %jit3A_293 : f32 to vector<16xf32>
        %select_n3A_295 = arith.select %gt3A_291, %broadcast_in_dim3A_294, %select_n3A_283 : vector<16xi1>, vector<16xf32>
        %add3A_296 = arith.constant 18 : i32
        %add3A_297 = vector.broadcast %add3A_296 : i32 to vector<16xi32>
        %add3A_298 = arith.addi %mul3A_89, %add3A_297 : vector<16xi32>
        %add3A_299 = arith.constant 4 : i32
        %add3A_300 = vector.broadcast %add3A_299 : i32 to vector<16xi32>
        %add3A_301 = arith.addi %add3A_298, %add3A_300 : vector<16xi32>
        %gather3A_302 = tpu.vector_load_idx %arg5[%add3A_301] : memref<33792xf32, #tpu.memory_space<vmem>>[vector<16xi32>], vector<16xf32>,
        %gt3A_303 = arith.cmpf ogt, %gather3A_302, %select_n3A_292 : vector<16xf32>
        %select_n3A_304 = arith.select %gt3A_303, %gather3A_302, %select_n3A_292 : vector<16xi1>, vector<16xf32>
        %jit3A_305 = arith.constant 4.000000e+00 : f32
        %broadcast_in_dim3A_306 = vector.broadcast %jit3A_305 : f32 to vector<16xf32>
        %select_n3A_307 = arith.select %gt3A_303, %broadcast_in_dim3A_306, %select_n3A_295 : vector<16xi1>, vector<16xf32>
        %add3A_308 = arith.constant 18 : i32
        %add3A_309 = vector.broadcast %add3A_308 : i32 to vector<16xi32>
        %add3A_310 = arith.addi %mul3A_89, %add3A_309 : vector<16xi32>
        %add3A_311 = arith.constant 5 : i32
        %add3A_312 = vector.broadcast %add3A_311 : i32 to vector<16xi32>
        %add3A_313 = arith.addi %add3A_310, %add3A_312 : vector<16xi32>
        %gather3A_314 = tpu.vector_load_idx %arg5[%add3A_313] : memref<33792xf32, #tpu.memory_space<vmem>>[vector<16xi32>], vector<16xf32>,
        %gt3A_315 = arith.cmpf ogt, %gather3A_314, %select_n3A_304 : vector<16xf32>
        %select_n3A_316 = arith.select %gt3A_315, %gather3A_314, %select_n3A_304 : vector<16xi1>, vector<16xf32>
        %jit3A_317 = arith.constant 5.000000e+00 : f32
        %broadcast_in_dim3A_318 = vector.broadcast %jit3A_317 : f32 to vector<16xf32>
        %select_n3A_319 = arith.select %gt3A_315, %broadcast_in_dim3A_318, %select_n3A_307 : vector<16xi1>, vector<16xf32>
        %add3A_320 = arith.constant 18 : i32
        %add3A_321 = vector.broadcast %add3A_320 : i32 to vector<16xi32>
        %add3A_322 = arith.addi %mul3A_89, %add3A_321 : vector<16xi32>
        %add3A_323 = arith.constant 6 : i32
        %add3A_324 = vector.broadcast %add3A_323 : i32 to vector<16xi32>
        %add3A_325 = arith.addi %add3A_322, %add3A_324 : vector<16xi32>
        %gather3A_326 = tpu.vector_load_idx %arg5[%add3A_325] : memref<33792xf32, #tpu.memory_space<vmem>>[vector<16xi32>], vector<16xf32>,
        %gt3A_327 = arith.cmpf ogt, %gather3A_326, %select_n3A_316 : vector<16xf32>
        %select_n3A_328 = arith.select %gt3A_327, %gather3A_326, %select_n3A_316 : vector<16xi1>, vector<16xf32>
        %jit3A_329 = arith.constant 6.000000e+00 : f32
        %broadcast_in_dim3A_330 = vector.broadcast %jit3A_329 : f32 to vector<16xf32>
        %select_n3A_331 = arith.select %gt3A_327, %broadcast_in_dim3A_330, %select_n3A_319 : vector<16xi1>, vector<16xf32>
        %add3A_332 = arith.constant 18 : i32
        %add3A_333 = vector.broadcast %add3A_332 : i32 to vector<16xi32>
        %add3A_334 = arith.addi %mul3A_89, %add3A_333 : vector<16xi32>
        %add3A_335 = arith.constant 7 : i32
        %add3A_336 = vector.broadcast %add3A_335 : i32 to vector<16xi32>
        %add3A_337 = arith.addi %add3A_334, %add3A_336 : vector<16xi32>
        %gather3A_338 = tpu.vector_load_idx %arg5[%add3A_337] : memref<33792xf32, #tpu.memory_space<vmem>>[vector<16xi32>], vector<16xf32>,
        %gt3A_339 = arith.cmpf ogt, %gather3A_338, %select_n3A_328 : vector<16xf32>
        %select_n3A_340 = arith.select %gt3A_339, %gather3A_338, %select_n3A_328 : vector<16xi1>, vector<16xf32>
        %jit3A_341 = arith.constant 7.000000e+00 : f32
        %broadcast_in_dim3A_342 = vector.broadcast %jit3A_341 : f32 to vector<16xf32>
        %select_n3A_343 = arith.select %gt3A_339, %broadcast_in_dim3A_342, %select_n3A_331 : vector<16xi1>, vector<16xf32>
        %add3A_344 = arith.constant 18 : i32
        %add3A_345 = vector.broadcast %add3A_344 : i32 to vector<16xi32>
        %add3A_346 = arith.addi %mul3A_89, %add3A_345 : vector<16xi32>
        %add3A_347 = arith.constant 8 : i32
        %add3A_348 = vector.broadcast %add3A_347 : i32 to vector<16xi32>
        %add3A_349 = arith.addi %add3A_346, %add3A_348 : vector<16xi32>
        %gather3A_350 = tpu.vector_load_idx %arg5[%add3A_349] : memref<33792xf32, #tpu.memory_space<vmem>>[vector<16xi32>], vector<16xf32>,
        %gt3A_351 = arith.cmpf ogt, %gather3A_350, %select_n3A_340 : vector<16xf32>
        %select_n3A_352 = arith.select %gt3A_351, %gather3A_350, %select_n3A_340 : vector<16xi1>, vector<16xf32>
        %jit3A_353 = arith.constant 8.000000e+00 : f32
        %broadcast_in_dim3A_354 = vector.broadcast %jit3A_353 : f32 to vector<16xf32>
        %select_n3A_355 = arith.select %gt3A_351, %broadcast_in_dim3A_354, %select_n3A_343 : vector<16xi1>, vector<16xf32>
        %add3A_356 = arith.constant 18 : i32
        %add3A_357 = vector.broadcast %add3A_356 : i32 to vector<16xi32>
        %add3A_358 = arith.addi %mul3A_89, %add3A_357 : vector<16xi32>
        %add3A_359 = arith.constant 9 : i32
        %add3A_360 = vector.broadcast %add3A_359 : i32 to vector<16xi32>
        %add3A_361 = arith.addi %add3A_358, %add3A_360 : vector<16xi32>
        %gather3A_362 = tpu.vector_load_idx %arg5[%add3A_361] : memref<33792xf32, #tpu.memory_space<vmem>>[vector<16xi32>], vector<16xf32>,
        %gt3A_363 = arith.cmpf ogt, %gather3A_362, %select_n3A_352 : vector<16xf32>
        %select_n3A_364 = arith.select %gt3A_363, %gather3A_362, %select_n3A_352 : vector<16xi1>, vector<16xf32>
        %jit3A_365 = arith.constant 9.000000e+00 : f32
        %broadcast_in_dim3A_366 = vector.broadcast %jit3A_365 : f32 to vector<16xf32>
        %select_n3A_367 = arith.select %gt3A_363, %broadcast_in_dim3A_366, %select_n3A_355 : vector<16xi1>, vector<16xf32>
        %add3A_368 = arith.constant 18 : i32
        %add3A_369 = vector.broadcast %add3A_368 : i32 to vector<16xi32>
        %add3A_370 = arith.addi %mul3A_89, %add3A_369 : vector<16xi32>
        %add3A_371 = arith.constant 10 : i32
        %add3A_372 = vector.broadcast %add3A_371 : i32 to vector<16xi32>
        %add3A_373 = arith.addi %add3A_370, %add3A_372 : vector<16xi32>
        %gather3A_374 = tpu.vector_load_idx %arg5[%add3A_373] : memref<33792xf32, #tpu.memory_space<vmem>>[vector<16xi32>], vector<16xf32>,
        %gt3A_375 = arith.cmpf ogt, %gather3A_374, %select_n3A_364 : vector<16xf32>
        %select_n3A_376 = arith.select %gt3A_375, %gather3A_374, %select_n3A_364 : vector<16xi1>, vector<16xf32>
        %jit3A_377 = arith.constant 1.000000e+01 : f32
        %broadcast_in_dim3A_378 = vector.broadcast %jit3A_377 : f32 to vector<16xf32>
        %select_n3A_379 = arith.select %gt3A_375, %broadcast_in_dim3A_378, %select_n3A_367 : vector<16xi1>, vector<16xf32>
        %add3A_380 = arith.constant 18 : i32
        %add3A_381 = vector.broadcast %add3A_380 : i32 to vector<16xi32>
        %add3A_382 = arith.addi %mul3A_89, %add3A_381 : vector<16xi32>
        %add3A_383 = arith.constant 11 : i32
        %add3A_384 = vector.broadcast %add3A_383 : i32 to vector<16xi32>
        %add3A_385 = arith.addi %add3A_382, %add3A_384 : vector<16xi32>
        %gather3A_386 = tpu.vector_load_idx %arg5[%add3A_385] : memref<33792xf32, #tpu.memory_space<vmem>>[vector<16xi32>], vector<16xf32>,
        %gt3A_387 = arith.cmpf ogt, %gather3A_386, %select_n3A_376 : vector<16xf32>
        %select_n3A_388 = arith.select %gt3A_387, %gather3A_386, %select_n3A_376 : vector<16xi1>, vector<16xf32>
        %jit3A_389 = arith.constant 1.100000e+01 : f32
        %broadcast_in_dim3A_390 = vector.broadcast %jit3A_389 : f32 to vector<16xf32>
        %select_n3A_391 = arith.select %gt3A_387, %broadcast_in_dim3A_390, %select_n3A_379 : vector<16xi1>, vector<16xf32>
        %add3A_392 = arith.constant 18 : i32
        %add3A_393 = vector.broadcast %add3A_392 : i32 to vector<16xi32>
        %add3A_394 = arith.addi %mul3A_89, %add3A_393 : vector<16xi32>
        %add3A_395 = arith.constant 12 : i32
        %add3A_396 = vector.broadcast %add3A_395 : i32 to vector<16xi32>
        %add3A_397 = arith.addi %add3A_394, %add3A_396 : vector<16xi32>
        %gather3A_398 = tpu.vector_load_idx %arg5[%add3A_397] : memref<33792xf32, #tpu.memory_space<vmem>>[vector<16xi32>], vector<16xf32>,
        %gt3A_399 = arith.cmpf ogt, %gather3A_398, %select_n3A_388 : vector<16xf32>
        %select_n3A_400 = arith.select %gt3A_399, %gather3A_398, %select_n3A_388 : vector<16xi1>, vector<16xf32>
        %jit3A_401 = arith.constant 1.200000e+01 : f32
        %broadcast_in_dim3A_402 = vector.broadcast %jit3A_401 : f32 to vector<16xf32>
        %select_n3A_403 = arith.select %gt3A_399, %broadcast_in_dim3A_402, %select_n3A_391 : vector<16xi1>, vector<16xf32>
        %add3A_404 = arith.constant 18 : i32
        %add3A_405 = vector.broadcast %add3A_404 : i32 to vector<16xi32>
        %add3A_406 = arith.addi %mul3A_89, %add3A_405 : vector<16xi32>
        %add3A_407 = arith.constant 13 : i32
        %add3A_408 = vector.broadcast %add3A_407 : i32 to vector<16xi32>
        %add3A_409 = arith.addi %add3A_406, %add3A_408 : vector<16xi32>
        %gather3A_410 = tpu.vector_load_idx %arg5[%add3A_409] : memref<33792xf32, #tpu.memory_space<vmem>>[vector<16xi32>], vector<16xf32>,
        %gt3A_411 = arith.cmpf ogt, %gather3A_410, %select_n3A_400 : vector<16xf32>
        %select_n3A_412 = arith.select %gt3A_411, %gather3A_410, %select_n3A_400 : vector<16xi1>, vector<16xf32>
        %jit3A_413 = arith.constant 1.300000e+01 : f32
        %broadcast_in_dim3A_414 = vector.broadcast %jit3A_413 : f32 to vector<16xf32>
        %select_n3A_415 = arith.select %gt3A_411, %broadcast_in_dim3A_414, %select_n3A_403 : vector<16xi1>, vector<16xf32>
        %add3A_416 = arith.constant 18 : i32
        %add3A_417 = vector.broadcast %add3A_416 : i32 to vector<16xi32>
        %add3A_418 = arith.addi %mul3A_89, %add3A_417 : vector<16xi32>
        %add3A_419 = arith.constant 14 : i32
        %add3A_420 = vector.broadcast %add3A_419 : i32 to vector<16xi32>
        %add3A_421 = arith.addi %add3A_418, %add3A_420 : vector<16xi32>
        %gather3A_422 = tpu.vector_load_idx %arg5[%add3A_421] : memref<33792xf32, #tpu.memory_space<vmem>>[vector<16xi32>], vector<16xf32>,
        %gt3A_423 = arith.cmpf ogt, %gather3A_422, %select_n3A_412 : vector<16xf32>
        %select_n3A_424 = arith.select %gt3A_423, %gather3A_422, %select_n3A_412 : vector<16xi1>, vector<16xf32>
        %jit3A_425 = arith.constant 1.400000e+01 : f32
        %broadcast_in_dim3A_426 = vector.broadcast %jit3A_425 : f32 to vector<16xf32>
        %select_n3A_427 = arith.select %gt3A_423, %broadcast_in_dim3A_426, %select_n3A_415 : vector<16xi1>, vector<16xf32>
        %add3A_428 = arith.constant 18 : i32
        %add3A_429 = vector.broadcast %add3A_428 : i32 to vector<16xi32>
        %add3A_430 = arith.addi %mul3A_89, %add3A_429 : vector<16xi32>
        %add3A_431 = arith.constant 15 : i32
        %add3A_432 = vector.broadcast %add3A_431 : i32 to vector<16xi32>
        %add3A_433 = arith.addi %add3A_430, %add3A_432 : vector<16xi32>
        %gather3A_434 = tpu.vector_load_idx %arg5[%add3A_433] : memref<33792xf32, #tpu.memory_space<vmem>>[vector<16xi32>], vector<16xf32>,
        %gt3A_435 = arith.cmpf ogt, %gather3A_434, %select_n3A_424 : vector<16xf32>
        %select_n3A_436 = arith.select %gt3A_435, %gather3A_434, %select_n3A_424 : vector<16xi1>, vector<16xf32>
        %jit3A_437 = arith.constant 1.500000e+01 : f32
        %broadcast_in_dim3A_438 = vector.broadcast %jit3A_437 : f32 to vector<16xf32>
        %select_n3A_439 = arith.select %gt3A_435, %broadcast_in_dim3A_438, %select_n3A_427 : vector<16xi1>, vector<16xf32>
        %add3A_440 = arith.constant 10 : i32
        %add3A_441 = vector.broadcast %add3A_440 : i32 to vector<16xi32>
        %add3A_442 = arith.addi %mul3A_92, %add3A_441 : vector<16xi32>
        %add3A_443 = arith.constant 1 : i32
        %add3A_444 = vector.broadcast %add3A_443 : i32 to vector<16xi32>
        %add3A_445 = arith.addi %add3A_442, %add3A_444 : vector<16xi32>
        tpu.vector_store_idx %arg7[%add3A_445], %select_n3A_439 : memref<6656xf32, #tpu.memory_space<vmem>>[vector<16xi32>], vector<16xf32>,
        %add3A_446 = arith.constant 34 : i32
        %add3A_447 = vector.broadcast %add3A_446 : i32 to vector<16xi32>
        %add3A_448 = arith.addi %mul3A_89, %add3A_447 : vector<16xi32>
        %gather3A_449 = tpu.vector_load_idx %arg5[%add3A_448] : memref<33792xf32, #tpu.memory_space<vmem>>[vector<16xi32>], vector<16xf32>,
        %broadcast_in_dim3A_450 = arith.constant 0.000000e+00 : f32
        %broadcast_in_dim3A_451 = vector.broadcast %broadcast_in_dim3A_450 : f32 to vector<16xf32>
        %add3A_452 = arith.constant 34 : i32
        %add3A_453 = vector.broadcast %add3A_452 : i32 to vector<16xi32>
        %add3A_454 = arith.addi %mul3A_89, %add3A_453 : vector<16xi32>
        %add3A_455 = arith.constant 1 : i32
        %add3A_456 = vector.broadcast %add3A_455 : i32 to vector<16xi32>
        %add3A_457 = arith.addi %add3A_454, %add3A_456 : vector<16xi32>
        %gather3A_458 = tpu.vector_load_idx %arg5[%add3A_457] : memref<33792xf32, #tpu.memory_space<vmem>>[vector<16xi32>], vector<16xf32>,
        %gt3A_459 = arith.cmpf ogt, %gather3A_458, %gather3A_449 : vector<16xf32>
        %select_n3A_460 = arith.select %gt3A_459, %gather3A_458, %gather3A_449 : vector<16xi1>, vector<16xf32>
        %jit3A_461 = arith.constant 1.000000e+00 : f32
        %broadcast_in_dim3A_462 = vector.broadcast %jit3A_461 : f32 to vector<16xf32>
        %select_n3A_463 = arith.select %gt3A_459, %broadcast_in_dim3A_462, %broadcast_in_dim3A_451 : vector<16xi1>, vector<16xf32>
        %add3A_464 = arith.constant 34 : i32
        %add3A_465 = vector.broadcast %add3A_464 : i32 to vector<16xi32>
        %add3A_466 = arith.addi %mul3A_89, %add3A_465 : vector<16xi32>
        %add3A_467 = arith.constant 2 : i32
        %add3A_468 = vector.broadcast %add3A_467 : i32 to vector<16xi32>
        %add3A_469 = arith.addi %add3A_466, %add3A_468 : vector<16xi32>
        %gather3A_470 = tpu.vector_load_idx %arg5[%add3A_469] : memref<33792xf32, #tpu.memory_space<vmem>>[vector<16xi32>], vector<16xf32>,
        %gt3A_471 = arith.cmpf ogt, %gather3A_470, %select_n3A_460 : vector<16xf32>
        %select_n3A_472 = arith.select %gt3A_471, %gather3A_470, %select_n3A_460 : vector<16xi1>, vector<16xf32>
        %jit3A_473 = arith.constant 2.000000e+00 : f32
        %broadcast_in_dim3A_474 = vector.broadcast %jit3A_473 : f32 to vector<16xf32>
        %select_n3A_475 = arith.select %gt3A_471, %broadcast_in_dim3A_474, %select_n3A_463 : vector<16xi1>, vector<16xf32>
        %add3A_476 = arith.constant 34 : i32
        %add3A_477 = vector.broadcast %add3A_476 : i32 to vector<16xi32>
        %add3A_478 = arith.addi %mul3A_89, %add3A_477 : vector<16xi32>
        %add3A_479 = arith.constant 3 : i32
        %add3A_480 = vector.broadcast %add3A_479 : i32 to vector<16xi32>
        %add3A_481 = arith.addi %add3A_478, %add3A_480 : vector<16xi32>
        %gather3A_482 = tpu.vector_load_idx %arg5[%add3A_481] : memref<33792xf32, #tpu.memory_space<vmem>>[vector<16xi32>], vector<16xf32>,
        %gt3A_483 = arith.cmpf ogt, %gather3A_482, %select_n3A_472 : vector<16xf32>
        %select_n3A_484 = arith.select %gt3A_483, %gather3A_482, %select_n3A_472 : vector<16xi1>, vector<16xf32>
        %jit3A_485 = arith.constant 3.000000e+00 : f32
        %broadcast_in_dim3A_486 = vector.broadcast %jit3A_485 : f32 to vector<16xf32>
        %select_n3A_487 = arith.select %gt3A_483, %broadcast_in_dim3A_486, %select_n3A_475 : vector<16xi1>, vector<16xf32>
        %add3A_488 = arith.constant 34 : i32
        %add3A_489 = vector.broadcast %add3A_488 : i32 to vector<16xi32>
        %add3A_490 = arith.addi %mul3A_89, %add3A_489 : vector<16xi32>
        %add3A_491 = arith.constant 4 : i32
        %add3A_492 = vector.broadcast %add3A_491 : i32 to vector<16xi32>
        %add3A_493 = arith.addi %add3A_490, %add3A_492 : vector<16xi32>
        %gather3A_494 = tpu.vector_load_idx %arg5[%add3A_493] : memref<33792xf32, #tpu.memory_space<vmem>>[vector<16xi32>], vector<16xf32>,
        %gt3A_495 = arith.cmpf ogt, %gather3A_494, %select_n3A_484 : vector<16xf32>
        %select_n3A_496 = arith.select %gt3A_495, %gather3A_494, %select_n3A_484 : vector<16xi1>, vector<16xf32>
        %jit3A_497 = arith.constant 4.000000e+00 : f32
        %broadcast_in_dim3A_498 = vector.broadcast %jit3A_497 : f32 to vector<16xf32>
        %select_n3A_499 = arith.select %gt3A_495, %broadcast_in_dim3A_498, %select_n3A_487 : vector<16xi1>, vector<16xf32>
        %add3A_500 = arith.constant 34 : i32
        %add3A_501 = vector.broadcast %add3A_500 : i32 to vector<16xi32>
        %add3A_502 = arith.addi %mul3A_89, %add3A_501 : vector<16xi32>
        %add3A_503 = arith.constant 5 : i32
        %add3A_504 = vector.broadcast %add3A_503 : i32 to vector<16xi32>
        %add3A_505 = arith.addi %add3A_502, %add3A_504 : vector<16xi32>
        %gather3A_506 = tpu.vector_load_idx %arg5[%add3A_505] : memref<33792xf32, #tpu.memory_space<vmem>>[vector<16xi32>], vector<16xf32>,
        %gt3A_507 = arith.cmpf ogt, %gather3A_506, %select_n3A_496 : vector<16xf32>
        %select_n3A_508 = arith.select %gt3A_507, %gather3A_506, %select_n3A_496 : vector<16xi1>, vector<16xf32>
        %jit3A_509 = arith.constant 5.000000e+00 : f32
        %broadcast_in_dim3A_510 = vector.broadcast %jit3A_509 : f32 to vector<16xf32>
        %select_n3A_511 = arith.select %gt3A_507, %broadcast_in_dim3A_510, %select_n3A_499 : vector<16xi1>, vector<16xf32>
        %add3A_512 = arith.constant 34 : i32
        %add3A_513 = vector.broadcast %add3A_512 : i32 to vector<16xi32>
        %add3A_514 = arith.addi %mul3A_89, %add3A_513 : vector<16xi32>
        %add3A_515 = arith.constant 6 : i32
        %add3A_516 = vector.broadcast %add3A_515 : i32 to vector<16xi32>
        %add3A_517 = arith.addi %add3A_514, %add3A_516 : vector<16xi32>
        %gather3A_518 = tpu.vector_load_idx %arg5[%add3A_517] : memref<33792xf32, #tpu.memory_space<vmem>>[vector<16xi32>], vector<16xf32>,
        %gt3A_519 = arith.cmpf ogt, %gather3A_518, %select_n3A_508 : vector<16xf32>
        %select_n3A_520 = arith.select %gt3A_519, %gather3A_518, %select_n3A_508 : vector<16xi1>, vector<16xf32>
        %jit3A_521 = arith.constant 6.000000e+00 : f32
        %broadcast_in_dim3A_522 = vector.broadcast %jit3A_521 : f32 to vector<16xf32>
        %select_n3A_523 = arith.select %gt3A_519, %broadcast_in_dim3A_522, %select_n3A_511 : vector<16xi1>, vector<16xf32>
        %add3A_524 = arith.constant 34 : i32
        %add3A_525 = vector.broadcast %add3A_524 : i32 to vector<16xi32>
        %add3A_526 = arith.addi %mul3A_89, %add3A_525 : vector<16xi32>
        %add3A_527 = arith.constant 7 : i32
        %add3A_528 = vector.broadcast %add3A_527 : i32 to vector<16xi32>
        %add3A_529 = arith.addi %add3A_526, %add3A_528 : vector<16xi32>
        %gather3A_530 = tpu.vector_load_idx %arg5[%add3A_529] : memref<33792xf32, #tpu.memory_space<vmem>>[vector<16xi32>], vector<16xf32>,
        %gt3A_531 = arith.cmpf ogt, %gather3A_530, %select_n3A_520 : vector<16xf32>
        %select_n3A_532 = arith.select %gt3A_531, %gather3A_530, %select_n3A_520 : vector<16xi1>, vector<16xf32>
        %jit3A_533 = arith.constant 7.000000e+00 : f32
        %broadcast_in_dim3A_534 = vector.broadcast %jit3A_533 : f32 to vector<16xf32>
        %select_n3A_535 = arith.select %gt3A_531, %broadcast_in_dim3A_534, %select_n3A_523 : vector<16xi1>, vector<16xf32>
        %add3A_536 = arith.constant 34 : i32
        %add3A_537 = vector.broadcast %add3A_536 : i32 to vector<16xi32>
        %add3A_538 = arith.addi %mul3A_89, %add3A_537 : vector<16xi32>
        %add3A_539 = arith.constant 8 : i32
        %add3A_540 = vector.broadcast %add3A_539 : i32 to vector<16xi32>
        %add3A_541 = arith.addi %add3A_538, %add3A_540 : vector<16xi32>
        %gather3A_542 = tpu.vector_load_idx %arg5[%add3A_541] : memref<33792xf32, #tpu.memory_space<vmem>>[vector<16xi32>], vector<16xf32>,
        %gt3A_543 = arith.cmpf ogt, %gather3A_542, %select_n3A_532 : vector<16xf32>
        %select_n3A_544 = arith.select %gt3A_543, %gather3A_542, %select_n3A_532 : vector<16xi1>, vector<16xf32>
        %jit3A_545 = arith.constant 8.000000e+00 : f32
        %broadcast_in_dim3A_546 = vector.broadcast %jit3A_545 : f32 to vector<16xf32>
        %select_n3A_547 = arith.select %gt3A_543, %broadcast_in_dim3A_546, %select_n3A_535 : vector<16xi1>, vector<16xf32>
        %add3A_548 = arith.constant 34 : i32
        %add3A_549 = vector.broadcast %add3A_548 : i32 to vector<16xi32>
        %add3A_550 = arith.addi %mul3A_89, %add3A_549 : vector<16xi32>
        %add3A_551 = arith.constant 9 : i32
        %add3A_552 = vector.broadcast %add3A_551 : i32 to vector<16xi32>
        %add3A_553 = arith.addi %add3A_550, %add3A_552 : vector<16xi32>
        %gather3A_554 = tpu.vector_load_idx %arg5[%add3A_553] : memref<33792xf32, #tpu.memory_space<vmem>>[vector<16xi32>], vector<16xf32>,
        %gt3A_555 = arith.cmpf ogt, %gather3A_554, %select_n3A_544 : vector<16xf32>
        %select_n3A_556 = arith.select %gt3A_555, %gather3A_554, %select_n3A_544 : vector<16xi1>, vector<16xf32>
        %jit3A_557 = arith.constant 9.000000e+00 : f32
        %broadcast_in_dim3A_558 = vector.broadcast %jit3A_557 : f32 to vector<16xf32>
        %select_n3A_559 = arith.select %gt3A_555, %broadcast_in_dim3A_558, %select_n3A_547 : vector<16xi1>, vector<16xf32>
        %add3A_560 = arith.constant 34 : i32
        %add3A_561 = vector.broadcast %add3A_560 : i32 to vector<16xi32>
        %add3A_562 = arith.addi %mul3A_89, %add3A_561 : vector<16xi32>
        %add3A_563 = arith.constant 10 : i32
        %add3A_564 = vector.broadcast %add3A_563 : i32 to vector<16xi32>
        %add3A_565 = arith.addi %add3A_562, %add3A_564 : vector<16xi32>
        %gather3A_566 = tpu.vector_load_idx %arg5[%add3A_565] : memref<33792xf32, #tpu.memory_space<vmem>>[vector<16xi32>], vector<16xf32>,
        %gt3A_567 = arith.cmpf ogt, %gather3A_566, %select_n3A_556 : vector<16xf32>
        %select_n3A_568 = arith.select %gt3A_567, %gather3A_566, %select_n3A_556 : vector<16xi1>, vector<16xf32>
        %jit3A_569 = arith.constant 1.000000e+01 : f32
        %broadcast_in_dim3A_570 = vector.broadcast %jit3A_569 : f32 to vector<16xf32>
        %select_n3A_571 = arith.select %gt3A_567, %broadcast_in_dim3A_570, %select_n3A_559 : vector<16xi1>, vector<16xf32>
        %add3A_572 = arith.constant 34 : i32
        %add3A_573 = vector.broadcast %add3A_572 : i32 to vector<16xi32>
        %add3A_574 = arith.addi %mul3A_89, %add3A_573 : vector<16xi32>
        %add3A_575 = arith.constant 11 : i32
        %add3A_576 = vector.broadcast %add3A_575 : i32 to vector<16xi32>
        %add3A_577 = arith.addi %add3A_574, %add3A_576 : vector<16xi32>
        %gather3A_578 = tpu.vector_load_idx %arg5[%add3A_577] : memref<33792xf32, #tpu.memory_space<vmem>>[vector<16xi32>], vector<16xf32>,
        %gt3A_579 = arith.cmpf ogt, %gather3A_578, %select_n3A_568 : vector<16xf32>
        %select_n3A_580 = arith.select %gt3A_579, %gather3A_578, %select_n3A_568 : vector<16xi1>, vector<16xf32>
        %jit3A_581 = arith.constant 1.100000e+01 : f32
        %broadcast_in_dim3A_582 = vector.broadcast %jit3A_581 : f32 to vector<16xf32>
        %select_n3A_583 = arith.select %gt3A_579, %broadcast_in_dim3A_582, %select_n3A_571 : vector<16xi1>, vector<16xf32>
        %add3A_584 = arith.constant 34 : i32
        %add3A_585 = vector.broadcast %add3A_584 : i32 to vector<16xi32>
        %add3A_586 = arith.addi %mul3A_89, %add3A_585 : vector<16xi32>
        %add3A_587 = arith.constant 12 : i32
        %add3A_588 = vector.broadcast %add3A_587 : i32 to vector<16xi32>
        %add3A_589 = arith.addi %add3A_586, %add3A_588 : vector<16xi32>
        %gather3A_590 = tpu.vector_load_idx %arg5[%add3A_589] : memref<33792xf32, #tpu.memory_space<vmem>>[vector<16xi32>], vector<16xf32>,
        %gt3A_591 = arith.cmpf ogt, %gather3A_590, %select_n3A_580 : vector<16xf32>
        %select_n3A_592 = arith.select %gt3A_591, %gather3A_590, %select_n3A_580 : vector<16xi1>, vector<16xf32>
        %jit3A_593 = arith.constant 1.200000e+01 : f32
        %broadcast_in_dim3A_594 = vector.broadcast %jit3A_593 : f32 to vector<16xf32>
        %select_n3A_595 = arith.select %gt3A_591, %broadcast_in_dim3A_594, %select_n3A_583 : vector<16xi1>, vector<16xf32>
        %add3A_596 = arith.constant 34 : i32
        %add3A_597 = vector.broadcast %add3A_596 : i32 to vector<16xi32>
        %add3A_598 = arith.addi %mul3A_89, %add3A_597 : vector<16xi32>
        %add3A_599 = arith.constant 13 : i32
        %add3A_600 = vector.broadcast %add3A_599 : i32 to vector<16xi32>
        %add3A_601 = arith.addi %add3A_598, %add3A_600 : vector<16xi32>
        %gather3A_602 = tpu.vector_load_idx %arg5[%add3A_601] : memref<33792xf32, #tpu.memory_space<vmem>>[vector<16xi32>], vector<16xf32>,
        %gt3A_603 = arith.cmpf ogt, %gather3A_602, %select_n3A_592 : vector<16xf32>
        %select_n3A_604 = arith.select %gt3A_603, %gather3A_602, %select_n3A_592 : vector<16xi1>, vector<16xf32>
        %jit3A_605 = arith.constant 1.300000e+01 : f32
        %broadcast_in_dim3A_606 = vector.broadcast %jit3A_605 : f32 to vector<16xf32>
        %select_n3A_607 = arith.select %gt3A_603, %broadcast_in_dim3A_606, %select_n3A_595 : vector<16xi1>, vector<16xf32>
        %add3A_608 = arith.constant 34 : i32
        %add3A_609 = vector.broadcast %add3A_608 : i32 to vector<16xi32>
        %add3A_610 = arith.addi %mul3A_89, %add3A_609 : vector<16xi32>
        %add3A_611 = arith.constant 14 : i32
        %add3A_612 = vector.broadcast %add3A_611 : i32 to vector<16xi32>
        %add3A_613 = arith.addi %add3A_610, %add3A_612 : vector<16xi32>
        %gather3A_614 = tpu.vector_load_idx %arg5[%add3A_613] : memref<33792xf32, #tpu.memory_space<vmem>>[vector<16xi32>], vector<16xf32>,
        %gt3A_615 = arith.cmpf ogt, %gather3A_614, %select_n3A_604 : vector<16xf32>
        %select_n3A_616 = arith.select %gt3A_615, %gather3A_614, %select_n3A_604 : vector<16xi1>, vector<16xf32>
        %jit3A_617 = arith.constant 1.400000e+01 : f32
        %broadcast_in_dim3A_618 = vector.broadcast %jit3A_617 : f32 to vector<16xf32>
        %select_n3A_619 = arith.select %gt3A_615, %broadcast_in_dim3A_618, %select_n3A_607 : vector<16xi1>, vector<16xf32>
        %add3A_620 = arith.constant 34 : i32
        %add3A_621 = vector.broadcast %add3A_620 : i32 to vector<16xi32>
        %add3A_622 = arith.addi %mul3A_89, %add3A_621 : vector<16xi32>
        %add3A_623 = arith.constant 15 : i32
        %add3A_624 = vector.broadcast %add3A_623 : i32 to vector<16xi32>
        %add3A_625 = arith.addi %add3A_622, %add3A_624 : vector<16xi32>
        %gather3A_626 = tpu.vector_load_idx %arg5[%add3A_625] : memref<33792xf32, #tpu.memory_space<vmem>>[vector<16xi32>], vector<16xf32>,
        %gt3A_627 = arith.cmpf ogt, %gather3A_626, %select_n3A_616 : vector<16xf32>
        %select_n3A_628 = arith.select %gt3A_627, %gather3A_626, %select_n3A_616 : vector<16xi1>, vector<16xf32>
        %jit3A_629 = arith.constant 1.500000e+01 : f32
        %broadcast_in_dim3A_630 = vector.broadcast %jit3A_629 : f32 to vector<16xf32>
        %select_n3A_631 = arith.select %gt3A_627, %broadcast_in_dim3A_630, %select_n3A_619 : vector<16xi1>, vector<16xf32>
        %add3A_632 = arith.constant 34 : i32
        %add3A_633 = vector.broadcast %add3A_632 : i32 to vector<16xi32>
        %add3A_634 = arith.addi %mul3A_89, %add3A_633 : vector<16xi32>
        %add3A_635 = arith.constant 16 : i32
        %add3A_636 = vector.broadcast %add3A_635 : i32 to vector<16xi32>
        %add3A_637 = arith.addi %add3A_634, %add3A_636 : vector<16xi32>
        %gather3A_638 = tpu.vector_load_idx %arg5[%add3A_637] : memref<33792xf32, #tpu.memory_space<vmem>>[vector<16xi32>], vector<16xf32>,
        %gt3A_639 = arith.cmpf ogt, %gather3A_638, %select_n3A_628 : vector<16xf32>
        %select_n3A_640 = arith.select %gt3A_639, %gather3A_638, %select_n3A_628 : vector<16xi1>, vector<16xf32>
        %jit3A_641 = arith.constant 1.600000e+01 : f32
        %broadcast_in_dim3A_642 = vector.broadcast %jit3A_641 : f32 to vector<16xf32>
        %select_n3A_643 = arith.select %gt3A_639, %broadcast_in_dim3A_642, %select_n3A_631 : vector<16xi1>, vector<16xf32>
        %add3A_644 = arith.constant 34 : i32
        %add3A_645 = vector.broadcast %add3A_644 : i32 to vector<16xi32>
        %add3A_646 = arith.addi %mul3A_89, %add3A_645 : vector<16xi32>
        %add3A_647 = arith.constant 17 : i32
        %add3A_648 = vector.broadcast %add3A_647 : i32 to vector<16xi32>
        %add3A_649 = arith.addi %add3A_646, %add3A_648 : vector<16xi32>
        %gather3A_650 = tpu.vector_load_idx %arg5[%add3A_649] : memref<33792xf32, #tpu.memory_space<vmem>>[vector<16xi32>], vector<16xf32>,
        %gt3A_651 = arith.cmpf ogt, %gather3A_650, %select_n3A_640 : vector<16xf32>
        %select_n3A_652 = arith.select %gt3A_651, %gather3A_650, %select_n3A_640 : vector<16xi1>, vector<16xf32>
        %jit3A_653 = arith.constant 1.700000e+01 : f32
        %broadcast_in_dim3A_654 = vector.broadcast %jit3A_653 : f32 to vector<16xf32>
        %select_n3A_655 = arith.select %gt3A_651, %broadcast_in_dim3A_654, %select_n3A_643 : vector<16xi1>, vector<16xf32>
        %add3A_656 = arith.constant 34 : i32
        %add3A_657 = vector.broadcast %add3A_656 : i32 to vector<16xi32>
        %add3A_658 = arith.addi %mul3A_89, %add3A_657 : vector<16xi32>
        %add3A_659 = arith.constant 18 : i32
        %add3A_660 = vector.broadcast %add3A_659 : i32 to vector<16xi32>
        %add3A_661 = arith.addi %add3A_658, %add3A_660 : vector<16xi32>
        %gather3A_662 = tpu.vector_load_idx %arg5[%add3A_661] : memref<33792xf32, #tpu.memory_space<vmem>>[vector<16xi32>], vector<16xf32>,
        %gt3A_663 = arith.cmpf ogt, %gather3A_662, %select_n3A_652 : vector<16xf32>
        %select_n3A_664 = arith.select %gt3A_663, %gather3A_662, %select_n3A_652 : vector<16xi1>, vector<16xf32>
        %jit3A_665 = arith.constant 1.800000e+01 : f32
        %broadcast_in_dim3A_666 = vector.broadcast %jit3A_665 : f32 to vector<16xf32>
        %select_n3A_667 = arith.select %gt3A_663, %broadcast_in_dim3A_666, %select_n3A_655 : vector<16xi1>, vector<16xf32>
        %add3A_668 = arith.constant 34 : i32
        %add3A_669 = vector.broadcast %add3A_668 : i32 to vector<16xi32>
        %add3A_670 = arith.addi %mul3A_89, %add3A_669 : vector<16xi32>
        %add3A_671 = arith.constant 19 : i32
        %add3A_672 = vector.broadcast %add3A_671 : i32 to vector<16xi32>
        %add3A_673 = arith.addi %add3A_670, %add3A_672 : vector<16xi32>
        %gather3A_674 = tpu.vector_load_idx %arg5[%add3A_673] : memref<33792xf32, #tpu.memory_space<vmem>>[vector<16xi32>], vector<16xf32>,
        %gt3A_675 = arith.cmpf ogt, %gather3A_674, %select_n3A_664 : vector<16xf32>
        %select_n3A_676 = arith.select %gt3A_675, %gather3A_674, %select_n3A_664 : vector<16xi1>, vector<16xf32>
        %jit3A_677 = arith.constant 1.900000e+01 : f32
        %broadcast_in_dim3A_678 = vector.broadcast %jit3A_677 : f32 to vector<16xf32>
        %select_n3A_679 = arith.select %gt3A_675, %broadcast_in_dim3A_678, %select_n3A_667 : vector<16xi1>, vector<16xf32>
        %add3A_680 = arith.constant 34 : i32
        %add3A_681 = vector.broadcast %add3A_680 : i32 to vector<16xi32>
        %add3A_682 = arith.addi %mul3A_89, %add3A_681 : vector<16xi32>
        %add3A_683 = arith.constant 20 : i32
        %add3A_684 = vector.broadcast %add3A_683 : i32 to vector<16xi32>
        %add3A_685 = arith.addi %add3A_682, %add3A_684 : vector<16xi32>
        %gather3A_686 = tpu.vector_load_idx %arg5[%add3A_685] : memref<33792xf32, #tpu.memory_space<vmem>>[vector<16xi32>], vector<16xf32>,
        %gt3A_687 = arith.cmpf ogt, %gather3A_686, %select_n3A_676 : vector<16xf32>
        %select_n3A_688 = arith.select %gt3A_687, %gather3A_686, %select_n3A_676 : vector<16xi1>, vector<16xf32>
        %jit3A_689 = arith.constant 2.000000e+01 : f32
        %broadcast_in_dim3A_690 = vector.broadcast %jit3A_689 : f32 to vector<16xf32>
        %select_n3A_691 = arith.select %gt3A_687, %broadcast_in_dim3A_690, %select_n3A_679 : vector<16xi1>, vector<16xf32>
        %add3A_692 = arith.constant 34 : i32
        %add3A_693 = vector.broadcast %add3A_692 : i32 to vector<16xi32>
        %add3A_694 = arith.addi %mul3A_89, %add3A_693 : vector<16xi32>
        %add3A_695 = arith.constant 21 : i32
        %add3A_696 = vector.broadcast %add3A_695 : i32 to vector<16xi32>
        %add3A_697 = arith.addi %add3A_694, %add3A_696 : vector<16xi32>
        %gather3A_698 = tpu.vector_load_idx %arg5[%add3A_697] : memref<33792xf32, #tpu.memory_space<vmem>>[vector<16xi32>], vector<16xf32>,
        %gt3A_699 = arith.cmpf ogt, %gather3A_698, %select_n3A_688 : vector<16xf32>
        %select_n3A_700 = arith.select %gt3A_699, %gather3A_698, %select_n3A_688 : vector<16xi1>, vector<16xf32>
        %jit3A_701 = arith.constant 2.100000e+01 : f32
        %broadcast_in_dim3A_702 = vector.broadcast %jit3A_701 : f32 to vector<16xf32>
        %select_n3A_703 = arith.select %gt3A_699, %broadcast_in_dim3A_702, %select_n3A_691 : vector<16xi1>, vector<16xf32>
        %add3A_704 = arith.constant 34 : i32
        %add3A_705 = vector.broadcast %add3A_704 : i32 to vector<16xi32>
        %add3A_706 = arith.addi %mul3A_89, %add3A_705 : vector<16xi32>
        %add3A_707 = arith.constant 22 : i32
        %add3A_708 = vector.broadcast %add3A_707 : i32 to vector<16xi32>
        %add3A_709 = arith.addi %add3A_706, %add3A_708 : vector<16xi32>
        %gather3A_710 = tpu.vector_load_idx %arg5[%add3A_709] : memref<33792xf32, #tpu.memory_space<vmem>>[vector<16xi32>], vector<16xf32>,
        %gt3A_711 = arith.cmpf ogt, %gather3A_710, %select_n3A_700 : vector<16xf32>
        %select_n3A_712 = arith.select %gt3A_711, %gather3A_710, %select_n3A_700 : vector<16xi1>, vector<16xf32>
        %jit3A_713 = arith.constant 2.200000e+01 : f32
        %broadcast_in_dim3A_714 = vector.broadcast %jit3A_713 : f32 to vector<16xf32>
        %select_n3A_715 = arith.select %gt3A_711, %broadcast_in_dim3A_714, %select_n3A_703 : vector<16xi1>, vector<16xf32>
        %add3A_716 = arith.constant 34 : i32
        %add3A_717 = vector.broadcast %add3A_716 : i32 to vector<16xi32>
        %add3A_718 = arith.addi %mul3A_89, %add3A_717 : vector<16xi32>
        %add3A_719 = arith.constant 23 : i32
        %add3A_720 = vector.broadcast %add3A_719 : i32 to vector<16xi32>
        %add3A_721 = arith.addi %add3A_718, %add3A_720 : vector<16xi32>
        %gather3A_722 = tpu.vector_load_idx %arg5[%add3A_721] : memref<33792xf32, #tpu.memory_space<vmem>>[vector<16xi32>], vector<16xf32>,
        %gt3A_723 = arith.cmpf ogt, %gather3A_722, %select_n3A_712 : vector<16xf32>
        %select_n3A_724 = arith.select %gt3A_723, %gather3A_722, %select_n3A_712 : vector<16xi1>, vector<16xf32>
        %jit3A_725 = arith.constant 2.300000e+01 : f32
        %broadcast_in_dim3A_726 = vector.broadcast %jit3A_725 : f32 to vector<16xf32>
        %select_n3A_727 = arith.select %gt3A_723, %broadcast_in_dim3A_726, %select_n3A_715 : vector<16xi1>, vector<16xf32>
        %add3A_728 = arith.constant 34 : i32
        %add3A_729 = vector.broadcast %add3A_728 : i32 to vector<16xi32>
        %add3A_730 = arith.addi %mul3A_89, %add3A_729 : vector<16xi32>
        %add3A_731 = arith.constant 24 : i32
        %add3A_732 = vector.broadcast %add3A_731 : i32 to vector<16xi32>
        %add3A_733 = arith.addi %add3A_730, %add3A_732 : vector<16xi32>
        %gather3A_734 = tpu.vector_load_idx %arg5[%add3A_733] : memref<33792xf32, #tpu.memory_space<vmem>>[vector<16xi32>], vector<16xf32>,
        %gt3A_735 = arith.cmpf ogt, %gather3A_734, %select_n3A_724 : vector<16xf32>
        %select_n3A_736 = arith.select %gt3A_735, %gather3A_734, %select_n3A_724 : vector<16xi1>, vector<16xf32>
        %jit3A_737 = arith.constant 2.400000e+01 : f32
        %broadcast_in_dim3A_738 = vector.broadcast %jit3A_737 : f32 to vector<16xf32>
        %select_n3A_739 = arith.select %gt3A_735, %broadcast_in_dim3A_738, %select_n3A_727 : vector<16xi1>, vector<16xf32>
        %add3A_740 = arith.constant 34 : i32
        %add3A_741 = vector.broadcast %add3A_740 : i32 to vector<16xi32>
        %add3A_742 = arith.addi %mul3A_89, %add3A_741 : vector<16xi32>
        %add3A_743 = arith.constant 25 : i32
        %add3A_744 = vector.broadcast %add3A_743 : i32 to vector<16xi32>
        %add3A_745 = arith.addi %add3A_742, %add3A_744 : vector<16xi32>
        %gather3A_746 = tpu.vector_load_idx %arg5[%add3A_745] : memref<33792xf32, #tpu.memory_space<vmem>>[vector<16xi32>], vector<16xf32>,
        %gt3A_747 = arith.cmpf ogt, %gather3A_746, %select_n3A_736 : vector<16xf32>
        %select_n3A_748 = arith.select %gt3A_747, %gather3A_746, %select_n3A_736 : vector<16xi1>, vector<16xf32>
        %jit3A_749 = arith.constant 2.500000e+01 : f32
        %broadcast_in_dim3A_750 = vector.broadcast %jit3A_749 : f32 to vector<16xf32>
        %select_n3A_751 = arith.select %gt3A_747, %broadcast_in_dim3A_750, %select_n3A_739 : vector<16xi1>, vector<16xf32>
        %add3A_752 = arith.constant 34 : i32
        %add3A_753 = vector.broadcast %add3A_752 : i32 to vector<16xi32>
        %add3A_754 = arith.addi %mul3A_89, %add3A_753 : vector<16xi32>
        %add3A_755 = arith.constant 26 : i32
        %add3A_756 = vector.broadcast %add3A_755 : i32 to vector<16xi32>
        %add3A_757 = arith.addi %add3A_754, %add3A_756 : vector<16xi32>
        %gather3A_758 = tpu.vector_load_idx %arg5[%add3A_757] : memref<33792xf32, #tpu.memory_space<vmem>>[vector<16xi32>], vector<16xf32>,
        %gt3A_759 = arith.cmpf ogt, %gather3A_758, %select_n3A_748 : vector<16xf32>
        %select_n3A_760 = arith.select %gt3A_759, %gather3A_758, %select_n3A_748 : vector<16xi1>, vector<16xf32>
        %jit3A_761 = arith.constant 2.600000e+01 : f32
        %broadcast_in_dim3A_762 = vector.broadcast %jit3A_761 : f32 to vector<16xf32>
        %select_n3A_763 = arith.select %gt3A_759, %broadcast_in_dim3A_762, %select_n3A_751 : vector<16xi1>, vector<16xf32>
        %add3A_764 = arith.constant 34 : i32
        %add3A_765 = vector.broadcast %add3A_764 : i32 to vector<16xi32>
        %add3A_766 = arith.addi %mul3A_89, %add3A_765 : vector<16xi32>
        %add3A_767 = arith.constant 27 : i32
        %add3A_768 = vector.broadcast %add3A_767 : i32 to vector<16xi32>
        %add3A_769 = arith.addi %add3A_766, %add3A_768 : vector<16xi32>
        %gather3A_770 = tpu.vector_load_idx %arg5[%add3A_769] : memref<33792xf32, #tpu.memory_space<vmem>>[vector<16xi32>], vector<16xf32>,
        %gt3A_771 = arith.cmpf ogt, %gather3A_770, %select_n3A_760 : vector<16xf32>
        %select_n3A_772 = arith.select %gt3A_771, %gather3A_770, %select_n3A_760 : vector<16xi1>, vector<16xf32>
        %jit3A_773 = arith.constant 2.700000e+01 : f32
        %broadcast_in_dim3A_774 = vector.broadcast %jit3A_773 : f32 to vector<16xf32>
        %select_n3A_775 = arith.select %gt3A_771, %broadcast_in_dim3A_774, %select_n3A_763 : vector<16xi1>, vector<16xf32>
        %add3A_776 = arith.constant 34 : i32
        %add3A_777 = vector.broadcast %add3A_776 : i32 to vector<16xi32>
        %add3A_778 = arith.addi %mul3A_89, %add3A_777 : vector<16xi32>
        %add3A_779 = arith.constant 28 : i32
        %add3A_780 = vector.broadcast %add3A_779 : i32 to vector<16xi32>
        %add3A_781 = arith.addi %add3A_778, %add3A_780 : vector<16xi32>
        %gather3A_782 = tpu.vector_load_idx %arg5[%add3A_781] : memref<33792xf32, #tpu.memory_space<vmem>>[vector<16xi32>], vector<16xf32>,
        %gt3A_783 = arith.cmpf ogt, %gather3A_782, %select_n3A_772 : vector<16xf32>
        %select_n3A_784 = arith.select %gt3A_783, %gather3A_782, %select_n3A_772 : vector<16xi1>, vector<16xf32>
        %jit3A_785 = arith.constant 2.800000e+01 : f32
        %broadcast_in_dim3A_786 = vector.broadcast %jit3A_785 : f32 to vector<16xf32>
        %select_n3A_787 = arith.select %gt3A_783, %broadcast_in_dim3A_786, %select_n3A_775 : vector<16xi1>, vector<16xf32>
        %add3A_788 = arith.constant 34 : i32
        %add3A_789 = vector.broadcast %add3A_788 : i32 to vector<16xi32>
        %add3A_790 = arith.addi %mul3A_89, %add3A_789 : vector<16xi32>
        %add3A_791 = arith.constant 29 : i32
        %add3A_792 = vector.broadcast %add3A_791 : i32 to vector<16xi32>
        %add3A_793 = arith.addi %add3A_790, %add3A_792 : vector<16xi32>
        %gather3A_794 = tpu.vector_load_idx %arg5[%add3A_793] : memref<33792xf32, #tpu.memory_space<vmem>>[vector<16xi32>], vector<16xf32>,
        %gt3A_795 = arith.cmpf ogt, %gather3A_794, %select_n3A_784 : vector<16xf32>
        %select_n3A_796 = arith.select %gt3A_795, %gather3A_794, %select_n3A_784 : vector<16xi1>, vector<16xf32>
        %jit3A_797 = arith.constant 2.900000e+01 : f32
        %broadcast_in_dim3A_798 = vector.broadcast %jit3A_797 : f32 to vector<16xf32>
        %select_n3A_799 = arith.select %gt3A_795, %broadcast_in_dim3A_798, %select_n3A_787 : vector<16xi1>, vector<16xf32>
        %add3A_800 = arith.constant 34 : i32
        %add3A_801 = vector.broadcast %add3A_800 : i32 to vector<16xi32>
        %add3A_802 = arith.addi %mul3A_89, %add3A_801 : vector<16xi32>
        %add3A_803 = arith.constant 30 : i32
        %add3A_804 = vector.broadcast %add3A_803 : i32 to vector<16xi32>
        %add3A_805 = arith.addi %add3A_802, %add3A_804 : vector<16xi32>
        %gather3A_806 = tpu.vector_load_idx %arg5[%add3A_805] : memref<33792xf32, #tpu.memory_space<vmem>>[vector<16xi32>], vector<16xf32>,
        %gt3A_807 = arith.cmpf ogt, %gather3A_806, %select_n3A_796 : vector<16xf32>
        %select_n3A_808 = arith.select %gt3A_807, %gather3A_806, %select_n3A_796 : vector<16xi1>, vector<16xf32>
        %jit3A_809 = arith.constant 3.000000e+01 : f32
        %broadcast_in_dim3A_810 = vector.broadcast %jit3A_809 : f32 to vector<16xf32>
        %select_n3A_811 = arith.select %gt3A_807, %broadcast_in_dim3A_810, %select_n3A_799 : vector<16xi1>, vector<16xf32>
        %add3A_812 = arith.constant 34 : i32
        %add3A_813 = vector.broadcast %add3A_812 : i32 to vector<16xi32>
        %add3A_814 = arith.addi %mul3A_89, %add3A_813 : vector<16xi32>
        %add3A_815 = arith.constant 31 : i32
        %add3A_816 = vector.broadcast %add3A_815 : i32 to vector<16xi32>
        %add3A_817 = arith.addi %add3A_814, %add3A_816 : vector<16xi32>
        %gather3A_818 = tpu.vector_load_idx %arg5[%add3A_817] : memref<33792xf32, #tpu.memory_space<vmem>>[vector<16xi32>], vector<16xf32>,
        %gt3A_819 = arith.cmpf ogt, %gather3A_818, %select_n3A_808 : vector<16xf32>
        %select_n3A_820 = arith.select %gt3A_819, %gather3A_818, %select_n3A_808 : vector<16xi1>, vector<16xf32>
        %jit3A_821 = arith.constant 3.100000e+01 : f32
        %broadcast_in_dim3A_822 = vector.broadcast %jit3A_821 : f32 to vector<16xf32>
        %select_n3A_823 = arith.select %gt3A_819, %broadcast_in_dim3A_822, %select_n3A_811 : vector<16xi1>, vector<16xf32>
        %add3A_824 = arith.constant 10 : i32
        %add3A_825 = vector.broadcast %add3A_824 : i32 to vector<16xi32>
        %add3A_826 = arith.addi %mul3A_92, %add3A_825 : vector<16xi32>
        %add3A_827 = arith.constant 2 : i32
        %add3A_828 = vector.broadcast %add3A_827 : i32 to vector<16xi32>
        %add3A_829 = arith.addi %add3A_826, %add3A_828 : vector<16xi32>
        tpu.vector_store_idx %arg7[%add3A_829], %select_n3A_823 : memref<6656xf32, #tpu.memory_space<vmem>>[vector<16xi32>], vector<16xf32>,
      }
      %scan3A_74 = arith.constant 32 : i32
      %mul3A_75 = arith.constant 512 : i32
      %mul3A_76 = arith.muli %add3A_52, %mul3A_75 : i32
      %add3A_77 = arith.addi %mul3A_2, %mul3A_76 : i32
      %mul3A_78 = arith.constant 13 : i32
      %mul3A_79 = arith.muli %add3A_77, %mul3A_78 : i32
      %dma_start3A_80 = tpu.memref_slice %arg3[%mul3A_79] : memref<3407872xf32, #tpu.memory_space<hbm>> -> memref<6656xf32, #tpu.memory_space<hbm>>
      %dma_start3A_81 = tpu.memref_slice %arg3[%mul3A_79] : memref<3407872xf32, #tpu.memory_space<hbm>> -> memref<6656xf32, #tpu.memory_space<hbm>>
      tpu.enqueue_dma source(%arg7 : memref<6656xf32, #tpu.memory_space<vmem>>) target(%dma_start3A_81 : memref<6656xf32, #tpu.memory_space<hbm>>) target_semaphore(%arg11 : memref<!tpu.dma_semaphore, #tpu.memory_space<semaphore_mem>>)
    }
    %scan3A_11 = arith.constant 8 : i32
    %dma_wait3A = arith.constant 0 : i32
    %dma_wait3A_12 = tpu.memref_slice %arg3[%dma_wait3A] : memref<3407872xf32, #tpu.memory_space<hbm>> -> memref<6656xf32, #tpu.memory_space<hbm>>
    %dma_wait3A_13 = arith.constant 0 : i32
    %dma_wait3A_14 = tpu.memref_slice %arg3[%dma_wait3A_13] : memref<3407872xf32, #tpu.memory_space<hbm>> -> memref<6656xf32, #tpu.memory_space<hbm>>
    tpu.wait_dma2 semaphore(%arg10 : memref<!tpu.dma_semaphore, #tpu.memory_space<semaphore_mem>>) src(%arg6 : memref<6656xf32, #tpu.memory_space<vmem>>) dst(%dma_wait3A_14 : memref<6656xf32, #tpu.memory_space<hbm>>)
    %dma_wait3A_15 = arith.constant 0 : i32
    %dma_wait3A_16 = tpu.memref_slice %arg3[%dma_wait3A_15] : memref<3407872xf32, #tpu.memory_space<hbm>> -> memref<6656xf32, #tpu.memory_space<hbm>>
    %dma_wait3A_17 = arith.constant 0 : i32
    %dma_wait3A_18 = tpu.memref_slice %arg3[%dma_wait3A_17] : memref<3407872xf32, #tpu.memory_space<hbm>> -> memref<6656xf32, #tpu.memory_space<hbm>>
    tpu.wait_dma2 semaphore(%arg11 : memref<!tpu.dma_semaphore, #tpu.memory_space<semaphore_mem>>) src(%arg7 : memref<6656xf32, #tpu.memory_space<vmem>>) dst(%dma_wait3A_18 : memref<6656xf32, #tpu.memory_space<hbm>>)
    return
  }
}

</mosaic_0001>

<sc_bundles>
// kernel: kernel.3.cloned.1.call-start
scs
__scs_entry_jumppad:
0x0: {  	(pc) =	sbr.rel $0x88, $3  }
0x1: {  	(tag) =	ssettag $0x0;
	lr =	simm.s32 $0x1  }
0x2: {  	[smem:$0x3FA0] =	sst lr;
	_ =	strace $0xD0000000  }
0x3: {  	_ = 	snop  }
0x4: {  	_ = 	snop  }
0x5: {  	_ = 	snop  }
0x6: {  	_ = 	snop  }
0x7: {  	_ = 	snop  }
__scs_overlays_trampoline_lowered:
0x8: {  	[smem:$0x3FAF] =	sst s0  }
0x9: {  	[smem:$0x3FB0] =	sst s1  }
0xa: {  	[smem:$0x3FB1] =	sst s2  }
0xb: {  	[smem:$0x3FB2] =	sst s3  }
0xc: {  	[smem:$0x3FB3] =	sst s4  }
0xd: {  	[smem:$0x3FB4] =	sst s5  }
0xe: {  	[smem:$0x3FB5] =	sst s6  }
0xf: {  	[smem:$0x3FB6] =	sst s7  }
0x10: {  	[smem:$0x3FB7] =	sst s8  }
0x11: {  	[smem:$0x3FB8] =	sst s9;
	s0 =	simm.s32 @!p0 $0x0  }
0x12: {  	s1 =	sld [smem:$0x3F9E];
	s0 =	simm.s32 @p0 $0x1  }
0x13: {  	[smem:$0x3FB9] =	sst s0;
	s0 =	simm.s32 @!p1 $0x0  }
0x14: {  	s2 =	sld [smem:$0x3F9D];
	s0 =	simm.s32 @p1 $0x1  }
0x15: {  	[smem:$0x3FBA] =	sst s0;
	s0 =	simm.s32 @!p2 $0x0  }
0x16: {  	s3 =	sld [smem:$0x3FDB];
	s0 =	simm.s32 @p2 $0x1  }
0x17: {  	s4 =	simm.s32 $0x1BF5;
	[smem:$0x3FBC] =	sst s0  }
0x18: {  	s0 =	sld [smem:$0x3F9F];
	_ =	swait.ge [sflag:s4], $0x0  }
0x19: {  	s7 =	sld [smem:$0x3FA0]  }
0x1a: {  	s8 =	sadd.s32 $0xFFFFE003, lr  }
0x1b: {  	s9 =	sadd.s32 $0xFFFFFEF7, lr;
	s5 =	simm.s32 $0xFFFFFFFF;
	p2 =	slt.u32 s8, $0xFFFFF086  }
0x1c: {  	p1 =	slt.u32 s9, $0xF7A;
	s5 =	simm.s32 @!p2 $0x0  }
0x1d: {  	s5 =	simm.s32 @p1 $0x1;
	p0 =	seq.s32 s7, s2  }
0x1e: {  	s7 =	smul.u32 @!p0 $0xF7A, s2;
	p2 =	seq.s32 @!p0 s5, $0x0  }
0x1f: {  	s9 =	smul.u32 $0xF7A, s1;
	s8 =	simm.s32 @!p0 $0x1BF5;
	p2 =	por !p2, p0  }
0x20: {  	[sflag:s8] =	ssyncset.s32 @!p0 $0xFFFFF086;
	s6 =	sadd.s32 @!p0 s3, s7;
	s7 =	simm.s32 @!p0 $0x108  }
0x21: {  	s3 =	sadd.s32 s3, s9;
	s6 =	sadd.s32 @!p0 $0x88, s6;
	s7 =	simm.s32 @p2 $0x1082  }
0x22: {  	[simem:s7], [sflag:s8] =	dma.local @!p0 [hbm:s6], $0xF7A  }
0x23: {  	s9 =	sor.u32 $0xD0000000, s2;
	s6 =	simm.s32 $0x108;
	_ =	swait.ge @!p0 [sflag:s8], $0x0  }
0x24: {  	s3 =	sadd.s32 $0x88, s3;
	s6 =	simm.s32 @!p1 $0x1082;
	[sflag:s4] =	ssyncset.s32 $0xFFFFF086  }
0x25: {  	[simem:s6], [sflag:s4] =	dma.local [hbm:s3], $0xF7A  }
0x26: {  	[smem:$0x3FA0] =	sst s1;
	(tag) =	ssettag s2;
	_ =	strace s9  }
0x27: {  	s1 =	sld [smem:$0x3FB0]  }
0x28: {  	s2 =	sld [smem:$0x3FB1]  }
0x29: {  	s4 =	sld [smem:$0x3FB3]  }
0x2a: {  	p0 =	seq.s32 s5, $0x0;
	s5 =	sld [smem:$0x3FB4]  }
0x2b: {  	s6 =	sld [smem:$0x3FB5]  }
0x2c: {  	s7 =	sld [smem:$0x3FB6]  }
0x2d: {  	s3 =	simm.s32 $0x108;
	s8 =	sld [smem:$0x3FB7]  }
0x2e: {  	s3 =	simm.s32 @!p0 $0x1082;
	s9 =	sld [smem:$0x3FB8]  }
0x2f: {  	lr =	sadd.s32 s0, s3;
	s0 =	sld [smem:$0x3FAF]  }
0x30: {  	s3 =	sld [smem:$0x3FB2]  }
0x31: {  	[smem:$0x3FBB] =	sst s10  }
0x32: {  	s10 =	sld [smem:$0x3FB9];
	_ =	sdelay $0x3  }
0x33: {  	p0 =	seq.s32 s10, $0x1;
	s10 =	sld [smem:$0x3FBB];
	_ =	sdelay $0x3  }
0x34: {  	[smem:$0x3FBB] =	sst s10  }
0x35: {  	s10 =	sld [smem:$0x3FBA];
	_ =	sdelay $0x3  }
0x36: {  	p1 =	seq.s32 s10, $0x1;
	s10 =	sld [smem:$0x3FBB];
	_ =	sdelay $0x3  }
0x37: {  	[smem:$0x3FBB] =	sst s10  }
0x38: {  	s10 =	sld [smem:$0x3FBC]  }
0x39: {  	_ = 	snop;
	(pc) =	sbr.ind lr, $3  }
0x3a: {  	_ = 	snop  }
0x3b: {  	_ = 	snop  }
0x3c: {  	p2 =	seq.s32 s10, $0x1;
	s10 =	sld [smem:$0x3FBB]  }
0x3d: {  	_ =	shalt  }
0x3e: {  	_ =	shalt  }
0x3f: {  	_ =	shalt  }
0x40: {  	_ =	shalt  }
0x41: {  	_ =	shalt  }
0x42: {  	_ =	shalt  }
0x43: {  	_ =	shalt  }
0x44: {  	_ =	shalt  }
0x45: {  	_ =	shalt  }
0x46: {  	_ =	shalt  }
0x47: {  	_ =	shalt  }
0x48: {  	_ =	shalt  }
0x49: {  	_ =	shalt  }
0x4a: {  	_ =	shalt  }
0x4b: {  	_ =	shalt  }
0x4c: {  	_ =	shalt  }
0x4d: {  	_ =	shalt  }
0x4e: {  	_ =	shalt  }
0x4f: {  	_ =	shalt  }
0x50: {  	_ =	shalt  }
0x51: {  	_ =	shalt  }
0x52: {  	_ =	shalt  }
0x53: {  	_ =	shalt  }
0x54: {  	_ =	shalt  }
0x55: {  	_ =	shalt  }
0x56: {  	_ =	shalt  }
0x57: {  	_ =	shalt  }
0x58: {  	_ =	shalt  }
0x59: {  	_ =	shalt  }
0x5a: {  	_ =	shalt  }
0x5b: {  	_ =	shalt  }
0x5c: {  	_ =	shalt  }
0x5d: {  	_ =	shalt  }
0x5e: {  	_ =	shalt  }
0x5f: {  	_ =	shalt  }
0x60: {  	_ =	shalt  }
0x61: {  	_ =	shalt  }
0x62: {  	_ =	shalt  }
0x63: {  	_ =	shalt  }
0x64: {  	_ =	shalt  }
0x65: {  	_ =	shalt  }
0x66: {  	_ =	shalt  }
0x67: {  	_ =	shalt  }
0x68: {  	_ =	shalt  }
0x69: {  	_ =	shalt  }
0x6a: {  	_ =	shalt  }
0x6b: {  	_ =	shalt  }
0x6c: {  	_ =	shalt  }
0x6d: {  	_ =	shalt  }
0x6e: {  	_ =	shalt  }
0x6f: {  	_ =	shalt  }
0x70: {  	_ =	shalt  }
0x71: {  	_ =	shalt  }
0x72: {  	_ =	shalt  }
0x73: {  	_ =	shalt  }
0x74: {  	_ =	shalt  }
0x75: {  	_ =	shalt  }
0x76: {  	_ =	shalt  }
0x77: {  	_ =	shalt  }
0x78: {  	_ =	shalt  }
0x79: {  	_ =	shalt  }
0x7a: {  	_ =	shalt  }
0x7b: {  	_ =	shalt  }
0x7c: {  	_ =	shalt  }
0x7d: {  	_ =	shalt  }
0x7e: {  	_ =	shalt  }
0x7f: {  	_ =	shalt  }
0x80: {  	_ =	shalt  }
0x81: {  	_ =	shalt  }
0x82: {  	_ =	shalt  }
0x83: {  	_ =	shalt  }
0x84: {  	_ =	shalt  }
0x85: {  	_ =	shalt  }
0x86: {  	_ =	shalt  }
0x87: {  	_ =	shalt  }
.Lfunc_end0:
.L_simem_size_0:
called_computation_lowered:
.L_overlay_start_0:
0x88: {  	s2 =	sld [smem:$0x3FD9]  }
0x89: {  	s3 =	sld [smem:$0x3FFE];
	_ =	sdelay $0x1  }
0x8a: {  	s1 =	srdreg.scid  }
0x8b: {  	s0 =	sand.u32 $0x1, s1  }
0x8c: {  	s17 =	sshll.u32 s0, $0xA;
	s2 =	sadd.s32 s3, s2  }
0x8d: {  	s2 =	sadd.s32 s2, s17  }
0x8e: {  	[smem:$0x3FC7] =	sst s2  }
0x8f: {  	_ = 	snop  }
0x90: {  	s2 =	sld [smem:$0x3FD0];
	(tm) =	ssettm $0x1  }
0x91: {  	s18 =	sld [smem:$0x3FFB];
	_ =	sdelay $0x3  }
0x92: {  	_ =	strace s18  }
0x93: {  	s3 =	sld [smem:$0x3FFC];
	_ =	sdelay $0x3  }
0x94: {  	_ =	strace s3  }
0x95: {  	s3 =	sld [smem:$0x3FFD];
	_ =	sdelay $0x3  }
0x96: {  	_ =	strace s3  }
0x97: {  	_ =	strace $0x8FFFFFFF  }
0x98: {  	s19 =	sld [smem:$0x3FDB];
	_ =	sdelay $0x1  }
0x99: {  	s4 =	simm.s32 $_scs_section_size  }
0x9a: {  	s5 =	simm.s32 $_size__tile_overlayer_lowered;
	s6 =	simm.s32 $_tile_overlayer_lowered  }
0x9b: {  	s22 =	simm.s32 $0x1BFF;
	s21 =	sshll.u32 s6, $0x1;
	s3 =	sadd.s32 s4, s19  }
0x9c: {  	s7 =	simm.s32 $0x0;
	s20 =	sshll.u32 s5, $0x1;
	s5 =	sadd.s32 s21, s3  }
0x9d: {  	[timem:s7], [sflag:s22] =	dma.local [hbm:s5], s20  }
0x9e: {  	_ =	swait.ge [sflag:s22], s20  }
0x9f: {  	s4 =	ssub.s32 $0x0, s20;
	[sflag:s22] =	ssyncset.done $0x0  }
0xa0: {  	[sflag:s22] =	ssyncadd.s32 s4;
	_ =	sdelay $0x1  }
0xa1: {  	s23 =	simm.s32 $0x1B8B  }
0xa2: {  	_ =	swait.ge [sflag:s23], $0x1  }
0xa3: {  	[sflag:s23] =	ssyncset.done $0x0  }
0xa4: {  	s25 =	simm.s32 $0x1B8E;
	s24 =	sld [smem:$0x3FFE];
	[sflag:s23] =	ssyncadd.s32 $0xFFFFFFFF  }
0xa5: {  	s26 =	simm.s32 $execute0_lowered;
	[smem:$0x3FD2] =	sst s25  }
0xa6: {  	s5 =	sshll.u32 s26, $0x1;
	_ =	strace $0x80000046;
	[dreg:$0x1] =	wrdreg $0xFFFFFFFF  }
0xa7: {  	s28 =	simm.s32 $_size_execute0_lowered;
	s3 =	sadd.s32 s3, s5;
	[dreg:$0x0] =	wrdreg $0x0  }
0xa8: {  	s5 =	sshll.u32 s28, $0x1;
	[dreg:$0x2] =	wrdreg s3  }
0xa9: {  	[dreg:$0x3] =	wrdreg s5  }
0xaa: {  	[dreg:$0x4] =	wrdreg $0xC0  }
0xab: {  	_ =	task [dreg:s7], $0x5FFFF  }
0xac: {  	[dreg:$0x1] =	wrdreg $0xFFFFFFFF  }
0xad: {  	[dreg:$0x0] =	wrdreg $0x60  }
0xae: {  	[dreg:$0x2] =	wrdreg s24  }
0xaf: {  	[dreg:$0x3] =	wrdreg s2  }
0xb0: {  	[dreg:$0x4] =	wrdreg $0x9  }
0xb1: {  	_ =	task.clear_ibuf [dreg:s7], $0x5FFFF;
	_ =	strace $0x90000046  }
0xb2: {  	s29 =	simm.s32 $0x9;
	_ =	strace $0x80000048  }
0xb3: {  	_ =	swait.ge [sflag:s29], $0x1  }
0xb4: {  	[sflag:s29] =	ssyncadd.s32 $0xFFFFFFFF  }
0xb5: {  	_ =	strace $0x90000048  }
0xb6: {  	_ =	sfence  }
0xb7: {  	s30 =	sld [smem:$0x0];
	_ =	sdelay $0x2  }
0xb8: {  	s31 =	sshll.u32 s1, $0xD;
	s1 =	sshrl.u32 s1, $0x2  }
0xb9: {  	s3 =	sand.u32 $0x4000, s31;
	s1 =	sadd.s32 s1, s30  }
0xba: {  	s0 =	sor.u32 s3, s0;
	s1 =	sshll.u32 s1, $0x11  }
0xbb: {  	s0 =	sor.u32 s1, s0  }
0xbc: {  	s0 =	sadd.s32 $0x8F2B, s0  }
0xbd: {  	[sflag:s0] =	ssyncadd.remote.s32 $0x1  }
0xbe: {  	_ =	sfence.sel $0xFFFF  }
0xbf: {  	[dreg:$0x0] =	wrdreg $0xFFFFFFFF;
	(pc) =	sbr.abs _section_cstart, $3  }
0xc0: {  	[dreg:$0x1] =	wrdreg $0xFFFFFFFF  }
0xc1: {  	_ =	task.clear_ibuf [dreg:s7], $0x2FFFF;
	_ =	strace $0x9FFFFFFF  }
0xc2: {  	(tm) =	ssettm $0x7FFFFFFF  }
0xc3: {  	_ =	shalt  }
tec
execute0_lowered:
.L_overlay_start_1:
0x0: {  	(tag) =	ssettag $0x1  }
0x1: {  	s4 =	rddreg [dreg:$0x0]  }
0x2: {  	s2 =	rddreg [dreg:$0x1]  }
0x3: {  	s0 =	rddreg [dreg:$0x2]  }
0x4: {  	s5 =	srdreg.scid;
	s1 =	stileid.u32  }
0x5: {  	s3 =	simm.s32 $0x0;
	s10 =	simm.s32 $0x8400;
	s11 =	simm.s32 $0x1  }
0x6: {  	s12 =	simm.s32 $0x10800;
	s13 =	simm.s32 $0x2;
	s14 =	simm.s32 $0x4  }
0x7: {  	s15 =	simm.s32 $0x12200;
	s16 =	simm.s32 $0x3;
	s17 =	simm.s32 $0x0  }
0x8: {  	s5 =	sand.u32 $0x1, s5;
	s6 =	sshll.u32 s1, $0x1;
	[smem:$0x7FF] =	sst s3  }
0x9: {  	s4 =	sadd.s32 $0x400400, s4;
	s7 =	ssub.s32 $0x2, s5;
	s5 =	sor.u32 s5, s6  }
0xa: {  	s31 =	sshrl.u32 s7, $0x1;
	s8 =	smul.u32 $0x10800, s5;
	s5 =	sshll.u32 s5, $0xD  }
0xb: {  	_ =	strace $0x80000047;
	s9 =	ssub.s32 s7, s31;
	s7 =	sor.u32 $0x200, s5  }
0xc: {  	v0 =	vlaneseq.u32;
	v1 =	vimm.f32 $0.0e+00;
	s6 =	sadd.s32 s4, s8;
	s8 =	sor.u32 $0x400, s5;
	s9 =	smax.u32 s9, $0x1  }
.LBB2_1:
0xd: {  	[tilespmem:s3], [sflag:$0x1] =	stream.linear.gather [hbm4b:s6+s3], $0x8400, $0x38;
	[tilespmem:$0x13C00] =	vst v63  }
0xe: {  	s18 =	simm.s32 $0x0  }
.LBB2_2:
0xf: {  	s20 =	sshll.u32 s18, $0xA  }
0x10: {  	s19 =	sadd.s32 s7, s20  }
0x11: {  	s21 =	smul.u32 $0x42, s19;
	_ =	sdelay $0x1  }
0x12: {  	s21 =	sshrl.u32 s21, $0x3  }
0x13: {  	s22 =	simm.s32 $0x0;
	s21 =	sadd.s32 s4, s21  }
0x14: {  	v3 =	vor.u32 s22, v0;
	[tilespmem:s10], [sflag:$0x2] =	stream.linear.gather [hbm4b:s21+s3], $0x8400, $0x38;
	[tilespmem:$0x13C00] =	vst v63  }
0x15: {  	v2 =	vmul.u32 $0x42, v3;
	_ =	swait.ge [sflag:s11], $0x8400  }
0x16: {  	p0 =	seq.s32 s18, $0x0;
	[sflag:s11] =	ssyncset.done $0x0  }
0x17: {  	s21 =	simm.s32 @!p0 $0x3;
	[sflag:s11] =	ssyncadd.s32 $0xFFFF7C00  }
0x18: {  	_ =	swait.ge @!p0 [sflag:s21], $0x1A00  }
0x19: {  	[sflag:s21] =	ssyncset.done @!p0 $0x0  }
0x1a: {  	v3 =	vmul.u32 $0xD, v3;
	[sflag:s21] =	ssyncadd.s32 @!p0 $0xFFFFE600  }
0x1b: {  	v4 =	vld.idx.msk [tilespmem:v2+s3+$0x0], $0xffff  }
0x1c: {  	v5 =	vor.u32 $0x1, v2;
	_ =	sdelay $0x3  }
0x1d: {  	[tilespmem:v3+s12+$0x0] =	vst.idx.msk $0xffff, v4  }
0x1e: {  	v4 =	vld.idx.msk [tilespmem:v5+s3+$0x0], $0xffff;
	v5 =	vadd.s32 $0x1, v3  }
0x1f: {  	v6 =	vadd.s32 $0x2, v2;
	_ =	sdelay $0x3  }
0x20: {  	[tilespmem:v5+s12+$0x0] =	vst.idx.msk $0xffff, v4  }
0x21: {  	v5 =	vadd.s32 $0x2, v3;
	v4 =	vld.idx.msk [tilespmem:v6+s3+$0x0], $0xffff  }
0x22: {  	v6 =	vadd.s32 $0x3, v2;
	_ =	sdelay $0x3  }
0x23: {  	[tilespmem:v5+s12+$0x0] =	vst.idx.msk $0xffff, v4  }
0x24: {  	v5 =	vadd.s32 $0x3, v3;
	v4 =	vld.idx.msk [tilespmem:v6+s3+$0x0], $0xffff  }
0x25: {  	v6 =	vadd.s32 $0x4, v2;
	_ =	sdelay $0x3  }
0x26: {  	[tilespmem:v5+s12+$0x0] =	vst.idx.msk $0xffff, v4  }
0x27: {  	v5 =	vadd.s32 $0x4, v3;
	v4 =	vld.idx.msk [tilespmem:v6+s3+$0x0], $0xffff  }
0x28: {  	v6 =	vadd.s32 $0x5, v2;
	_ =	sdelay $0x3  }
0x29: {  	[tilespmem:v5+s12+$0x0] =	vst.idx.msk $0xffff, v4  }
0x2a: {  	v5 =	vadd.s32 $0x5, v3;
	v4 =	vld.idx.msk [tilespmem:v6+s3+$0x0], $0xffff  }
0x2b: {  	v6 =	vadd.s32 $0x6, v2;
	_ =	sdelay $0x3  }
0x2c: {  	[tilespmem:v5+s12+$0x0] =	vst.idx.msk $0xffff, v4  }
0x2d: {  	v5 =	vadd.s32 $0x6, v3;
	v4 =	vld.idx.msk [tilespmem:v6+s3+$0x0], $0xffff  }
0x2e: {  	v6 =	vadd.s32 $0x7, v2;
	_ =	sdelay $0x3  }
0x2f: {  	[tilespmem:v5+s12+$0x0] =	vst.idx.msk $0xffff, v4  }
0x30: {  	v4 =	vand.u32 $0xFFFE, v2;
	v5 =	vld.idx.msk [tilespmem:v6+s3+$0x0], $0xffff;
	v6 =	vadd.s32 $0x7, v3  }
0x31: {  	v7 =	vadd.s32 $0x8, v4;
	_ =	sdelay $0x3  }
0x32: {  	v8 =	vand.u32 $0x1FFF, v3;
	[tilespmem:v6+s12+$0x0] =	vst.idx.msk $0xffff, v5  }
0x33: {  	v6 =	vadd.s32 $0x8, v8;
	v5 =	vld.idx.msk [tilespmem:v7+s3+$0x0], $0xffff  }
0x34: {  	v7 =	vadd.s32 $0x9, v2;
	_ =	sdelay $0x3  }
0x35: {  	[tilespmem:v6+s12+$0x0] =	vst.idx.msk $0xffff, v5  }
0x36: {  	v6 =	vadd.s32 $0x9, v3;
	v5 =	vld.idx.msk [tilespmem:v7+s3+$0x0], $0xffff  }
0x37: {  	v7 =	vadd.s32 $0xA, v2  }
0x38: {  	v8 =	vadd.s32 $0xB, v2;
	_ =	sdelay $0x1  }
0x39: {  	v9 =	vadd.s32 $0xC, v2  }
0x3a: {  	[tilespmem:v6+s12+$0x0] =	vst.idx.msk $0xffff, v5  }
0x3b: {  	v5 =	vadd.s32 $0xD, v2;
	v6 =	vld.idx.msk [tilespmem:v7+s3+$0x0], $0xffff  }
0x3c: {  	v7 =	vld.idx.msk [tilespmem:v8+s3+$0x0], $0xffff  }
0x3d: {  	v8 =	vadd.s32 $0xE, v2  }
0x3e: {  	v9 =	vld.idx.msk [tilespmem:v9+s3+$0x0], $0xffff  }
0x3f: {  	v10 =	vadd.s32 $0xF, v2  }
0x40: {  	v5 =	vld.idx.msk [tilespmem:v5+s3+$0x0], $0xffff  }
0x41: {  	v11 =	vadd.s32 $0x10, v4;
	vm0 =	vgt.f32 v7, v6  }
0x42: {  	v8 =	vld.idx.msk [tilespmem:v8+s3+$0x0], $0xffff;
	v6 =	vsel vm0, v7, v6  }
0x43: {  	v7 =	vadd.s32 $0x11, v2;
	vm1 =	vgt.f32 v9, v6  }
0x44: {  	v10 =	vld.idx.msk [tilespmem:v10+s3+$0x0], $0xffff;
	v6 =	vsel vm1, v9, v6  }
0x45: {  	vm2 =	vgt.f32 v5, v6  }
0x46: {  	v9 =	vld.idx.msk [tilespmem:v11+s3+$0x0], $0xffff;
	v5 =	vsel vm2, v5, v6  }
0x47: {  	vm3 =	vgt.f32 v8, v5  }
0x48: {  	v6 =	vld.idx.msk [tilespmem:v7+s3+$0x0], $0xffff;
	v7 =	vsel vm0, $0x3F800000, v1;
	v5 =	vsel vm3, v8, v5  }
0x49: {  	v7 =	vsel vm1, $0x40000000, v7;
	vm9 =	vgt.f32 v10, v5  }
0x4a: {  	v8 =	vadd.s32 $0xA, v3;
	v7 =	vsel vm2, $0x40400000, v7;
	v5 =	vsel vm9, v10, v5  }
0x4b: {  	v7 =	vsel vm3, $0x40800000, v7;
	v10 =	vadd.s32 $0x12, v2;
	vm10 =	vgt.f32 v9, v5  }
0x4c: {  	v7 =	vsel vm9, $0x40A00000, v7;
	v5 =	vsel vm10, v9, v5;
	v9 =	vadd.s32 $0x13, v2  }
0x4d: {  	v7 =	vsel vm10, $0x40C00000, v7;
	vm11 =	vgt.f32 v6, v5  }
0x4e: {  	v5 =	vadd.s32 $0x14, v2;
	v6 =	vsel vm11, $0x40E00000, v7  }
0x4f: {  	[tilespmem:v8+s12+$0x0] =	vst.idx.msk $0xffff, v6  }
0x50: {  	v6 =	vadd.s32 $0x15, v2;
	v7 =	vld.idx.msk [tilespmem:v10+s3+$0x0], $0xffff  }
0x51: {  	v8 =	vld.idx.msk [tilespmem:v9+s3+$0x0], $0xffff  }
0x52: {  	v9 =	vadd.s32 $0x16, v2  }
0x53: {  	v5 =	vld.idx.msk [tilespmem:v5+s3+$0x0], $0xffff  }
0x54: {  	v10 =	vadd.s32 $0x17, v2  }
0x55: {  	v6 =	vld.idx.msk [tilespmem:v6+s3+$0x0], $0xffff  }
0x56: {  	v11 =	vadd.s32 $0x18, v4;
	vm12 =	vgt.f32 v8, v7  }
0x57: {  	v9 =	vld.idx.msk [tilespmem:v9+s3+$0x0], $0xffff;
	v7 =	vsel vm12, v8, v7  }
0x58: {  	v8 =	vadd.s32 $0x19, v2;
	vm13 =	vgt.f32 v5, v7  }
0x59: {  	v10 =	vld.idx.msk [tilespmem:v10+s3+$0x0], $0xffff;
	v5 =	vsel vm13, v5, v7  }
0x5a: {  	v7 =	vadd.s32 $0x1A, v2;
	vm14 =	vgt.f32 v6, v5  }
0x5b: {  	v11 =	vld.idx.msk [tilespmem:v11+s3+$0x0], $0xffff;
	v5 =	vsel vm14, v6, v5  }
0x5c: {  	v6 =	vadd.s32 $0x1B, v2;
	vm15 =	vgt.f32 v9, v5  }
0x5d: {  	v8 =	vld.idx.msk [tilespmem:v8+s3+$0x0], $0xffff;
	v5 =	vsel vm15, v9, v5  }
0x5e: {  	v9 =	vadd.s32 $0x1C, v2;
	vm4 =	vgt.f32 v10, v5  }
0x5f: {  	v7 =	vld.idx.msk [tilespmem:v7+s3+$0x0], $0xffff;
	v5 =	vsel vm4, v10, v5  }
0x60: {  	v10 =	vadd.s32 $0x1D, v2;
	vm5 =	vgt.f32 v11, v5  }
0x61: {  	v6 =	vld.idx.msk [tilespmem:v6+s3+$0x0], $0xffff;
	v5 =	vsel vm5, v11, v5  }
0x62: {  	v11 =	vadd.s32 $0x1E, v2;
	vm6 =	vgt.f32 v8, v5  }
0x63: {  	v9 =	vld.idx.msk [tilespmem:v9+s3+$0x0], $0xffff;
	v5 =	vsel vm6, v8, v5  }
0x64: {  	v8 =	vadd.s32 $0x1F, v2;
	vm7 =	vgt.f32 v7, v5  }
0x65: {  	v12 =	vsel vm12, $0x3F800000, v1;
	v10 =	vld.idx.msk [tilespmem:v10+s3+$0x0], $0xffff;
	v5 =	vsel vm7, v7, v5  }
0x66: {  	v12 =	vsel vm13, $0x40000000, v12;
	v7 =	vadd.s32 $0x20, v4;
	vm8 =	vgt.f32 v6, v5  }
0x67: {  	v12 =	vsel vm14, $0x40400000, v12;
	v11 =	vld.idx.msk [tilespmem:v11+s3+$0x0], $0xffff;
	v5 =	vsel vm8, v6, v5  }
0x68: {  	v12 =	vsel vm15, $0x40800000, v12;
	v6 =	vadd.s32 $0x21, v2;
	vm9 =	vgt.f32 v9, v5  }
0x69: {  	v12 =	vsel vm4, $0x40A00000, v12;
	v8 =	vld.idx.msk [tilespmem:v8+s3+$0x0], $0xffff;
	v5 =	vsel vm9, v9, v5  }
0x6a: {  	v9 =	vsel vm5, $0x40C00000, v12;
	vm10 =	vgt.f32 v10, v5  }
0x6b: {  	v7 =	vld.idx.msk [tilespmem:v7+s3+$0x0], $0xffff;
	v9 =	vsel vm6, $0x40E00000, v9;
	v5 =	vsel vm10, v10, v5  }
0x6c: {  	v9 =	vsel vm7, $0x41000000, v9;
	vm11 =	vgt.f32 v11, v5  }
0x6d: {  	v6 =	vld.idx.msk [tilespmem:v6+s3+$0x0], $0xffff;
	v9 =	vsel vm8, $0x41100000, v9;
	v5 =	vsel vm11, v11, v5  }
0x6e: {  	v9 =	vsel vm9, $0x41200000, v9;
	vm12 =	vgt.f32 v8, v5  }
0x6f: {  	v9 =	vsel vm10, $0x41300000, v9;
	v5 =	vsel vm12, v8, v5;
	v8 =	vadd.s32 $0xB, v3  }
0x70: {  	v10 =	vadd.s32 $0x22, v2;
	v9 =	vsel vm11, $0x41400000, v9;
	vm13 =	vgt.f32 v7, v5  }
0x71: {  	v9 =	vsel vm12, $0x41500000, v9;
	v5 =	vsel vm13, v7, v5;
	v7 =	vadd.s32 $0x23, v2  }
0x72: {  	v9 =	vsel vm13, $0x41600000, v9;
	vm14 =	vgt.f32 v6, v5  }
0x73: {  	v5 =	vadd.s32 $0x24, v2;
	v6 =	vsel vm14, $0x41700000, v9  }
0x74: {  	[tilespmem:v8+s12+$0x0] =	vst.idx.msk $0xffff, v6  }
0x75: {  	v6 =	vadd.s32 $0x25, v2;
	v8 =	vld.idx.msk [tilespmem:v10+s3+$0x0], $0xffff  }
0x76: {  	v7 =	vld.idx.msk [tilespmem:v7+s3+$0x0], $0xffff  }
0x77: {  	v9 =	vadd.s32 $0x26, v2  }
0x78: {  	v5 =	vld.idx.msk [tilespmem:v5+s3+$0x0], $0xffff  }
0x79: {  	v10 =	vadd.s32 $0x27, v2  }
0x7a: {  	v6 =	vld.idx.msk [tilespmem:v6+s3+$0x0], $0xffff  }
0x7b: {  	v11 =	vadd.s32 $0x28, v4;
	vm0 =	vgt.f32 v7, v8  }
0x7c: {  	v9 =	vld.idx.msk [tilespmem:v9+s3+$0x0], $0xffff;
	v7 =	vsel vm0, v7, v8  }
0x7d: {  	v8 =	vadd.s32 $0x29, v2;
	vm1 =	vgt.f32 v5, v7  }
0x7e: {  	v10 =	vld.idx.msk [tilespmem:v10+s3+$0x0], $0xffff;
	v5 =	vsel vm1, v5, v7  }
0x7f: {  	v7 =	vadd.s32 $0x2A, v2;
	vm2 =	vgt.f32 v6, v5  }
0x80: {  	v11 =	vld.idx.msk [tilespmem:v11+s3+$0x0], $0xffff;
	v5 =	vsel vm2, v6, v5  }
0x81: {  	v6 =	vadd.s32 $0x2B, v2;
	vm3 =	vgt.f32 v9, v5  }
0x82: {  	v8 =	vld.idx.msk [tilespmem:v8+s3+$0x0], $0xffff;
	v5 =	vsel vm3, v9, v5  }
0x83: {  	v9 =	vadd.s32 $0x2C, v2;
	vm4 =	vgt.f32 v10, v5  }
0x84: {  	v7 =	vld.idx.msk [tilespmem:v7+s3+$0x0], $0xffff;
	v5 =	vsel vm4, v10, v5  }
0x85: {  	v10 =	vadd.s32 $0x2D, v2;
	vm5 =	vgt.f32 v11, v5  }
0x86: {  	v6 =	vld.idx.msk [tilespmem:v6+s3+$0x0], $0xffff;
	v5 =	vsel vm5, v11, v5  }
0x87: {  	v11 =	vadd.s32 $0x2E, v2;
	vm6 =	vgt.f32 v8, v5  }
0x88: {  	v9 =	vld.idx.msk [tilespmem:v9+s3+$0x0], $0xffff;
	v5 =	vsel vm6, v8, v5  }
0x89: {  	v8 =	vadd.s32 $0x2F, v2;
	vm7 =	vgt.f32 v7, v5  }
0x8a: {  	v10 =	vld.idx.msk [tilespmem:v10+s3+$0x0], $0xffff;
	v5 =	vsel vm7, v7, v5  }
0x8b: {  	v7 =	vadd.s32 $0x30, v4;
	vm8 =	vgt.f32 v6, v5  }
0x8c: {  	v11 =	vld.idx.msk [tilespmem:v11+s3+$0x0], $0xffff;
	v5 =	vsel vm8, v6, v5  }
0x8d: {  	v6 =	vadd.s32 $0x31, v2;
	vm9 =	vgt.f32 v9, v5  }
0x8e: {  	v8 =	vld.idx.msk [tilespmem:v8+s3+$0x0], $0xffff;
	v5 =	vsel vm9, v9, v5  }
0x8f: {  	v9 =	vadd.s32 $0x32, v2;
	vm10 =	vgt.f32 v10, v5  }
0x90: {  	v7 =	vld.idx.msk [tilespmem:v7+s3+$0x0], $0xffff;
	v5 =	vsel vm10, v10, v5  }
0x91: {  	v10 =	vadd.s32 $0x33, v2;
	vm11 =	vgt.f32 v11, v5  }
0x92: {  	v6 =	vld.idx.msk [tilespmem:v6+s3+$0x0], $0xffff;
	v5 =	vsel vm11, v11, v5  }
0x93: {  	v11 =	vadd.s32 $0x34, v2;
	vm12 =	vgt.f32 v8, v5  }
0x94: {  	v9 =	vld.idx.msk [tilespmem:v9+s3+$0x0], $0xffff;
	v5 =	vsel vm12, v8, v5  }
0x95: {  	v8 =	vadd.s32 $0x35, v2;
	vm13 =	vgt.f32 v7, v5  }
0x96: {  	v10 =	vld.idx.msk [tilespmem:v10+s3+$0x0], $0xffff;
	v5 =	vsel vm13, v7, v5  }
0x97: {  	v7 =	vadd.s32 $0x36, v2;
	vm14 =	vgt.f32 v6, v5  }
0x98: {  	v63 =	vsel vm0, $0x3F800000, v1;
	v11 =	vld.idx.msk [tilespmem:v11+s3+$0x0], $0xffff;
	v5 =	vsel vm14, v6, v5  }
0x99: {  	v12 =	vsel vm1, $0x40000000, v63;
	v6 =	vadd.s32 $0x37, v2;
	vm0 =	vgt.f32 v9, v5  }
0x9a: {  	v12 =	vsel vm2, $0x40400000, v12;
	v8 =	vld.idx.msk [tilespmem:v8+s3+$0x0], $0xffff;
	v5 =	vsel vm0, v9, v5  }
0x9b: {  	v12 =	vsel vm3, $0x40800000, v12;
	v9 =	vadd.s32 $0x38, v4;
	vm1 =	vgt.f32 v10, v5  }
0x9c: {  	v12 =	vsel vm4, $0x40A00000, v12;
	v7 =	vld.idx.msk [tilespmem:v7+s3+$0x0], $0xffff;
	v5 =	vsel vm1, v10, v5  }
0x9d: {  	v12 =	vsel vm5, $0x40C00000, v12;
	v10 =	vadd.s32 $0x39, v2;
	vm2 =	vgt.f32 v11, v5  }
0x9e: {  	v12 =	vsel vm6, $0x40E00000, v12;
	v6 =	vld.idx.msk [tilespmem:v6+s3+$0x0], $0xffff;
	v5 =	vsel vm2, v11, v5  }
0x9f: {  	v12 =	vsel vm7, $0x41000000, v12;
	v11 =	vadd.s32 $0x3A, v2;
	vm3 =	vgt.f32 v8, v5  }
0xa0: {  	v12 =	vsel vm8, $0x41100000, v12;
	v9 =	vld.idx.msk [tilespmem:v9+s3+$0x0], $0xffff;
	v5 =	vsel vm3, v8, v5  }
0xa1: {  	v12 =	vsel vm9, $0x41200000, v12;
	v8 =	vadd.s32 $0x3B, v2;
	vm4 =	vgt.f32 v7, v5  }
0xa2: {  	v12 =	vsel vm10, $0x41300000, v12;
	v10 =	vld.idx.msk [tilespmem:v10+s3+$0x0], $0xffff;
	v5 =	vsel vm4, v7, v5  }
0xa3: {  	v12 =	vsel vm11, $0x41400000, v12;
	v7 =	vadd.s32 $0x3C, v2;
	vm5 =	vgt.f32 v6, v5  }
0xa4: {  	v12 =	vsel vm12, $0x41500000, v12;
	v11 =	vld.idx.msk [tilespmem:v11+s3+$0x0], $0xffff;
	v5 =	vsel vm5, v6, v5  }
0xa5: {  	v12 =	vsel vm13, $0x41600000, v12;
	v6 =	vadd.s32 $0x3D, v2;
	vm15 =	vgt.f32 v9, v5  }
0xa6: {  	v12 =	vsel vm14, $0x41700000, v12;
	v8 =	vld.idx.msk [tilespmem:v8+s3+$0x0], $0xffff;
	v5 =	vsel vm15, v9, v5  }
0xa7: {  	v12 =	vsel vm0, $0x41800000, v12;
	v9 =	vadd.s32 $0x3E, v2;
	vm9 =	vgt.f32 v10, v5  }
0xa8: {  	v12 =	vsel vm1, $0x41880000, v12;
	v7 =	vld.idx.msk [tilespmem:v7+s3+$0x0], $0xffff;
	v5 =	vsel vm9, v10, v5  }
0xa9: {  	v12 =	vsel vm2, $0x41900000, v12;
	v10 =	vadd.s32 $0x3F, v2;
	vm10 =	vgt.f32 v11, v5  }
0xaa: {  	v12 =	vsel vm3, $0x41980000, v12;
	v6 =	vld.idx.msk [tilespmem:v6+s3+$0x0], $0xffff;
	v5 =	vsel vm10, v11, v5  }
0xab: {  	v4 =	vadd.s32 $0x40, v4;
	v11 =	vsel vm4, $0x41A00000, v12;
	vm11 =	vgt.f32 v8, v5  }
0xac: {  	v9 =	vld.idx.msk [tilespmem:v9+s3+$0x0], $0xffff;
	v11 =	vsel vm5, $0x41A80000, v11;
	v5 =	vsel vm11, v8, v5  }
0xad: {  	v2 =	vadd.s32 $0x41, v2;
	v8 =	vsel vm15, $0x41B00000, v11;
	vm12 =	vgt.f32 v7, v5  }
0xae: {  	v10 =	vld.idx.msk [tilespmem:v10+s3+$0x0], $0xffff;
	v8 =	vsel vm9, $0x41B80000, v8;
	v5 =	vsel vm12, v7, v5  }
0xaf: {  	v7 =	vsel vm10, $0x41C00000, v8;
	vm13 =	vgt.f32 v6, v5  }
0xb0: {  	v4 =	vld.idx.msk [tilespmem:v4+s3+$0x0], $0xffff;
	v7 =	vsel vm11, $0x41C80000, v7;
	v5 =	vsel vm13, v6, v5  }
0xb1: {  	v6 =	vsel vm12, $0x41D00000, v7;
	vm14 =	vgt.f32 v9, v5  }
0xb2: {  	s31 =	simm.s32 $0x10;
	v3 =	vadd.s32 $0xC, v3;
	v7 =	vsel vm13, $0x41D80000, v6;
	v8 =	vsel vm14, v9, v5;
	v5 =	vld.idx.msk [tilespmem:v2+s3+$0x0], $0xffff  }
0xb3: {  	v6 =	vor.u32 s31, v0;
	v9 =	vsel vm14, $0x41E00000, v7;
	vm15 =	vgt.f32 v10, v8  }
0xb4: {  	s21 =	simm.s32 $0x20;
	v2 =	vmul.u32 $0x42, v6;
	v7 =	vsel vm15, v10, v8;
	v8 =	vsel vm15, $0x41E80000, v9  }
.LBB2_3:
0xb5: {  	p1 =	sne.s32 s21, $0x1F0;
	vm0 =	vgt.f32 v4, v7;
	s22 =	smov.u32 s21;
	s21 =	sadd.s32 $0x10, s21  }
0xb6: {  	v4 =	vsel vm0, v4, v7;
	v7 =	vsel vm0, $0x41F00000, v8  }
0xb7: {  	vm0 =	vgt.f32 v5, v4  }
0xb8: {  	v4 =	vsel vm0, $0x41F80000, v7  }
0xb9: {  	[tilespmem:v3+s12+$0x0] =	vst.idx.msk $0xffff, v4  }
0xba: {  	v3 =	vmul.u32 $0xD, v6;
	v4 =	vld.idx.msk [tilespmem:v2+s3+$0x0], $0xffff;
	_ =	sdelay $0x1  }
0xbb: {  	v5 =	vor.u32 $0x1, v2;
	v6 =	vand.u32 $0x1FFF, v3;
	_ =	sdelay $0x3  }
0xbc: {  	[tilespmem:v3+s12+$0x0] =	vst.idx.msk $0xffff, v4  }
0xbd: {  	v4 =	vld.idx.msk [tilespmem:v5+s3+$0x0], $0xffff  }
0xbe: {  	v5 =	vadd.s32 $0x1, v3  }
0xbf: {  	v7 =	vadd.s32 $0x2, v2;
	_ =	sdelay $0x3  }
0xc0: {  	[tilespmem:v5+s12+$0x0] =	vst.idx.msk $0xffff, v4  }
0xc1: {  	v4 =	vld.idx.msk [tilespmem:v7+s3+$0x0], $0xffff  }
0xc2: {  	v5 =	vadd.s32 $0x2, v3  }
0xc3: {  	v7 =	vadd.s32 $0x3, v2;
	_ =	sdelay $0x3  }
0xc4: {  	[tilespmem:v5+s12+$0x0] =	vst.idx.msk $0xffff, v4  }
0xc5: {  	v4 =	vld.idx.msk [tilespmem:v7+s3+$0x0], $0xffff  }
0xc6: {  	v5 =	vadd.s32 $0x3, v3  }
0xc7: {  	v7 =	vadd.s32 $0x4, v2;
	_ =	sdelay $0x3  }
0xc8: {  	[tilespmem:v5+s12+$0x0] =	vst.idx.msk $0xffff, v4  }
0xc9: {  	v4 =	vld.idx.msk [tilespmem:v7+s3+$0x0], $0xffff  }
0xca: {  	v5 =	vadd.s32 $0x4, v3  }
0xcb: {  	v7 =	vadd.s32 $0x5, v2;
	_ =	sdelay $0x3  }
0xcc: {  	[tilespmem:v5+s12+$0x0] =	vst.idx.msk $0xffff, v4  }
0xcd: {  	v4 =	vld.idx.msk [tilespmem:v7+s3+$0x0], $0xffff  }
0xce: {  	v5 =	vadd.s32 $0x5, v3  }
0xcf: {  	v7 =	vadd.s32 $0x6, v2;
	_ =	sdelay $0x3  }
0xd0: {  	[tilespmem:v5+s12+$0x0] =	vst.idx.msk $0xffff, v4  }
0xd1: {  	v4 =	vld.idx.msk [tilespmem:v7+s3+$0x0], $0xffff  }
0xd2: {  	v5 =	vadd.s32 $0x6, v3  }
0xd3: {  	v7 =	vadd.s32 $0x7, v2;
	_ =	sdelay $0x3  }
0xd4: {  	[tilespmem:v5+s12+$0x0] =	vst.idx.msk $0xffff, v4  }
0xd5: {  	v5 =	vld.idx.msk [tilespmem:v7+s3+$0x0], $0xffff  }
0xd6: {  	v4 =	vand.u32 $0xFFFE, v2;
	v7 =	vadd.s32 $0x7, v3  }
0xd7: {  	v8 =	vadd.s32 $0x8, v4;
	_ =	sdelay $0x3  }
0xd8: {  	[tilespmem:v7+s12+$0x0] =	vst.idx.msk $0xffff, v5  }
0xd9: {  	v5 =	vld.idx.msk [tilespmem:v8+s3+$0x0], $0xffff  }
0xda: {  	v6 =	vadd.s32 $0x8, v6  }
0xdb: {  	v7 =	vadd.s32 $0x9, v2;
	_ =	sdelay $0x3  }
0xdc: {  	[tilespmem:v6+s12+$0x0] =	vst.idx.msk $0xffff, v5  }
0xdd: {  	v5 =	vld.idx.msk [tilespmem:v7+s3+$0x0], $0xffff  }
0xde: {  	v6 =	vadd.s32 $0x9, v3  }
0xdf: {  	v7 =	vadd.s32 $0xA, v2  }
0xe0: {  	v8 =	vadd.s32 $0xB, v2  }
0xe1: {  	v9 =	vadd.s32 $0xC, v2  }
0xe2: {  	v10 =	vadd.s32 $0xD, v2  }
0xe3: {  	[tilespmem:v6+s12+$0x0] =	vst.idx.msk $0xffff, v5;
	v5 =	vadd.s32 $0xE, v2  }
0xe4: {  	v6 =	vld.idx.msk [tilespmem:v7+s3+$0x0], $0xffff;
	v7 =	vadd.s32 $0xF, v2  }
0xe5: {  	v11 =	vadd.s32 $0x10, v4;
	v8 =	vld.idx.msk [tilespmem:v8+s3+$0x0], $0xffff  }
0xe6: {  	v12 =	vadd.s32 $0x11, v2;
	v9 =	vld.idx.msk [tilespmem:v9+s3+$0x0], $0xffff  }
0xe7: {  	v10 =	vld.idx.msk [tilespmem:v10+s3+$0x0], $0xffff  }
0xe8: {  	v5 =	vld.idx.msk [tilespmem:v5+s3+$0x0], $0xffff  }
0xe9: {  	v7 =	vld.idx.msk [tilespmem:v7+s3+$0x0], $0xffff  }
0xea: {  	v11 =	vld.idx.msk [tilespmem:v11+s3+$0x0], $0xffff  }
0xeb: {  	vm0 =	vgt.f32 v8, v6;
	v12 =	vld.idx.msk [tilespmem:v12+s3+$0x0], $0xffff  }
0xec: {  	v6 =	vsel vm0, v8, v6  }
0xed: {  	vm1 =	vgt.f32 v9, v6  }
0xee: {  	v6 =	vsel vm1, v9, v6  }
0xef: {  	vm2 =	vgt.f32 v10, v6  }
0xf0: {  	v6 =	vsel vm2, v10, v6  }
0xf1: {  	vm3 =	vgt.f32 v5, v6  }
0xf2: {  	v8 =	vsel vm0, $0x3F800000, v1;
	v5 =	vsel vm3, v5, v6  }
0xf3: {  	v6 =	vsel vm1, $0x40000000, v8;
	vm0 =	vgt.f32 v7, v5  }
0xf4: {  	v6 =	vsel vm2, $0x40400000, v6;
	v5 =	vsel vm0, v7, v5;
	v7 =	vadd.s32 $0xA, v3  }
0xf5: {  	v8 =	vadd.s32 $0x12, v2;
	v6 =	vsel vm3, $0x40800000, v6;
	vm1 =	vgt.f32 v11, v5  }
0xf6: {  	v9 =	vadd.s32 $0x13, v2;
	v6 =	vsel vm0, $0x40A00000, v6;
	v5 =	vsel vm1, v11, v5  }
0xf7: {  	v6 =	vsel vm1, $0x40C00000, v6;
	vm0 =	vgt.f32 v12, v5;
	v5 =	vadd.s32 $0x14, v2  }
0xf8: {  	v10 =	vadd.s32 $0x15, v2;
	v6 =	vsel vm0, $0x40E00000, v6  }
0xf9: {  	[tilespmem:v7+s12+$0x0] =	vst.idx.msk $0xffff, v6;
	v6 =	vadd.s32 $0x16, v2  }
0xfa: {  	v7 =	vld.idx.msk [tilespmem:v8+s3+$0x0], $0xffff;
	v8 =	vadd.s32 $0x17, v2  }
0xfb: {  	v11 =	vadd.s32 $0x18, v4;
	v9 =	vld.idx.msk [tilespmem:v9+s3+$0x0], $0xffff  }
0xfc: {  	v12 =	vadd.s32 $0x19, v2;
	v5 =	vld.idx.msk [tilespmem:v5+s3+$0x0], $0xffff  }
0xfd: {  	v13 =	vadd.s32 $0x1A, v2;
	v10 =	vld.idx.msk [tilespmem:v10+s3+$0x0], $0xffff  }
0xfe: {  	v14 =	vadd.s32 $0x1B, v2;
	v6 =	vld.idx.msk [tilespmem:v6+s3+$0x0], $0xffff  }
0xff: {  	v15 =	vadd.s32 $0x1C, v2;
	v8 =	vld.idx.msk [tilespmem:v8+s3+$0x0], $0xffff  }
0x100: {  	v16 =	vadd.s32 $0x1D, v2;
	v11 =	vld.idx.msk [tilespmem:v11+s3+$0x0], $0xffff  }
0x101: {  	v17 =	vadd.s32 $0x1E, v2;
	vm0 =	vgt.f32 v9, v7;
	v12 =	vld.idx.msk [tilespmem:v12+s3+$0x0], $0xffff  }
0x102: {  	v7 =	vsel vm0, v9, v7;
	v9 =	vld.idx.msk [tilespmem:v13+s3+$0x0], $0xffff;
	v13 =	vadd.s32 $0x1F, v2  }
0x103: {  	v18 =	vadd.s32 $0x20, v4;
	vm1 =	vgt.f32 v5, v7;
	v14 =	vld.idx.msk [tilespmem:v14+s3+$0x0], $0xffff  }
0x104: {  	v5 =	vsel vm1, v5, v7;
	v7 =	vld.idx.msk [tilespmem:v15+s3+$0x0], $0xffff;
	v15 =	vadd.s32 $0x21, v2  }
0x105: {  	vm2 =	vgt.f32 v10, v5;
	v16 =	vld.idx.msk [tilespmem:v16+s3+$0x0], $0xffff  }
0x106: {  	v5 =	vsel vm2, v10, v5;
	v10 =	vld.idx.msk [tilespmem:v17+s3+$0x0], $0xffff  }
0x107: {  	vm3 =	vgt.f32 v6, v5;
	v13 =	vld.idx.msk [tilespmem:v13+s3+$0x0], $0xffff  }
0x108: {  	v5 =	vsel vm3, v6, v5;
	v6 =	vld.idx.msk [tilespmem:v18+s3+$0x0], $0xffff  }
0x109: {  	vm4 =	vgt.f32 v8, v5;
	v15 =	vld.idx.msk [tilespmem:v15+s3+$0x0], $0xffff  }
0x10a: {  	v5 =	vsel vm4, v8, v5  }
0x10b: {  	vm5 =	vgt.f32 v11, v5  }
0x10c: {  	v5 =	vsel vm5, v11, v5  }
0x10d: {  	vm6 =	vgt.f32 v12, v5  }
0x10e: {  	v5 =	vsel vm6, v12, v5  }
0x10f: {  	vm7 =	vgt.f32 v9, v5  }
0x110: {  	v8 =	vsel vm0, $0x3F800000, v1;
	v5 =	vsel vm7, v9, v5  }
0x111: {  	v8 =	vsel vm1, $0x40000000, v8;
	vm0 =	vgt.f32 v14, v5  }
0x112: {  	v8 =	vsel vm2, $0x40400000, v8;
	v5 =	vsel vm0, v14, v5  }
0x113: {  	v8 =	vsel vm3, $0x40800000, v8;
	vm1 =	vgt.f32 v7, v5  }
0x114: {  	v8 =	vsel vm4, $0x40A00000, v8;
	v5 =	vsel vm1, v7, v5  }
0x115: {  	v7 =	vsel vm5, $0x40C00000, v8;
	vm2 =	vgt.f32 v16, v5  }
0x116: {  	v7 =	vsel vm6, $0x40E00000, v7;
	v5 =	vsel vm2, v16, v5  }
0x117: {  	v7 =	vsel vm7, $0x41000000, v7;
	vm3 =	vgt.f32 v10, v5  }
0x118: {  	v7 =	vsel vm0, $0x41100000, v7;
	v5 =	vsel vm3, v10, v5  }
0x119: {  	v7 =	vsel vm1, $0x41200000, v7;
	vm0 =	vgt.f32 v13, v5  }
0x11a: {  	v8 =	vadd.s32 $0xB, v3;
	v7 =	vsel vm2, $0x41300000, v7;
	v5 =	vsel vm0, v13, v5  }
0x11b: {  	v9 =	vadd.s32 $0x22, v2;
	v7 =	vsel vm3, $0x41400000, v7;
	vm1 =	vgt.f32 v6, v5  }
0x11c: {  	v7 =	vsel vm0, $0x41500000, v7;
	v5 =	vsel vm1, v6, v5;
	v6 =	vadd.s32 $0x23, v2  }
0x11d: {  	v7 =	vsel vm1, $0x41600000, v7;
	vm0 =	vgt.f32 v15, v5;
	v5 =	vadd.s32 $0x24, v2  }
0x11e: {  	v10 =	vadd.s32 $0x25, v2;
	v7 =	vsel vm0, $0x41700000, v7  }
0x11f: {  	[tilespmem:v8+s12+$0x0] =	vst.idx.msk $0xffff, v7;
	v7 =	vadd.s32 $0x26, v2  }
0x120: {  	v8 =	vld.idx.msk [tilespmem:v9+s3+$0x0], $0xffff;
	v9 =	vadd.s32 $0x27, v2  }
0x121: {  	v11 =	vadd.s32 $0x28, v4;
	v6 =	vld.idx.msk [tilespmem:v6+s3+$0x0], $0xffff  }
0x122: {  	v12 =	vadd.s32 $0x29, v2;
	v5 =	vld.idx.msk [tilespmem:v5+s3+$0x0], $0xffff  }
0x123: {  	v13 =	vadd.s32 $0x2A, v2;
	v10 =	vld.idx.msk [tilespmem:v10+s3+$0x0], $0xffff  }
0x124: {  	v14 =	vadd.s32 $0x2B, v2;
	v7 =	vld.idx.msk [tilespmem:v7+s3+$0x0], $0xffff  }
0x125: {  	v15 =	vadd.s32 $0x2C, v2;
	v9 =	vld.idx.msk [tilespmem:v9+s3+$0x0], $0xffff  }
0x126: {  	v16 =	vadd.s32 $0x2D, v2;
	v11 =	vld.idx.msk [tilespmem:v11+s3+$0x0], $0xffff  }
0x127: {  	v17 =	vadd.s32 $0x2E, v2;
	vm0 =	vgt.f32 v6, v8;
	v12 =	vld.idx.msk [tilespmem:v12+s3+$0x0], $0xffff  }
0x128: {  	v6 =	vsel vm0, v6, v8;
	v8 =	vld.idx.msk [tilespmem:v13+s3+$0x0], $0xffff;
	v13 =	vadd.s32 $0x2F, v2  }
0x129: {  	v18 =	vadd.s32 $0x30, v4;
	vm1 =	vgt.f32 v5, v6;
	v14 =	vld.idx.msk [tilespmem:v14+s3+$0x0], $0xffff  }
0x12a: {  	v5 =	vsel vm1, v5, v6;
	v6 =	vld.idx.msk [tilespmem:v15+s3+$0x0], $0xffff;
	v15 =	vadd.s32 $0x31, v2  }
0x12b: {  	v19 =	vadd.s32 $0x32, v2;
	vm2 =	vgt.f32 v10, v5;
	v16 =	vld.idx.msk [tilespmem:v16+s3+$0x0], $0xffff  }
0x12c: {  	v5 =	vsel vm2, v10, v5;
	v10 =	vld.idx.msk [tilespmem:v17+s3+$0x0], $0xffff;
	v17 =	vadd.s32 $0x33, v2  }
0x12d: {  	v20 =	vadd.s32 $0x34, v2;
	vm3 =	vgt.f32 v7, v5;
	v13 =	vld.idx.msk [tilespmem:v13+s3+$0x0], $0xffff  }
0x12e: {  	v5 =	vsel vm3, v7, v5;
	v7 =	vld.idx.msk [tilespmem:v18+s3+$0x0], $0xffff;
	v18 =	vadd.s32 $0x35, v2  }
0x12f: {  	v21 =	vadd.s32 $0x36, v2;
	vm4 =	vgt.f32 v9, v5;
	v15 =	vld.idx.msk [tilespmem:v15+s3+$0x0], $0xffff  }
0x130: {  	v5 =	vsel vm4, v9, v5;
	v9 =	vld.idx.msk [tilespmem:v19+s3+$0x0], $0xffff;
	v19 =	vadd.s32 $0x37, v2  }
0x131: {  	v22 =	vadd.s32 $0x38, v4;
	vm5 =	vgt.f32 v11, v5;
	v17 =	vld.idx.msk [tilespmem:v17+s3+$0x0], $0xffff  }
0x132: {  	v5 =	vsel vm5, v11, v5;
	v11 =	vld.idx.msk [tilespmem:v20+s3+$0x0], $0xffff;
	v20 =	vadd.s32 $0x39, v2  }
0x133: {  	v23 =	vadd.s32 $0x3A, v2;
	vm6 =	vgt.f32 v12, v5;
	v18 =	vld.idx.msk [tilespmem:v18+s3+$0x0], $0xffff  }
0x134: {  	v5 =	vsel vm6, v12, v5;
	v12 =	vld.idx.msk [tilespmem:v21+s3+$0x0], $0xffff;
	v21 =	vadd.s32 $0x3B, v2  }
0x135: {  	v24 =	vadd.s32 $0x3C, v2;
	vm7 =	vgt.f32 v8, v5;
	v19 =	vld.idx.msk [tilespmem:v19+s3+$0x0], $0xffff  }
0x136: {  	v5 =	vsel vm7, v8, v5;
	v8 =	vld.idx.msk [tilespmem:v22+s3+$0x0], $0xffff;
	v22 =	vadd.s32 $0x3D, v2  }
0x137: {  	v25 =	vadd.s32 $0x3E, v2;
	vm8 =	vgt.f32 v14, v5;
	v20 =	vld.idx.msk [tilespmem:v20+s3+$0x0], $0xffff  }
0x138: {  	v5 =	vsel vm8, v14, v5;
	v14 =	vld.idx.msk [tilespmem:v23+s3+$0x0], $0xffff;
	v23 =	vadd.s32 $0x3F, v2  }
0x139: {  	v4 =	vadd.s32 $0x40, v4;
	vm9 =	vgt.f32 v6, v5;
	v21 =	vld.idx.msk [tilespmem:v21+s3+$0x0], $0xffff  }
0x13a: {  	v2 =	vadd.s32 $0x41, v2;
	v5 =	vsel vm9, v6, v5;
	v6 =	vld.idx.msk [tilespmem:v24+s3+$0x0], $0xffff  }
0x13b: {  	vm10 =	vgt.f32 v16, v5;
	v22 =	vld.idx.msk [tilespmem:v22+s3+$0x0], $0xffff  }
0x13c: {  	v5 =	vsel vm10, v16, v5;
	v16 =	vld.idx.msk [tilespmem:v25+s3+$0x0], $0xffff  }
0x13d: {  	vm11 =	vgt.f32 v10, v5;
	v23 =	vld.idx.msk [tilespmem:v23+s3+$0x0], $0xffff  }
0x13e: {  	v10 =	vsel vm11, v10, v5;
	v4 =	vld.idx.msk [tilespmem:v4+s3+$0x0], $0xffff  }
0x13f: {  	vm12 =	vgt.f32 v13, v10;
	v5 =	vld.idx.msk [tilespmem:v2+s3+$0x0], $0xffff  }
0x140: {  	v2 =	vsel vm12, v13, v10  }
0x141: {  	vm13 =	vgt.f32 v7, v2  }
0x142: {  	v2 =	vsel vm13, v7, v2  }
0x143: {  	vm14 =	vgt.f32 v15, v2  }
0x144: {  	v7 =	vsel vm0, $0x3F800000, v1;
	v2 =	vsel vm14, v15, v2  }
0x145: {  	v7 =	vsel vm1, $0x40000000, v7;
	vm0 =	vgt.f32 v9, v2  }
0x146: {  	v7 =	vsel vm2, $0x40400000, v7;
	v2 =	vsel vm0, v9, v2  }
0x147: {  	v7 =	vsel vm3, $0x40800000, v7;
	vm1 =	vgt.f32 v17, v2  }
0x148: {  	v7 =	vsel vm4, $0x40A00000, v7;
	v2 =	vsel vm1, v17, v2  }
0x149: {  	v7 =	vsel vm5, $0x40C00000, v7;
	vm2 =	vgt.f32 v11, v2  }
0x14a: {  	v7 =	vsel vm6, $0x40E00000, v7;
	v2 =	vsel vm2, v11, v2  }
0x14b: {  	v7 =	vsel vm7, $0x41000000, v7;
	vm3 =	vgt.f32 v18, v2  }
0x14c: {  	v7 =	vsel vm8, $0x41100000, v7;
	v2 =	vsel vm3, v18, v2  }
0x14d: {  	v7 =	vsel vm9, $0x41200000, v7;
	vm4 =	vgt.f32 v12, v2  }
0x14e: {  	v7 =	vsel vm10, $0x41300000, v7;
	v2 =	vsel vm4, v12, v2  }
0x14f: {  	v7 =	vsel vm11, $0x41400000, v7;
	vm5 =	vgt.f32 v19, v2  }
0x150: {  	v7 =	vsel vm12, $0x41500000, v7;
	v2 =	vsel vm5, v19, v2  }
0x151: {  	v7 =	vsel vm13, $0x41600000, v7;
	vm6 =	vgt.f32 v8, v2  }
0x152: {  	v7 =	vsel vm14, $0x41700000, v7;
	v2 =	vsel vm6, v8, v2  }
0x153: {  	v7 =	vsel vm0, $0x41800000, v7;
	vm0 =	vgt.f32 v20, v2  }
0x154: {  	v7 =	vsel vm1, $0x41880000, v7;
	v2 =	vsel vm0, v20, v2  }
0x155: {  	v7 =	vsel vm2, $0x41900000, v7;
	vm1 =	vgt.f32 v14, v2  }
0x156: {  	v7 =	vsel vm3, $0x41980000, v7;
	v2 =	vsel vm1, v14, v2  }
0x157: {  	v7 =	vsel vm4, $0x41A00000, v7;
	vm2 =	vgt.f32 v21, v2  }
0x158: {  	v7 =	vsel vm5, $0x41A80000, v7;
	v2 =	vsel vm2, v21, v2  }
0x159: {  	v7 =	vsel vm6, $0x41B00000, v7;
	vm3 =	vgt.f32 v6, v2  }
0x15a: {  	v7 =	vsel vm0, $0x41B80000, v7;
	v2 =	vsel vm3, v6, v2  }
0x15b: {  	v6 =	vsel vm1, $0x41C00000, v7;
	vm0 =	vgt.f32 v22, v2  }
.Ltmp0:
0x15c: {  	v6 =	vsel vm2, $0x41C80000, v6;
	v2 =	vsel vm0, v22, v2;
	(pc) =	sbr.rel @p1 .LBB2_3-.Ltmp0, $4  }
0x15d: {  	v3 =	vadd.s32 $0xC, v3;
	v7 =	vsel vm3, $0x41D00000, v6;
	vm1 =	vgt.f32 v16, v2  }
0x15e: {  	v6 =	vor.u32 s22, v0;
	v7 =	vsel vm0, $0x41D80000, v7;
	v8 =	vsel vm1, v16, v2  }
0x15f: {  	v2 =	vmul.u32 $0x42, v6;
	v9 =	vsel vm1, $0x41E00000, v7;
	vm0 =	vgt.f32 v23, v8  }
0x160: {  	v7 =	vsel vm0, v23, v8;
	v8 =	vsel vm0, $0x41E80000, v9  }
0x161: {  	vm0 =	vgt.f32 v4, v7  }
0x162: {  	v4 =	vsel vm0, v4, v7  }
0x163: {  	v31 =	vsel vm0, $0x41F00000, v8;
	vm14 =	vgt.f32 v5, v4  }
0x164: {  	v4 =	vsel vm14, $0x41F80000, v31  }
0x165: {  	[tilespmem:v3+s12+$0x0] =	vst.idx.msk $0xffff, v4;
	v3 =	vmul.u32 $0xD, v6  }
0x166: {  	v4 =	vld.idx.msk [tilespmem:v2+s3+$0x0], $0xffff  }
0x167: {  	v32 =	vor.u32 $0x1, v2;
	_ =	sdelay $0x3  }
0x168: {  	[tilespmem:v3+s12+$0x0] =	vst.idx.msk $0xffff, v4  }
0x169: {  	v33 =	vadd.s32 $0x1, v3;
	v4 =	vld.idx.msk [tilespmem:v32+s3+$0x0], $0xffff  }
0x16a: {  	v34 =	vadd.s32 $0x2, v2;
	_ =	sdelay $0x3  }
0x16b: {  	[tilespmem:v33+s12+$0x0] =	vst.idx.msk $0xffff, v4  }
0x16c: {  	v35 =	vadd.s32 $0x2, v3;
	v4 =	vld.idx.msk [tilespmem:v34+s3+$0x0], $0xffff  }
0x16d: {  	v36 =	vadd.s32 $0x3, v2;
	_ =	sdelay $0x3  }
0x16e: {  	[tilespmem:v35+s12+$0x0] =	vst.idx.msk $0xffff, v4  }
0x16f: {  	v37 =	vadd.s32 $0x3, v3;
	v4 =	vld.idx.msk [tilespmem:v36+s3+$0x0], $0xffff  }
0x170: {  	v38 =	vadd.s32 $0x4, v2;
	_ =	sdelay $0x3  }
0x171: {  	[tilespmem:v37+s12+$0x0] =	vst.idx.msk $0xffff, v4  }
0x172: {  	v39 =	vadd.s32 $0x4, v3;
	v4 =	vld.idx.msk [tilespmem:v38+s3+$0x0], $0xffff  }
0x173: {  	v40 =	vadd.s32 $0x5, v2;
	_ =	sdelay $0x3  }
0x174: {  	[tilespmem:v39+s12+$0x0] =	vst.idx.msk $0xffff, v4  }
0x175: {  	v41 =	vadd.s32 $0x5, v3;
	v4 =	vld.idx.msk [tilespmem:v40+s3+$0x0], $0xffff  }
0x176: {  	v42 =	vadd.s32 $0x6, v2;
	_ =	sdelay $0x3  }
0x177: {  	[tilespmem:v41+s12+$0x0] =	vst.idx.msk $0xffff, v4  }
0x178: {  	v43 =	vadd.s32 $0x6, v3;
	v4 =	vld.idx.msk [tilespmem:v42+s3+$0x0], $0xffff  }
0x179: {  	v44 =	vadd.s32 $0x7, v2;
	_ =	sdelay $0x3  }
0x17a: {  	[tilespmem:v43+s12+$0x0] =	vst.idx.msk $0xffff, v4  }
0x17b: {  	v45 =	vadd.s32 $0x7, v3;
	v4 =	vand.u32 $0xFFFE, v2;
	v5 =	vld.idx.msk [tilespmem:v44+s3+$0x0], $0xffff  }
0x17c: {  	v46 =	vadd.s32 $0x8, v4;
	_ =	sdelay $0x3  }
0x17d: {  	v47 =	vand.u32 $0x1FFF, v3;
	[tilespmem:v45+s12+$0x0] =	vst.idx.msk $0xffff, v5  }
0x17e: {  	v48 =	vadd.s32 $0x8, v47;
	v5 =	vld.idx.msk [tilespmem:v46+s3+$0x0], $0xffff  }
0x17f: {  	v49 =	vadd.s32 $0x9, v2;
	_ =	sdelay $0x3  }
0x180: {  	[tilespmem:v48+s12+$0x0] =	vst.idx.msk $0xffff, v5  }
0x181: {  	v50 =	vadd.s32 $0x9, v3;
	v5 =	vld.idx.msk [tilespmem:v49+s3+$0x0], $0xffff  }
0x182: {  	v51 =	vadd.s32 $0xA, v2  }
0x183: {  	v52 =	vadd.s32 $0xB, v2;
	_ =	sdelay $0x1  }
0x184: {  	v9 =	vadd.s32 $0xC, v2  }
0x185: {  	[tilespmem:v50+s12+$0x0] =	vst.idx.msk $0xffff, v5  }
0x186: {  	v53 =	vadd.s32 $0xD, v2;
	v6 =	vld.idx.msk [tilespmem:v51+s3+$0x0], $0xffff  }
0x187: {  	v54 =	vld.idx.msk [tilespmem:v52+s3+$0x0], $0xffff  }
0x188: {  	v55 =	vadd.s32 $0xE, v2  }
0x189: {  	v9 =	vld.idx.msk [tilespmem:v9+s3+$0x0], $0xffff  }
0x18a: {  	v10 =	vadd.s32 $0xF, v2  }
0x18b: {  	v5 =	vld.idx.msk [tilespmem:v53+s3+$0x0], $0xffff  }
0x18c: {  	v11 =	vadd.s32 $0x10, v4;
	vm15 =	vgt.f32 v54, v6  }
0x18d: {  	v8 =	vld.idx.msk [tilespmem:v55+s3+$0x0], $0xffff;
	v6 =	vsel vm15, v54, v6  }
0x18e: {  	v56 =	vadd.s32 $0x11, v2;
	vm1 =	vgt.f32 v9, v6  }
0x18f: {  	v10 =	vld.idx.msk [tilespmem:v10+s3+$0x0], $0xffff;
	v6 =	vsel vm1, v9, v6  }
0x190: {  	vm2 =	vgt.f32 v5, v6  }
0x191: {  	v57 =	vld.idx.msk [tilespmem:v11+s3+$0x0], $0xffff;
	v5 =	vsel vm2, v5, v6  }
0x192: {  	vm3 =	vgt.f32 v8, v5  }
0x193: {  	v58 =	vld.idx.msk [tilespmem:v56+s3+$0x0], $0xffff;
	v59 =	vsel vm15, $0x3F800000, v1;
	v5 =	vsel vm3, v8, v5  }
0x194: {  	v7 =	vsel vm1, $0x40000000, v59;
	vm6 =	vgt.f32 v10, v5  }
0x195: {  	v60 =	vadd.s32 $0xA, v3;
	v7 =	vsel vm2, $0x40400000, v7;
	v5 =	vsel vm6, v10, v5  }
0x196: {  	v61 =	vadd.s32 $0x12, v2;
	v7 =	vsel vm3, $0x40800000, v7;
	vm7 =	vgt.f32 v57, v5  }
0x197: {  	v62 =	vadd.s32 $0x13, v2;
	v7 =	vsel vm6, $0x40A00000, v7;
	v5 =	vsel vm7, v57, v5  }
0x198: {  	v7 =	vsel vm7, $0x40C00000, v7;
	vm8 =	vgt.f32 v58, v5  }
0x199: {  	v63 =	vadd.s32 $0x14, v2;
	v6 =	vsel vm8, $0x40E00000, v7  }
0x19a: {  	[tilespmem:v60+s12+$0x0] =	vst.idx.msk $0xffff, v6  }
0x19b: {  	v12 =	vadd.s32 $0x15, v2;
	v13 =	vld.idx.msk [tilespmem:v61+s3+$0x0], $0xffff  }
0x19c: {  	v8 =	vld.idx.msk [tilespmem:v62+s3+$0x0], $0xffff  }
0x19d: {  	v14 =	vadd.s32 $0x16, v2  }
0x19e: {  	v5 =	vld.idx.msk [tilespmem:v63+s3+$0x0], $0xffff  }
0x19f: {  	v15 =	vadd.s32 $0x17, v2  }
0x1a0: {  	v6 =	vld.idx.msk [tilespmem:v12+s3+$0x0], $0xffff  }
0x1a1: {  	v16 =	vadd.s32 $0x18, v4;
	vm9 =	vgt.f32 v8, v13  }
0x1a2: {  	v9 =	vld.idx.msk [tilespmem:v14+s3+$0x0], $0xffff;
	v7 =	vsel vm9, v8, v13  }
0x1a3: {  	v17 =	vadd.s32 $0x19, v2;
	vm10 =	vgt.f32 v5, v7  }
0x1a4: {  	v10 =	vld.idx.msk [tilespmem:v15+s3+$0x0], $0xffff;
	v5 =	vsel vm10, v5, v7  }
0x1a5: {  	v18 =	vadd.s32 $0x1A, v2;
	vm11 =	vgt.f32 v6, v5  }
0x1a6: {  	v11 =	vld.idx.msk [tilespmem:v16+s3+$0x0], $0xffff;
	v5 =	vsel vm11, v6, v5  }
0x1a7: {  	v19 =	vadd.s32 $0x1B, v2;
	vm12 =	vgt.f32 v9, v5  }
0x1a8: {  	v8 =	vld.idx.msk [tilespmem:v17+s3+$0x0], $0xffff;
	v5 =	vsel vm12, v9, v5  }
0x1a9: {  	v20 =	vadd.s32 $0x1C, v2;
	vm4 =	vgt.f32 v10, v5  }
0x1aa: {  	v7 =	vld.idx.msk [tilespmem:v18+s3+$0x0], $0xffff;
	v5 =	vsel vm4, v10, v5  }
0x1ab: {  	v21 =	vadd.s32 $0x1D, v2;
	vm5 =	vgt.f32 v11, v5  }
0x1ac: {  	v6 =	vld.idx.msk [tilespmem:v19+s3+$0x0], $0xffff;
	v5 =	vsel vm5, v11, v5  }
0x1ad: {  	v22 =	vadd.s32 $0x1E, v2;
	vm6 =	vgt.f32 v8, v5  }
0x1ae: {  	v9 =	vld.idx.msk [tilespmem:v20+s3+$0x0], $0xffff;
	v5 =	vsel vm6, v8, v5  }
0x1af: {  	v23 =	vadd.s32 $0x1F, v2;
	vm7 =	vgt.f32 v7, v5  }
0x1b0: {  	v12 =	vsel vm9, $0x3F800000, v1;
	v10 =	vld.idx.msk [tilespmem:v21+s3+$0x0], $0xffff;
	v5 =	vsel vm7, v7, v5  }
0x1b1: {  	v24 =	vadd.s32 $0x20, v4;
	v12 =	vsel vm10, $0x40000000, v12;
	vm13 =	vgt.f32 v6, v5  }
0x1b2: {  	v12 =	vsel vm11, $0x40400000, v12;
	v11 =	vld.idx.msk [tilespmem:v22+s3+$0x0], $0xffff;
	v5 =	vsel vm13, v6, v5  }
0x1b3: {  	v25 =	vadd.s32 $0x21, v2;
	v12 =	vsel vm12, $0x40800000, v12;
	vm14 =	vgt.f32 v9, v5  }
0x1b4: {  	v12 =	vsel vm4, $0x40A00000, v12;
	v8 =	vld.idx.msk [tilespmem:v23+s3+$0x0], $0xffff;
	v5 =	vsel vm14, v9, v5  }
0x1b5: {  	v26 =	vsel vm5, $0x40C00000, v12;
	vm15 =	vgt.f32 v10, v5  }
0x1b6: {  	v7 =	vld.idx.msk [tilespmem:v24+s3+$0x0], $0xffff;
	v9 =	vsel vm6, $0x40E00000, v26;
	v5 =	vsel vm15, v10, v5  }
0x1b7: {  	v9 =	vsel vm7, $0x41000000, v9;
	vm7 =	vgt.f32 v11, v5  }
0x1b8: {  	v6 =	vld.idx.msk [tilespmem:v25+s3+$0x0], $0xffff;
	v9 =	vsel vm13, $0x41100000, v9;
	v5 =	vsel vm7, v11, v5  }
0x1b9: {  	v9 =	vsel vm14, $0x41200000, v9;
	vm8 =	vgt.f32 v8, v5  }
0x1ba: {  	v27 =	vadd.s32 $0xB, v3;
	v9 =	vsel vm15, $0x41300000, v9;
	v5 =	vsel vm8, v8, v5  }
0x1bb: {  	v28 =	vadd.s32 $0x22, v2;
	v9 =	vsel vm7, $0x41400000, v9;
	vm9 =	vgt.f32 v7, v5  }
0x1bc: {  	v29 =	vadd.s32 $0x23, v2;
	v9 =	vsel vm8, $0x41500000, v9;
	v5 =	vsel vm9, v7, v5  }
0x1bd: {  	v9 =	vsel vm9, $0x41600000, v9;
	vm10 =	vgt.f32 v6, v5  }
0x1be: {  	v30 =	vadd.s32 $0x24, v2;
	v6 =	vsel vm10, $0x41700000, v9  }
0x1bf: {  	[tilespmem:v27+s12+$0x0] =	vst.idx.msk $0xffff, v6  }
0x1c0: {  	v31 =	vadd.s32 $0x25, v2;
	v8 =	vld.idx.msk [tilespmem:v28+s3+$0x0], $0xffff  }
0x1c1: {  	v7 =	vld.idx.msk [tilespmem:v29+s3+$0x0], $0xffff  }
0x1c2: {  	v32 =	vadd.s32 $0x26, v2  }
0x1c3: {  	v5 =	vld.idx.msk [tilespmem:v30+s3+$0x0], $0xffff  }
0x1c4: {  	v33 =	vadd.s32 $0x27, v2  }
0x1c5: {  	v6 =	vld.idx.msk [tilespmem:v31+s3+$0x0], $0xffff  }
0x1c6: {  	v34 =	vadd.s32 $0x28, v4;
	vm0 =	vgt.f32 v7, v8  }
0x1c7: {  	v9 =	vld.idx.msk [tilespmem:v32+s3+$0x0], $0xffff;
	v7 =	vsel vm0, v7, v8  }
0x1c8: {  	v35 =	vadd.s32 $0x29, v2;
	vm1 =	vgt.f32 v5, v7  }
0x1c9: {  	v10 =	vld.idx.msk [tilespmem:v33+s3+$0x0], $0xffff;
	v5 =	vsel vm1, v5, v7  }
0x1ca: {  	v36 =	vadd.s32 $0x2A, v2;
	vm2 =	vgt.f32 v6, v5  }
0x1cb: {  	v11 =	vld.idx.msk [tilespmem:v34+s3+$0x0], $0xffff;
	v5 =	vsel vm2, v6, v5  }
0x1cc: {  	v37 =	vadd.s32 $0x2B, v2;
	vm3 =	vgt.f32 v9, v5  }
0x1cd: {  	v8 =	vld.idx.msk [tilespmem:v35+s3+$0x0], $0xffff;
	v5 =	vsel vm3, v9, v5  }
0x1ce: {  	v38 =	vadd.s32 $0x2C, v2;
	vm4 =	vgt.f32 v10, v5  }
0x1cf: {  	v7 =	vld.idx.msk [tilespmem:v36+s3+$0x0], $0xffff;
	v5 =	vsel vm4, v10, v5  }
0x1d0: {  	v39 =	vadd.s32 $0x2D, v2;
	vm5 =	vgt.f32 v11, v5  }
0x1d1: {  	v6 =	vld.idx.msk [tilespmem:v37+s3+$0x0], $0xffff;
	v5 =	vsel vm5, v11, v5  }
0x1d2: {  	v40 =	vadd.s32 $0x2E, v2;
	vm6 =	vgt.f32 v8, v5  }
0x1d3: {  	v9 =	vld.idx.msk [tilespmem:v38+s3+$0x0], $0xffff;
	v5 =	vsel vm6, v8, v5  }
0x1d4: {  	v41 =	vadd.s32 $0x2F, v2;
	vm7 =	vgt.f32 v7, v5  }
0x1d5: {  	v10 =	vld.idx.msk [tilespmem:v39+s3+$0x0], $0xffff;
	v5 =	vsel vm7, v7, v5  }
0x1d6: {  	v42 =	vadd.s32 $0x30, v4;
	vm8 =	vgt.f32 v6, v5  }
0x1d7: {  	v11 =	vld.idx.msk [tilespmem:v40+s3+$0x0], $0xffff;
	v5 =	vsel vm8, v6, v5  }
0x1d8: {  	v43 =	vadd.s32 $0x31, v2;
	vm9 =	vgt.f32 v9, v5  }
0x1d9: {  	v8 =	vld.idx.msk [tilespmem:v41+s3+$0x0], $0xffff;
	v5 =	vsel vm9, v9, v5  }
0x1da: {  	v44 =	vadd.s32 $0x32, v2;
	vm10 =	vgt.f32 v10, v5  }
0x1db: {  	v7 =	vld.idx.msk [tilespmem:v42+s3+$0x0], $0xffff;
	v5 =	vsel vm10, v10, v5  }
0x1dc: {  	v45 =	vadd.s32 $0x33, v2;
	vm11 =	vgt.f32 v11, v5  }
0x1dd: {  	v6 =	vld.idx.msk [tilespmem:v43+s3+$0x0], $0xffff;
	v5 =	vsel vm11, v11, v5  }
0x1de: {  	v46 =	vadd.s32 $0x34, v2;
	vm12 =	vgt.f32 v8, v5  }
0x1df: {  	v9 =	vld.idx.msk [tilespmem:v44+s3+$0x0], $0xffff;
	v5 =	vsel vm12, v8, v5  }
0x1e0: {  	v47 =	vadd.s32 $0x35, v2;
	vm13 =	vgt.f32 v7, v5  }
0x1e1: {  	v10 =	vld.idx.msk [tilespmem:v45+s3+$0x0], $0xffff;
	v5 =	vsel vm13, v7, v5  }
0x1e2: {  	v48 =	vadd.s32 $0x36, v2;
	vm14 =	vgt.f32 v6, v5  }
0x1e3: {  	v11 =	vld.idx.msk [tilespmem:v46+s3+$0x0], $0xffff;
	v5 =	vsel vm14, v6, v5  }
0x1e4: {  	v49 =	vadd.s32 $0x37, v2;
	vm15 =	vgt.f32 v9, v5  }
0x1e5: {  	v50 =	vsel vm0, $0x3F800000, v1;
	v8 =	vld.idx.msk [tilespmem:v47+s3+$0x0], $0xffff;
	v5 =	vsel vm15, v9, v5  }
0x1e6: {  	v51 =	vadd.s32 $0x38, v4;
	v12 =	vsel vm1, $0x40000000, v50;
	vm0 =	vgt.f32 v10, v5  }
0x1e7: {  	v12 =	vsel vm2, $0x40400000, v12;
	v7 =	vld.idx.msk [tilespmem:v48+s3+$0x0], $0xffff;
	v5 =	vsel vm0, v10, v5  }
0x1e8: {  	v52 =	vadd.s32 $0x39, v2;
	v12 =	vsel vm3, $0x40800000, v12;
	vm1 =	vgt.f32 v11, v5  }
0x1e9: {  	v12 =	vsel vm4, $0x40A00000, v12;
	v6 =	vld.idx.msk [tilespmem:v49+s3+$0x0], $0xffff;
	v5 =	vsel vm1, v11, v5  }
0x1ea: {  	v53 =	vadd.s32 $0x3A, v2;
	v12 =	vsel vm5, $0x40C00000, v12;
	vm2 =	vgt.f32 v8, v5  }
0x1eb: {  	v12 =	vsel vm6, $0x40E00000, v12;
	v9 =	vld.idx.msk [tilespmem:v51+s3+$0x0], $0xffff;
	v5 =	vsel vm2, v8, v5  }
0x1ec: {  	v54 =	vadd.s32 $0x3B, v2;
	v12 =	vsel vm7, $0x41000000, v12;
	vm3 =	vgt.f32 v7, v5  }
0x1ed: {  	v12 =	vsel vm8, $0x41100000, v12;
	v10 =	vld.idx.msk [tilespmem:v52+s3+$0x0], $0xffff;
	v5 =	vsel vm3, v7, v5  }
0x1ee: {  	v55 =	vadd.s32 $0x3C, v2;
	v12 =	vsel vm9, $0x41200000, v12;
	vm4 =	vgt.f32 v6, v5  }
0x1ef: {  	v12 =	vsel vm10, $0x41300000, v12;
	v11 =	vld.idx.msk [tilespmem:v53+s3+$0x0], $0xffff;
	v5 =	vsel vm4, v6, v5  }
0x1f0: {  	v56 =	vadd.s32 $0x3D, v2;
	v12 =	vsel vm11, $0x41400000, v12;
	vm11 =	vgt.f32 v9, v5  }
0x1f1: {  	v12 =	vsel vm12, $0x41500000, v12;
	v8 =	vld.idx.msk [tilespmem:v54+s3+$0x0], $0xffff;
	v5 =	vsel vm11, v9, v5  }
0x1f2: {  	v57 =	vadd.s32 $0x3E, v2;
	v12 =	vsel vm13, $0x41600000, v12;
	vm13 =	vgt.f32 v10, v5  }
0x1f3: {  	v12 =	vsel vm14, $0x41700000, v12;
	v7 =	vld.idx.msk [tilespmem:v55+s3+$0x0], $0xffff;
	v5 =	vsel vm13, v10, v5  }
0x1f4: {  	v58 =	vadd.s32 $0x3F, v2;
	v12 =	vsel vm15, $0x41800000, v12;
	vm15 =	vgt.f32 v11, v5  }
0x1f5: {  	v12 =	vsel vm0, $0x41880000, v12;
	v6 =	vld.idx.msk [tilespmem:v56+s3+$0x0], $0xffff;
	v5 =	vsel vm15, v11, v5  }
0x1f6: {  	v4 =	vadd.s32 $0x40, v4;
	v59 =	vsel vm1, $0x41900000, v12;
	vm9 =	vgt.f32 v8, v5  }
0x1f7: {  	v9 =	vld.idx.msk [tilespmem:v57+s3+$0x0], $0xffff;
	v11 =	vsel vm2, $0x41980000, v59;
	v5 =	vsel vm9, v8, v5  }
0x1f8: {  	v2 =	vadd.s32 $0x41, v2;
	v60 =	vsel vm3, $0x41A00000, v11;
	vm10 =	vgt.f32 v7, v5  }
0x1f9: {  	v10 =	vld.idx.msk [tilespmem:v58+s3+$0x0], $0xffff;
	v8 =	vsel vm4, $0x41A80000, v60;
	v5 =	vsel vm10, v7, v5  }
0x1fa: {  	v61 =	vsel vm11, $0x41B00000, v8;
	vm11 =	vgt.f32 v6, v5  }
0x1fb: {  	v4 =	vld.idx.msk [tilespmem:v4+s3+$0x0], $0xffff;
	v7 =	vsel vm13, $0x41B80000, v61;
	v5 =	vsel vm11, v6, v5  }
0x1fc: {  	v62 =	vsel vm15, $0x41C00000, v7;
	vm12 =	vgt.f32 v9, v5  }
0x1fd: {  	v2 =	vld.idx.msk [tilespmem:v2+s3+$0x0], $0xffff;
	v6 =	vsel vm9, $0x41C80000, v62;
	v5 =	vsel vm12, v9, v5  }
0x1fe: {  	v6 =	vsel vm10, $0x41D00000, v6;
	vm13 =	vgt.f32 v10, v5  }
0x1ff: {  	s21 =	sadd.s32 s5, s20;
	v3 =	vadd.s32 $0xC, v3;
	v6 =	vsel vm11, $0x41D80000, v6;
	v5 =	vsel vm13, v10, v5  }
0x200: {  	p1 =	sne.s32 s18, $0x7;
	s21 =	smul.u32 $0xD, s21;
	v6 =	vsel vm12, $0x41E00000, v6;
	vm14 =	vgt.f32 v4, v5  }
.Ltmp1:
0x201: {  	v6 =	vsel vm13, $0x41E80000, v6;
	v4 =	vsel vm14, v4, v5;
	(pc) =	sbr.rel @p1 .LBB2_6-.Ltmp1, $4  }
0x202: {  	v63 =	vsel vm14, $0x41F00000, v6;
	vm15 =	vgt.f32 v2, v4  }
0x203: {  	s21 =	sshrl.u32 s21, $0x3;
	v2 =	vsel vm15, $0x41F80000, v63  }
0x204: {  	s21 =	sadd.s32 s2, s21;
	[tilespmem:v3+s12+$0x0] =	vst.idx.msk $0xffff, v2  }
0x205: {  	[hbm4b:s21+s3] =	stream.linear.scatter [tilespmem:s12], [sflag:$0x3], $0x1A00, $0x38;
	[tilespmem:$0x13C00] =	vst v63  }
.Ltmp2:
0x206: {  	(pc) =	sbr.rel .LBB2_7-.Ltmp2, $4  }
0x207: {  	_ = 	snop  }
0x208: {  	_ =	swait.ge [sflag:s13], $0x8400  }
0x209: {  	[sflag:s13] =	ssyncset.done $0x0  }
0x20a: {  	[sflag:s13] =	ssyncadd.s32 $0xFFFF7C00  }
.LBB2_6:
0x20b: {  	s20 =	sadd.s32 s20, s8  }
0x20c: {  	s20 =	smul.u32 $0x42, s20;
	_ =	sdelay $0x1  }
0x20d: {  	s20 =	sshrl.u32 s20, $0x3  }
.Ltmp3:
0x20e: {  	s20 =	sadd.s32 s4, s20;
	(pc) =	sbr.rel @p0 .LBB2_8-.Ltmp3, $4  }
0x20f: {  	[tilespmem:s3], [sflag:$0x1] =	stream.linear.gather [hbm4b:s20+s3], $0x8400, $0x38;
	[tilespmem:$0x13C00] =	vst v63  }
0x210: {  	_ =	swait.ge [sflag:s13], $0x8400  }
0x211: {  	[sflag:s13] =	ssyncset.done $0x0  }
0x212: {  	[sflag:s13] =	ssyncadd.s32 $0xFFFF7C00  }
.LBB2_7:
0x213: {  	_ =	swait.ge [sflag:s14], $0x1A00  }
0x214: {  	[sflag:s14] =	ssyncset.done $0x0  }
0x215: {  	[sflag:s14] =	ssyncadd.s32 $0xFFFFE600  }
.LBB2_8:
0x216: {  	s20 =	simm.s32 $0x0  }
0x217: {  	v2 =	vor.u32 s20, v0  }
0x218: {  	v3 =	vmul.u32 $0x42, v2;
	_ =	sdelay $0x4  }
0x219: {  	v2 =	vmul.u32 $0xD, v2  }
0x21a: {  	v4 =	vld.idx.msk [tilespmem:v3+s10+$0x0], $0xffff  }
0x21b: {  	v5 =	vor.u32 $0x1, v3;
	_ =	sdelay $0x3  }
0x21c: {  	[tilespmem:v2+s15+$0x0] =	vst.idx.msk $0xffff, v4  }
0x21d: {  	v4 =	vld.idx.msk [tilespmem:v5+s10+$0x0], $0xffff;
	v5 =	vadd.s32 $0x1, v2  }
0x21e: {  	v6 =	vadd.s32 $0x2, v3;
	_ =	sdelay $0x3  }
0x21f: {  	[tilespmem:v5+s15+$0x0] =	vst.idx.msk $0xffff, v4  }
0x220: {  	v5 =	vadd.s32 $0x2, v2;
	v4 =	vld.idx.msk [tilespmem:v6+s10+$0x0], $0xffff  }
0x221: {  	v6 =	vadd.s32 $0x3, v3;
	_ =	sdelay $0x3  }
0x222: {  	[tilespmem:v5+s15+$0x0] =	vst.idx.msk $0xffff, v4  }
0x223: {  	v5 =	vadd.s32 $0x3, v2;
	v4 =	vld.idx.msk [tilespmem:v6+s10+$0x0], $0xffff  }
0x224: {  	v6 =	vadd.s32 $0x4, v3;
	_ =	sdelay $0x3  }
0x225: {  	[tilespmem:v5+s15+$0x0] =	vst.idx.msk $0xffff, v4  }
0x226: {  	v5 =	vadd.s32 $0x4, v2;
	v4 =	vld.idx.msk [tilespmem:v6+s10+$0x0], $0xffff  }
0x227: {  	v6 =	vadd.s32 $0x5, v3;
	_ =	sdelay $0x3  }
0x228: {  	[tilespmem:v5+s15+$0x0] =	vst.idx.msk $0xffff, v4  }
0x229: {  	v5 =	vadd.s32 $0x5, v2;
	v4 =	vld.idx.msk [tilespmem:v6+s10+$0x0], $0xffff  }
0x22a: {  	v6 =	vadd.s32 $0x6, v3;
	_ =	sdelay $0x3  }
0x22b: {  	[tilespmem:v5+s15+$0x0] =	vst.idx.msk $0xffff, v4  }
0x22c: {  	v5 =	vadd.s32 $0x6, v2;
	v4 =	vld.idx.msk [tilespmem:v6+s10+$0x0], $0xffff  }
0x22d: {  	v6 =	vadd.s32 $0x7, v3;
	_ =	sdelay $0x3  }
0x22e: {  	[tilespmem:v5+s15+$0x0] =	vst.idx.msk $0xffff, v4  }
0x22f: {  	v4 =	vand.u32 $0xFFFE, v3;
	v5 =	vld.idx.msk [tilespmem:v6+s10+$0x0], $0xffff;
	v6 =	vadd.s32 $0x7, v2  }
0x230: {  	v7 =	vadd.s32 $0x8, v4;
	_ =	sdelay $0x3  }
0x231: {  	v8 =	vand.u32 $0x1FFF, v2;
	[tilespmem:v6+s15+$0x0] =	vst.idx.msk $0xffff, v5  }
0x232: {  	v6 =	vadd.s32 $0x8, v8;
	v5 =	vld.idx.msk [tilespmem:v7+s10+$0x0], $0xffff  }
0x233: {  	v7 =	vadd.s32 $0x9, v3;
	_ =	sdelay $0x3  }
0x234: {  	[tilespmem:v6+s15+$0x0] =	vst.idx.msk $0xffff, v5  }
0x235: {  	v6 =	vadd.s32 $0x9, v2;
	v5 =	vld.idx.msk [tilespmem:v7+s10+$0x0], $0xffff  }
0x236: {  	v7 =	vadd.s32 $0xA, v3  }
0x237: {  	v8 =	vadd.s32 $0xB, v3;
	_ =	sdelay $0x1  }
0x238: {  	v9 =	vadd.s32 $0xC, v3  }
0x239: {  	[tilespmem:v6+s15+$0x0] =	vst.idx.msk $0xffff, v5  }
0x23a: {  	v5 =	vadd.s32 $0xD, v3;
	v6 =	vld.idx.msk [tilespmem:v7+s10+$0x0], $0xffff  }
0x23b: {  	v7 =	vld.idx.msk [tilespmem:v8+s10+$0x0], $0xffff  }
0x23c: {  	v8 =	vadd.s32 $0xE, v3  }
0x23d: {  	v9 =	vld.idx.msk [tilespmem:v9+s10+$0x0], $0xffff  }
0x23e: {  	v10 =	vadd.s32 $0xF, v3  }
0x23f: {  	v5 =	vld.idx.msk [tilespmem:v5+s10+$0x0], $0xffff  }
0x240: {  	v11 =	vadd.s32 $0x10, v4;
	vm0 =	vgt.f32 v7, v6  }
0x241: {  	v8 =	vld.idx.msk [tilespmem:v8+s10+$0x0], $0xffff;
	v6 =	vsel vm0, v7, v6  }
0x242: {  	v7 =	vadd.s32 $0x11, v3;
	vm1 =	vgt.f32 v9, v6  }
0x243: {  	v10 =	vld.idx.msk [tilespmem:v10+s10+$0x0], $0xffff;
	v6 =	vsel vm1, v9, v6  }
0x244: {  	vm2 =	vgt.f32 v5, v6  }
0x245: {  	v9 =	vld.idx.msk [tilespmem:v11+s10+$0x0], $0xffff;
	v5 =	vsel vm2, v5, v6  }
0x246: {  	vm3 =	vgt.f32 v8, v5  }
0x247: {  	v6 =	vld.idx.msk [tilespmem:v7+s10+$0x0], $0xffff;
	v7 =	vsel vm0, $0x3F800000, v1;
	v5 =	vsel vm3, v8, v5  }
0x248: {  	v7 =	vsel vm1, $0x40000000, v7;
	vm9 =	vgt.f32 v10, v5  }
0x249: {  	v8 =	vadd.s32 $0xA, v2;
	v7 =	vsel vm2, $0x40400000, v7;
	v5 =	vsel vm9, v10, v5  }
0x24a: {  	v7 =	vsel vm3, $0x40800000, v7;
	v10 =	vadd.s32 $0x12, v3;
	vm10 =	vgt.f32 v9, v5  }
0x24b: {  	v7 =	vsel vm9, $0x40A00000, v7;
	v5 =	vsel vm10, v9, v5;
	v9 =	vadd.s32 $0x13, v3  }
0x24c: {  	v7 =	vsel vm10, $0x40C00000, v7;
	vm11 =	vgt.f32 v6, v5  }
0x24d: {  	v5 =	vadd.s32 $0x14, v3;
	v6 =	vsel vm11, $0x40E00000, v7  }
0x24e: {  	[tilespmem:v8+s15+$0x0] =	vst.idx.msk $0xffff, v6  }
0x24f: {  	v6 =	vadd.s32 $0x15, v3;
	v7 =	vld.idx.msk [tilespmem:v10+s10+$0x0], $0xffff  }
0x250: {  	v8 =	vld.idx.msk [tilespmem:v9+s10+$0x0], $0xffff  }
0x251: {  	v9 =	vadd.s32 $0x16, v3  }
0x252: {  	v5 =	vld.idx.msk [tilespmem:v5+s10+$0x0], $0xffff  }
0x253: {  	v10 =	vadd.s32 $0x17, v3  }
0x254: {  	v6 =	vld.idx.msk [tilespmem:v6+s10+$0x0], $0xffff  }
0x255: {  	v11 =	vadd.s32 $0x18, v4;
	vm12 =	vgt.f32 v8, v7  }
0x256: {  	v9 =	vld.idx.msk [tilespmem:v9+s10+$0x0], $0xffff;
	v7 =	vsel vm12, v8, v7  }
0x257: {  	v8 =	vadd.s32 $0x19, v3;
	vm13 =	vgt.f32 v5, v7  }
0x258: {  	v10 =	vld.idx.msk [tilespmem:v10+s10+$0x0], $0xffff;
	v5 =	vsel vm13, v5, v7  }
0x259: {  	v7 =	vadd.s32 $0x1A, v3;
	vm14 =	vgt.f32 v6, v5  }
0x25a: {  	v11 =	vld.idx.msk [tilespmem:v11+s10+$0x0], $0xffff;
	v5 =	vsel vm14, v6, v5  }
0x25b: {  	v6 =	vadd.s32 $0x1B, v3;
	vm15 =	vgt.f32 v9, v5  }
0x25c: {  	v8 =	vld.idx.msk [tilespmem:v8+s10+$0x0], $0xffff;
	v5 =	vsel vm15, v9, v5  }
0x25d: {  	v9 =	vadd.s32 $0x1C, v3;
	vm4 =	vgt.f32 v10, v5  }
0x25e: {  	v7 =	vld.idx.msk [tilespmem:v7+s10+$0x0], $0xffff;
	v5 =	vsel vm4, v10, v5  }
0x25f: {  	v10 =	vadd.s32 $0x1D, v3;
	vm5 =	vgt.f32 v11, v5  }
0x260: {  	v6 =	vld.idx.msk [tilespmem:v6+s10+$0x0], $0xffff;
	v5 =	vsel vm5, v11, v5  }
0x261: {  	v11 =	vadd.s32 $0x1E, v3;
	vm6 =	vgt.f32 v8, v5  }
0x262: {  	v9 =	vld.idx.msk [tilespmem:v9+s10+$0x0], $0xffff;
	v5 =	vsel vm6, v8, v5  }
0x263: {  	v8 =	vadd.s32 $0x1F, v3;
	vm7 =	vgt.f32 v7, v5  }
0x264: {  	v12 =	vsel vm12, $0x3F800000, v1;
	v10 =	vld.idx.msk [tilespmem:v10+s10+$0x0], $0xffff;
	v5 =	vsel vm7, v7, v5  }
0x265: {  	v12 =	vsel vm13, $0x40000000, v12;
	v7 =	vadd.s32 $0x20, v4;
	vm8 =	vgt.f32 v6, v5  }
0x266: {  	v12 =	vsel vm14, $0x40400000, v12;
	v11 =	vld.idx.msk [tilespmem:v11+s10+$0x0], $0xffff;
	v5 =	vsel vm8, v6, v5  }
0x267: {  	v12 =	vsel vm15, $0x40800000, v12;
	v6 =	vadd.s32 $0x21, v3;
	vm9 =	vgt.f32 v9, v5  }
0x268: {  	v12 =	vsel vm4, $0x40A00000, v12;
	v8 =	vld.idx.msk [tilespmem:v8+s10+$0x0], $0xffff;
	v5 =	vsel vm9, v9, v5  }
0x269: {  	v9 =	vsel vm5, $0x40C00000, v12;
	vm10 =	vgt.f32 v10, v5  }
0x26a: {  	v7 =	vld.idx.msk [tilespmem:v7+s10+$0x0], $0xffff;
	v9 =	vsel vm6, $0x40E00000, v9;
	v5 =	vsel vm10, v10, v5  }
0x26b: {  	v9 =	vsel vm7, $0x41000000, v9;
	vm11 =	vgt.f32 v11, v5  }
0x26c: {  	v6 =	vld.idx.msk [tilespmem:v6+s10+$0x0], $0xffff;
	v9 =	vsel vm8, $0x41100000, v9;
	v5 =	vsel vm11, v11, v5  }
0x26d: {  	v9 =	vsel vm9, $0x41200000, v9;
	vm12 =	vgt.f32 v8, v5  }
0x26e: {  	v9 =	vsel vm10, $0x41300000, v9;
	v5 =	vsel vm12, v8, v5;
	v8 =	vadd.s32 $0xB, v2  }
0x26f: {  	v10 =	vadd.s32 $0x22, v3;
	v9 =	vsel vm11, $0x41400000, v9;
	vm13 =	vgt.f32 v7, v5  }
0x270: {  	v9 =	vsel vm12, $0x41500000, v9;
	v5 =	vsel vm13, v7, v5;
	v7 =	vadd.s32 $0x23, v3  }
0x271: {  	v9 =	vsel vm13, $0x41600000, v9;
	vm14 =	vgt.f32 v6, v5  }
0x272: {  	v5 =	vadd.s32 $0x24, v3;
	v6 =	vsel vm14, $0x41700000, v9  }
0x273: {  	[tilespmem:v8+s15+$0x0] =	vst.idx.msk $0xffff, v6  }
0x274: {  	v6 =	vadd.s32 $0x25, v3;
	v8 =	vld.idx.msk [tilespmem:v10+s10+$0x0], $0xffff  }
0x275: {  	v7 =	vld.idx.msk [tilespmem:v7+s10+$0x0], $0xffff  }
0x276: {  	v9 =	vadd.s32 $0x26, v3  }
0x277: {  	v5 =	vld.idx.msk [tilespmem:v5+s10+$0x0], $0xffff  }
0x278: {  	v10 =	vadd.s32 $0x27, v3  }
0x279: {  	v6 =	vld.idx.msk [tilespmem:v6+s10+$0x0], $0xffff  }
0x27a: {  	v11 =	vadd.s32 $0x28, v4;
	vm0 =	vgt.f32 v7, v8  }
0x27b: {  	v9 =	vld.idx.msk [tilespmem:v9+s10+$0x0], $0xffff;
	v7 =	vsel vm0, v7, v8  }
0x27c: {  	v8 =	vadd.s32 $0x29, v3;
	vm1 =	vgt.f32 v5, v7  }
0x27d: {  	v10 =	vld.idx.msk [tilespmem:v10+s10+$0x0], $0xffff;
	v5 =	vsel vm1, v5, v7  }
0x27e: {  	v7 =	vadd.s32 $0x2A, v3;
	vm2 =	vgt.f32 v6, v5  }
0x27f: {  	v11 =	vld.idx.msk [tilespmem:v11+s10+$0x0], $0xffff;
	v5 =	vsel vm2, v6, v5  }
0x280: {  	v6 =	vadd.s32 $0x2B, v3;
	vm3 =	vgt.f32 v9, v5  }
0x281: {  	v8 =	vld.idx.msk [tilespmem:v8+s10+$0x0], $0xffff;
	v5 =	vsel vm3, v9, v5  }
0x282: {  	v9 =	vadd.s32 $0x2C, v3;
	vm4 =	vgt.f32 v10, v5  }
0x283: {  	v7 =	vld.idx.msk [tilespmem:v7+s10+$0x0], $0xffff;
	v5 =	vsel vm4, v10, v5  }
0x284: {  	v10 =	vadd.s32 $0x2D, v3;
	vm5 =	vgt.f32 v11, v5  }
0x285: {  	v6 =	vld.idx.msk [tilespmem:v6+s10+$0x0], $0xffff;
	v5 =	vsel vm5, v11, v5  }
0x286: {  	v11 =	vadd.s32 $0x2E, v3;
	vm6 =	vgt.f32 v8, v5  }
0x287: {  	v9 =	vld.idx.msk [tilespmem:v9+s10+$0x0], $0xffff;
	v5 =	vsel vm6, v8, v5  }
0x288: {  	v8 =	vadd.s32 $0x2F, v3;
	vm7 =	vgt.f32 v7, v5  }
0x289: {  	v10 =	vld.idx.msk [tilespmem:v10+s10+$0x0], $0xffff;
	v5 =	vsel vm7, v7, v5  }
0x28a: {  	v7 =	vadd.s32 $0x30, v4;
	vm8 =	vgt.f32 v6, v5  }
0x28b: {  	v11 =	vld.idx.msk [tilespmem:v11+s10+$0x0], $0xffff;
	v5 =	vsel vm8, v6, v5  }
0x28c: {  	v6 =	vadd.s32 $0x31, v3;
	vm9 =	vgt.f32 v9, v5  }
0x28d: {  	v8 =	vld.idx.msk [tilespmem:v8+s10+$0x0], $0xffff;
	v5 =	vsel vm9, v9, v5  }
0x28e: {  	v9 =	vadd.s32 $0x32, v3;
	vm10 =	vgt.f32 v10, v5  }
0x28f: {  	v7 =	vld.idx.msk [tilespmem:v7+s10+$0x0], $0xffff;
	v5 =	vsel vm10, v10, v5  }
0x290: {  	v10 =	vadd.s32 $0x33, v3;
	vm11 =	vgt.f32 v11, v5  }
0x291: {  	v6 =	vld.idx.msk [tilespmem:v6+s10+$0x0], $0xffff;
	v5 =	vsel vm11, v11, v5  }
0x292: {  	v11 =	vadd.s32 $0x34, v3;
	vm12 =	vgt.f32 v8, v5  }
0x293: {  	v9 =	vld.idx.msk [tilespmem:v9+s10+$0x0], $0xffff;
	v5 =	vsel vm12, v8, v5  }
0x294: {  	v8 =	vadd.s32 $0x35, v3;
	vm13 =	vgt.f32 v7, v5  }
0x295: {  	v10 =	vld.idx.msk [tilespmem:v10+s10+$0x0], $0xffff;
	v5 =	vsel vm13, v7, v5  }
0x296: {  	v7 =	vadd.s32 $0x36, v3;
	vm14 =	vgt.f32 v6, v5  }
0x297: {  	v11 =	vld.idx.msk [tilespmem:v11+s10+$0x0], $0xffff;
	v5 =	vsel vm14, v6, v5  }
0x298: {  	v63 =	vsel vm0, $0x3F800000, v1;
	v6 =	vadd.s32 $0x37, v3;
	vm0 =	vgt.f32 v9, v5  }
0x299: {  	v12 =	vsel vm1, $0x40000000, v63;
	v8 =	vld.idx.msk [tilespmem:v8+s10+$0x0], $0xffff;
	v5 =	vsel vm0, v9, v5  }
0x29a: {  	v12 =	vsel vm2, $0x40400000, v12;
	v9 =	vadd.s32 $0x38, v4;
	vm1 =	vgt.f32 v10, v5  }
0x29b: {  	v12 =	vsel vm3, $0x40800000, v12;
	v7 =	vld.idx.msk [tilespmem:v7+s10+$0x0], $0xffff;
	v5 =	vsel vm1, v10, v5  }
0x29c: {  	v12 =	vsel vm4, $0x40A00000, v12;
	v10 =	vadd.s32 $0x39, v3;
	vm2 =	vgt.f32 v11, v5  }
0x29d: {  	v12 =	vsel vm5, $0x40C00000, v12;
	v6 =	vld.idx.msk [tilespmem:v6+s10+$0x0], $0xffff;
	v5 =	vsel vm2, v11, v5  }
0x29e: {  	v12 =	vsel vm6, $0x40E00000, v12;
	v11 =	vadd.s32 $0x3A, v3;
	vm3 =	vgt.f32 v8, v5  }
0x29f: {  	v12 =	vsel vm7, $0x41000000, v12;
	v9 =	vld.idx.msk [tilespmem:v9+s10+$0x0], $0xffff;
	v5 =	vsel vm3, v8, v5  }
0x2a0: {  	v12 =	vsel vm8, $0x41100000, v12;
	v8 =	vadd.s32 $0x3B, v3;
	vm4 =	vgt.f32 v7, v5  }
0x2a1: {  	v12 =	vsel vm9, $0x41200000, v12;
	v10 =	vld.idx.msk [tilespmem:v10+s10+$0x0], $0xffff;
	v5 =	vsel vm4, v7, v5  }
0x2a2: {  	v12 =	vsel vm10, $0x41300000, v12;
	v7 =	vadd.s32 $0x3C, v3;
	vm5 =	vgt.f32 v6, v5  }
0x2a3: {  	v12 =	vsel vm11, $0x41400000, v12;
	v11 =	vld.idx.msk [tilespmem:v11+s10+$0x0], $0xffff;
	v5 =	vsel vm5, v6, v5  }
0x2a4: {  	v12 =	vsel vm12, $0x41500000, v12;
	vm15 =	vgt.f32 v9, v5  }
0x2a5: {  	v12 =	vsel vm13, $0x41600000, v12;
	v6 =	vadd.s32 $0x3D, v3;
	v8 =	vld.idx.msk [tilespmem:v8+s10+$0x0], $0xffff;
	v5 =	vsel vm15, v9, v5  }
0x2a6: {  	v12 =	vsel vm14, $0x41700000, v12;
	vm9 =	vgt.f32 v10, v5  }
0x2a7: {  	v12 =	vsel vm0, $0x41800000, v12;
	v9 =	vadd.s32 $0x3E, v3;
	v7 =	vld.idx.msk [tilespmem:v7+s10+$0x0], $0xffff;
	v5 =	vsel vm9, v10, v5  }
0x2a8: {  	v12 =	vsel vm1, $0x41880000, v12;
	vm10 =	vgt.f32 v11, v5  }
0x2a9: {  	v12 =	vsel vm2, $0x41900000, v12;
	v10 =	vadd.s32 $0x3F, v3;
	v5 =	vsel vm10, v11, v5  }
0x2aa: {  	v12 =	vsel vm3, $0x41980000, v12;
	v6 =	vld.idx.msk [tilespmem:v6+s10+$0x0], $0xffff;
	vm11 =	vgt.f32 v8, v5  }
0x2ab: {  	v4 =	vadd.s32 $0x40, v4;
	v11 =	vsel vm4, $0x41A00000, v12;
	v5 =	vsel vm11, v8, v5  }
0x2ac: {  	v9 =	vld.idx.msk [tilespmem:v9+s10+$0x0], $0xffff;
	v11 =	vsel vm5, $0x41A80000, v11;
	vm12 =	vgt.f32 v7, v5  }
0x2ad: {  	v8 =	vsel vm15, $0x41B00000, v11;
	v5 =	vsel vm12, v7, v5;
	v7 =	vadd.s32 $0x41, v3  }
0x2ae: {  	v10 =	vld.idx.msk [tilespmem:v10+s10+$0x0], $0xffff;
	v8 =	vsel vm9, $0x41B80000, v8  }
0x2af: {  	v3 =	vsel vm10, $0x41C00000, v8;
	vm13 =	vgt.f32 v6, v5  }
0x2b0: {  	v4 =	vld.idx.msk [tilespmem:v4+s10+$0x0], $0xffff;
	v3 =	vsel vm11, $0x41C80000, v3;
	v5 =	vsel vm13, v6, v5  }
0x2b1: {  	v6 =	vsel vm12, $0x41D00000, v3;
	vm14 =	vgt.f32 v9, v5  }
0x2b2: {  	s31 =	simm.s32 $0x10;
	v3 =	vadd.s32 $0xC, v2;
	v2 =	vsel vm13, $0x41D80000, v6;
	v8 =	vsel vm14, v9, v5;
	v5 =	vld.idx.msk [tilespmem:v7+s10+$0x0], $0xffff  }
0x2b3: {  	v6 =	vor.u32 s31, v0;
	v9 =	vsel vm14, $0x41E00000, v2;
	vm15 =	vgt.f32 v10, v8  }
0x2b4: {  	s20 =	simm.s32 $0x20;
	v2 =	vmul.u32 $0x42, v6;
	v7 =	vsel vm15, v10, v8;
	v8 =	vsel vm15, $0x41E80000, v9  }
.LBB2_9:
0x2b5: {  	p0 =	sne.s32 s20, $0x1F0;
	vm0 =	vgt.f32 v4, v7;
	s21 =	smov.u32 s20;
	s20 =	sadd.s32 $0x10, s20  }
0x2b6: {  	v4 =	vsel vm0, v4, v7;
	v7 =	vsel vm0, $0x41F00000, v8  }
0x2b7: {  	vm0 =	vgt.f32 v5, v4  }
0x2b8: {  	v4 =	vsel vm0, $0x41F80000, v7  }
0x2b9: {  	[tilespmem:v3+s15+$0x0] =	vst.idx.msk $0xffff, v4  }
0x2ba: {  	v3 =	vmul.u32 $0xD, v6;
	v4 =	vld.idx.msk [tilespmem:v2+s10+$0x0], $0xffff;
	_ =	sdelay $0x1  }
0x2bb: {  	v5 =	vor.u32 $0x1, v2;
	v6 =	vand.u32 $0x1FFF, v3;
	_ =	sdelay $0x3  }
0x2bc: {  	[tilespmem:v3+s15+$0x0] =	vst.idx.msk $0xffff, v4  }
0x2bd: {  	v4 =	vld.idx.msk [tilespmem:v5+s10+$0x0], $0xffff  }
0x2be: {  	v5 =	vadd.s32 $0x1, v3  }
0x2bf: {  	v7 =	vadd.s32 $0x2, v2;
	_ =	sdelay $0x3  }
0x2c0: {  	[tilespmem:v5+s15+$0x0] =	vst.idx.msk $0xffff, v4  }
0x2c1: {  	v4 =	vld.idx.msk [tilespmem:v7+s10+$0x0], $0xffff  }
0x2c2: {  	v5 =	vadd.s32 $0x2, v3  }
0x2c3: {  	v7 =	vadd.s32 $0x3, v2;
	_ =	sdelay $0x3  }
0x2c4: {  	[tilespmem:v5+s15+$0x0] =	vst.idx.msk $0xffff, v4  }
0x2c5: {  	v4 =	vld.idx.msk [tilespmem:v7+s10+$0x0], $0xffff  }
0x2c6: {  	v5 =	vadd.s32 $0x3, v3  }
0x2c7: {  	v7 =	vadd.s32 $0x4, v2;
	_ =	sdelay $0x3  }
0x2c8: {  	[tilespmem:v5+s15+$0x0] =	vst.idx.msk $0xffff, v4  }
0x2c9: {  	v4 =	vld.idx.msk [tilespmem:v7+s10+$0x0], $0xffff  }
0x2ca: {  	v5 =	vadd.s32 $0x4, v3  }
0x2cb: {  	v7 =	vadd.s32 $0x5, v2;
	_ =	sdelay $0x3  }
0x2cc: {  	[tilespmem:v5+s15+$0x0] =	vst.idx.msk $0xffff, v4  }
0x2cd: {  	v4 =	vld.idx.msk [tilespmem:v7+s10+$0x0], $0xffff  }
0x2ce: {  	v5 =	vadd.s32 $0x5, v3  }
0x2cf: {  	v7 =	vadd.s32 $0x6, v2;
	_ =	sdelay $0x3  }
0x2d0: {  	[tilespmem:v5+s15+$0x0] =	vst.idx.msk $0xffff, v4  }
0x2d1: {  	v4 =	vld.idx.msk [tilespmem:v7+s10+$0x0], $0xffff  }
0x2d2: {  	v5 =	vadd.s32 $0x6, v3  }
0x2d3: {  	v7 =	vadd.s32 $0x7, v2;
	_ =	sdelay $0x3  }
0x2d4: {  	[tilespmem:v5+s15+$0x0] =	vst.idx.msk $0xffff, v4  }
0x2d5: {  	v5 =	vld.idx.msk [tilespmem:v7+s10+$0x0], $0xffff  }
0x2d6: {  	v4 =	vand.u32 $0xFFFE, v2;
	v7 =	vadd.s32 $0x7, v3  }
0x2d7: {  	v8 =	vadd.s32 $0x8, v4;
	_ =	sdelay $0x3  }
0x2d8: {  	[tilespmem:v7+s15+$0x0] =	vst.idx.msk $0xffff, v5  }
0x2d9: {  	v5 =	vld.idx.msk [tilespmem:v8+s10+$0x0], $0xffff  }
0x2da: {  	v6 =	vadd.s32 $0x8, v6  }
0x2db: {  	v7 =	vadd.s32 $0x9, v2;
	_ =	sdelay $0x3  }
0x2dc: {  	[tilespmem:v6+s15+$0x0] =	vst.idx.msk $0xffff, v5  }
0x2dd: {  	v5 =	vld.idx.msk [tilespmem:v7+s10+$0x0], $0xffff  }
0x2de: {  	v6 =	vadd.s32 $0x9, v3  }
0x2df: {  	v7 =	vadd.s32 $0xA, v2  }
0x2e0: {  	v8 =	vadd.s32 $0xB, v2  }
0x2e1: {  	v9 =	vadd.s32 $0xC, v2  }
0x2e2: {  	v10 =	vadd.s32 $0xD, v2  }
0x2e3: {  	[tilespmem:v6+s15+$0x0] =	vst.idx.msk $0xffff, v5;
	v5 =	vadd.s32 $0xE, v2  }
0x2e4: {  	v6 =	vld.idx.msk [tilespmem:v7+s10+$0x0], $0xffff;
	v7 =	vadd.s32 $0xF, v2  }
0x2e5: {  	v11 =	vadd.s32 $0x10, v4;
	v8 =	vld.idx.msk [tilespmem:v8+s10+$0x0], $0xffff  }
0x2e6: {  	v12 =	vadd.s32 $0x11, v2;
	v9 =	vld.idx.msk [tilespmem:v9+s10+$0x0], $0xffff  }
0x2e7: {  	v10 =	vld.idx.msk [tilespmem:v10+s10+$0x0], $0xffff  }
0x2e8: {  	v5 =	vld.idx.msk [tilespmem:v5+s10+$0x0], $0xffff  }
0x2e9: {  	v7 =	vld.idx.msk [tilespmem:v7+s10+$0x0], $0xffff  }
0x2ea: {  	v11 =	vld.idx.msk [tilespmem:v11+s10+$0x0], $0xffff  }
0x2eb: {  	vm0 =	vgt.f32 v8, v6;
	v12 =	vld.idx.msk [tilespmem:v12+s10+$0x0], $0xffff  }
0x2ec: {  	v6 =	vsel vm0, v8, v6  }
0x2ed: {  	vm1 =	vgt.f32 v9, v6  }
0x2ee: {  	v6 =	vsel vm1, v9, v6  }
0x2ef: {  	vm2 =	vgt.f32 v10, v6  }
0x2f0: {  	v6 =	vsel vm2, v10, v6  }
0x2f1: {  	vm3 =	vgt.f32 v5, v6  }
0x2f2: {  	v8 =	vsel vm0, $0x3F800000, v1;
	v5 =	vsel vm3, v5, v6  }
0x2f3: {  	v6 =	vsel vm1, $0x40000000, v8;
	vm0 =	vgt.f32 v7, v5  }
0x2f4: {  	v6 =	vsel vm2, $0x40400000, v6;
	v5 =	vsel vm0, v7, v5;
	v7 =	vadd.s32 $0xA, v3  }
0x2f5: {  	v8 =	vadd.s32 $0x12, v2;
	v6 =	vsel vm3, $0x40800000, v6;
	vm1 =	vgt.f32 v11, v5  }
0x2f6: {  	v9 =	vadd.s32 $0x13, v2;
	v6 =	vsel vm0, $0x40A00000, v6;
	v5 =	vsel vm1, v11, v5  }
0x2f7: {  	v6 =	vsel vm1, $0x40C00000, v6;
	vm0 =	vgt.f32 v12, v5;
	v5 =	vadd.s32 $0x14, v2  }
0x2f8: {  	v10 =	vadd.s32 $0x15, v2;
	v6 =	vsel vm0, $0x40E00000, v6  }
0x2f9: {  	[tilespmem:v7+s15+$0x0] =	vst.idx.msk $0xffff, v6;
	v6 =	vadd.s32 $0x16, v2  }
0x2fa: {  	v7 =	vld.idx.msk [tilespmem:v8+s10+$0x0], $0xffff;
	v8 =	vadd.s32 $0x17, v2  }
0x2fb: {  	v11 =	vadd.s32 $0x18, v4;
	v9 =	vld.idx.msk [tilespmem:v9+s10+$0x0], $0xffff  }
0x2fc: {  	v12 =	vadd.s32 $0x19, v2;
	v5 =	vld.idx.msk [tilespmem:v5+s10+$0x0], $0xffff  }
0x2fd: {  	v13 =	vadd.s32 $0x1A, v2;
	v10 =	vld.idx.msk [tilespmem:v10+s10+$0x0], $0xffff  }
0x2fe: {  	v14 =	vadd.s32 $0x1B, v2;
	v6 =	vld.idx.msk [tilespmem:v6+s10+$0x0], $0xffff  }
0x2ff: {  	v15 =	vadd.s32 $0x1C, v2;
	v8 =	vld.idx.msk [tilespmem:v8+s10+$0x0], $0xffff  }
0x300: {  	v16 =	vadd.s32 $0x1D, v2;
	v11 =	vld.idx.msk [tilespmem:v11+s10+$0x0], $0xffff  }
0x301: {  	v17 =	vadd.s32 $0x1E, v2;
	vm0 =	vgt.f32 v9, v7;
	v12 =	vld.idx.msk [tilespmem:v12+s10+$0x0], $0xffff  }
0x302: {  	v7 =	vsel vm0, v9, v7;
	v9 =	vld.idx.msk [tilespmem:v13+s10+$0x0], $0xffff;
	v13 =	vadd.s32 $0x1F, v2  }
0x303: {  	v18 =	vadd.s32 $0x20, v4;
	vm1 =	vgt.f32 v5, v7;
	v14 =	vld.idx.msk [tilespmem:v14+s10+$0x0], $0xffff  }
0x304: {  	v5 =	vsel vm1, v5, v7;
	v7 =	vld.idx.msk [tilespmem:v15+s10+$0x0], $0xffff;
	v15 =	vadd.s32 $0x21, v2  }
0x305: {  	vm2 =	vgt.f32 v10, v5;
	v16 =	vld.idx.msk [tilespmem:v16+s10+$0x0], $0xffff  }
0x306: {  	v5 =	vsel vm2, v10, v5;
	v10 =	vld.idx.msk [tilespmem:v17+s10+$0x0], $0xffff  }
0x307: {  	vm3 =	vgt.f32 v6, v5;
	v13 =	vld.idx.msk [tilespmem:v13+s10+$0x0], $0xffff  }
0x308: {  	v5 =	vsel vm3, v6, v5;
	v6 =	vld.idx.msk [tilespmem:v18+s10+$0x0], $0xffff  }
0x309: {  	vm4 =	vgt.f32 v8, v5;
	v15 =	vld.idx.msk [tilespmem:v15+s10+$0x0], $0xffff  }
0x30a: {  	v5 =	vsel vm4, v8, v5  }
0x30b: {  	vm5 =	vgt.f32 v11, v5  }
0x30c: {  	v5 =	vsel vm5, v11, v5  }
0x30d: {  	vm6 =	vgt.f32 v12, v5  }
0x30e: {  	v5 =	vsel vm6, v12, v5  }
0x30f: {  	vm7 =	vgt.f32 v9, v5  }
0x310: {  	v8 =	vsel vm0, $0x3F800000, v1;
	v5 =	vsel vm7, v9, v5  }
0x311: {  	v8 =	vsel vm1, $0x40000000, v8;
	vm0 =	vgt.f32 v14, v5  }
0x312: {  	v8 =	vsel vm2, $0x40400000, v8;
	v5 =	vsel vm0, v14, v5  }
0x313: {  	v8 =	vsel vm3, $0x40800000, v8;
	vm1 =	vgt.f32 v7, v5  }
0x314: {  	v8 =	vsel vm4, $0x40A00000, v8;
	v5 =	vsel vm1, v7, v5  }
0x315: {  	v7 =	vsel vm5, $0x40C00000, v8;
	vm2 =	vgt.f32 v16, v5  }
0x316: {  	v7 =	vsel vm6, $0x40E00000, v7;
	v5 =	vsel vm2, v16, v5  }
0x317: {  	v7 =	vsel vm7, $0x41000000, v7;
	vm3 =	vgt.f32 v10, v5  }
0x318: {  	v7 =	vsel vm0, $0x41100000, v7;
	v5 =	vsel vm3, v10, v5  }
0x319: {  	v7 =	vsel vm1, $0x41200000, v7;
	vm0 =	vgt.f32 v13, v5  }
0x31a: {  	v8 =	vadd.s32 $0xB, v3;
	v7 =	vsel vm2, $0x41300000, v7;
	v5 =	vsel vm0, v13, v5  }
0x31b: {  	v9 =	vadd.s32 $0x22, v2;
	v7 =	vsel vm3, $0x41400000, v7;
	vm1 =	vgt.f32 v6, v5  }
0x31c: {  	v7 =	vsel vm0, $0x41500000, v7;
	v5 =	vsel vm1, v6, v5;
	v6 =	vadd.s32 $0x23, v2  }
0x31d: {  	v7 =	vsel vm1, $0x41600000, v7;
	vm0 =	vgt.f32 v15, v5;
	v5 =	vadd.s32 $0x24, v2  }
0x31e: {  	v10 =	vadd.s32 $0x25, v2;
	v7 =	vsel vm0, $0x41700000, v7  }
0x31f: {  	[tilespmem:v8+s15+$0x0] =	vst.idx.msk $0xffff, v7;
	v7 =	vadd.s32 $0x26, v2  }
0x320: {  	v8 =	vld.idx.msk [tilespmem:v9+s10+$0x0], $0xffff;
	v9 =	vadd.s32 $0x27, v2  }
0x321: {  	v11 =	vadd.s32 $0x28, v4;
	v6 =	vld.idx.msk [tilespmem:v6+s10+$0x0], $0xffff  }
0x322: {  	v12 =	vadd.s32 $0x29, v2;
	v5 =	vld.idx.msk [tilespmem:v5+s10+$0x0], $0xffff  }
0x323: {  	v13 =	vadd.s32 $0x2A, v2;
	v10 =	vld.idx.msk [tilespmem:v10+s10+$0x0], $0xffff  }
0x324: {  	v14 =	vadd.s32 $0x2B, v2;
	v7 =	vld.idx.msk [tilespmem:v7+s10+$0x0], $0xffff  }
0x325: {  	v15 =	vadd.s32 $0x2C, v2;
	v9 =	vld.idx.msk [tilespmem:v9+s10+$0x0], $0xffff  }
0x326: {  	v16 =	vadd.s32 $0x2D, v2;
	v11 =	vld.idx.msk [tilespmem:v11+s10+$0x0], $0xffff  }
0x327: {  	v17 =	vadd.s32 $0x2E, v2;
	vm0 =	vgt.f32 v6, v8;
	v12 =	vld.idx.msk [tilespmem:v12+s10+$0x0], $0xffff  }
0x328: {  	v6 =	vsel vm0, v6, v8;
	v8 =	vld.idx.msk [tilespmem:v13+s10+$0x0], $0xffff;
	v13 =	vadd.s32 $0x2F, v2  }
0x329: {  	v18 =	vadd.s32 $0x30, v4;
	vm1 =	vgt.f32 v5, v6;
	v14 =	vld.idx.msk [tilespmem:v14+s10+$0x0], $0xffff  }
0x32a: {  	v5 =	vsel vm1, v5, v6;
	v6 =	vld.idx.msk [tilespmem:v15+s10+$0x0], $0xffff;
	v15 =	vadd.s32 $0x31, v2  }
0x32b: {  	v19 =	vadd.s32 $0x32, v2;
	vm2 =	vgt.f32 v10, v5;
	v16 =	vld.idx.msk [tilespmem:v16+s10+$0x0], $0xffff  }
0x32c: {  	v5 =	vsel vm2, v10, v5;
	v10 =	vld.idx.msk [tilespmem:v17+s10+$0x0], $0xffff;
	v17 =	vadd.s32 $0x33, v2  }
0x32d: {  	v20 =	vadd.s32 $0x34, v2;
	vm3 =	vgt.f32 v7, v5;
	v13 =	vld.idx.msk [tilespmem:v13+s10+$0x0], $0xffff  }
0x32e: {  	v5 =	vsel vm3, v7, v5;
	v7 =	vld.idx.msk [tilespmem:v18+s10+$0x0], $0xffff;
	v18 =	vadd.s32 $0x35, v2  }
0x32f: {  	v21 =	vadd.s32 $0x36, v2;
	vm4 =	vgt.f32 v9, v5;
	v15 =	vld.idx.msk [tilespmem:v15+s10+$0x0], $0xffff  }
0x330: {  	v5 =	vsel vm4, v9, v5;
	v9 =	vld.idx.msk [tilespmem:v19+s10+$0x0], $0xffff;
	v19 =	vadd.s32 $0x37, v2  }
0x331: {  	v22 =	vadd.s32 $0x38, v4;
	vm5 =	vgt.f32 v11, v5;
	v17 =	vld.idx.msk [tilespmem:v17+s10+$0x0], $0xffff  }
0x332: {  	v5 =	vsel vm5, v11, v5;
	v11 =	vld.idx.msk [tilespmem:v20+s10+$0x0], $0xffff;
	v20 =	vadd.s32 $0x39, v2  }
0x333: {  	v23 =	vadd.s32 $0x3A, v2;
	vm6 =	vgt.f32 v12, v5;
	v18 =	vld.idx.msk [tilespmem:v18+s10+$0x0], $0xffff  }
0x334: {  	v5 =	vsel vm6, v12, v5;
	v12 =	vld.idx.msk [tilespmem:v21+s10+$0x0], $0xffff;
	v21 =	vadd.s32 $0x3B, v2  }
0x335: {  	v24 =	vadd.s32 $0x3C, v2;
	vm7 =	vgt.f32 v8, v5;
	v19 =	vld.idx.msk [tilespmem:v19+s10+$0x0], $0xffff  }
0x336: {  	v5 =	vsel vm7, v8, v5;
	v8 =	vld.idx.msk [tilespmem:v22+s10+$0x0], $0xffff;
	v22 =	vadd.s32 $0x3D, v2  }
0x337: {  	v25 =	vadd.s32 $0x3E, v2;
	vm8 =	vgt.f32 v14, v5;
	v20 =	vld.idx.msk [tilespmem:v20+s10+$0x0], $0xffff  }
0x338: {  	v5 =	vsel vm8, v14, v5;
	v14 =	vld.idx.msk [tilespmem:v23+s10+$0x0], $0xffff;
	v23 =	vadd.s32 $0x3F, v2  }
0x339: {  	v4 =	vadd.s32 $0x40, v4;
	vm9 =	vgt.f32 v6, v5;
	v21 =	vld.idx.msk [tilespmem:v21+s10+$0x0], $0xffff  }
0x33a: {  	v2 =	vadd.s32 $0x41, v2;
	v5 =	vsel vm9, v6, v5;
	v6 =	vld.idx.msk [tilespmem:v24+s10+$0x0], $0xffff  }
0x33b: {  	vm10 =	vgt.f32 v16, v5;
	v22 =	vld.idx.msk [tilespmem:v22+s10+$0x0], $0xffff  }
0x33c: {  	v5 =	vsel vm10, v16, v5;
	v16 =	vld.idx.msk [tilespmem:v25+s10+$0x0], $0xffff  }
0x33d: {  	vm11 =	vgt.f32 v10, v5;
	v23 =	vld.idx.msk [tilespmem:v23+s10+$0x0], $0xffff  }
0x33e: {  	v10 =	vsel vm11, v10, v5;
	v4 =	vld.idx.msk [tilespmem:v4+s10+$0x0], $0xffff  }
0x33f: {  	vm12 =	vgt.f32 v13, v10;
	v5 =	vld.idx.msk [tilespmem:v2+s10+$0x0], $0xffff  }
0x340: {  	v2 =	vsel vm12, v13, v10  }
0x341: {  	vm13 =	vgt.f32 v7, v2  }
0x342: {  	v2 =	vsel vm13, v7, v2  }
0x343: {  	vm14 =	vgt.f32 v15, v2  }
0x344: {  	v7 =	vsel vm0, $0x3F800000, v1;
	v2 =	vsel vm14, v15, v2  }
0x345: {  	v7 =	vsel vm1, $0x40000000, v7;
	vm0 =	vgt.f32 v9, v2  }
0x346: {  	v7 =	vsel vm2, $0x40400000, v7;
	v2 =	vsel vm0, v9, v2  }
0x347: {  	v7 =	vsel vm3, $0x40800000, v7;
	vm1 =	vgt.f32 v17, v2  }
0x348: {  	v7 =	vsel vm4, $0x40A00000, v7;
	v2 =	vsel vm1, v17, v2  }
0x349: {  	v7 =	vsel vm5, $0x40C00000, v7;
	vm2 =	vgt.f32 v11, v2  }
0x34a: {  	v7 =	vsel vm6, $0x40E00000, v7;
	v2 =	vsel vm2, v11, v2  }
0x34b: {  	v7 =	vsel vm7, $0x41000000, v7;
	vm3 =	vgt.f32 v18, v2  }
0x34c: {  	v7 =	vsel vm8, $0x41100000, v7;
	v2 =	vsel vm3, v18, v2  }
0x34d: {  	v7 =	vsel vm9, $0x41200000, v7;
	vm4 =	vgt.f32 v12, v2  }
0x34e: {  	v7 =	vsel vm10, $0x41300000, v7;
	v2 =	vsel vm4, v12, v2  }
0x34f: {  	v7 =	vsel vm11, $0x41400000, v7;
	vm5 =	vgt.f32 v19, v2  }
0x350: {  	v7 =	vsel vm12, $0x41500000, v7;
	v2 =	vsel vm5, v19, v2  }
0x351: {  	v7 =	vsel vm13, $0x41600000, v7;
	vm6 =	vgt.f32 v8, v2  }
0x352: {  	v7 =	vsel vm14, $0x41700000, v7;
	v2 =	vsel vm6, v8, v2  }
0x353: {  	v7 =	vsel vm0, $0x41800000, v7;
	vm0 =	vgt.f32 v20, v2  }
0x354: {  	v7 =	vsel vm1, $0x41880000, v7;
	v2 =	vsel vm0, v20, v2  }
0x355: {  	v7 =	vsel vm2, $0x41900000, v7;
	vm1 =	vgt.f32 v14, v2  }
0x356: {  	v7 =	vsel vm3, $0x41980000, v7;
	v2 =	vsel vm1, v14, v2  }
0x357: {  	v7 =	vsel vm4, $0x41A00000, v7;
	vm2 =	vgt.f32 v21, v2  }
0x358: {  	v7 =	vsel vm5, $0x41A80000, v7;
	v2 =	vsel vm2, v21, v2  }
0x359: {  	v7 =	vsel vm6, $0x41B00000, v7;
	vm3 =	vgt.f32 v6, v2  }
0x35a: {  	v7 =	vsel vm0, $0x41B80000, v7;
	v2 =	vsel vm3, v6, v2  }
0x35b: {  	v6 =	vsel vm1, $0x41C00000, v7;
	vm0 =	vgt.f32 v22, v2  }
.Ltmp4:
0x35c: {  	v6 =	vsel vm2, $0x41C80000, v6;
	v2 =	vsel vm0, v22, v2;
	(pc) =	sbr.rel @p0 .LBB2_9-.Ltmp4, $4  }
0x35d: {  	v3 =	vadd.s32 $0xC, v3;
	v7 =	vsel vm3, $0x41D00000, v6;
	vm1 =	vgt.f32 v16, v2  }
0x35e: {  	v6 =	vor.u32 s21, v0;
	v7 =	vsel vm0, $0x41D80000, v7;
	v8 =	vsel vm1, v16, v2  }
0x35f: {  	v2 =	vmul.u32 $0x42, v6;
	v9 =	vsel vm1, $0x41E00000, v7;
	vm0 =	vgt.f32 v23, v8  }
0x360: {  	v7 =	vsel vm0, v23, v8;
	v8 =	vsel vm0, $0x41E80000, v9  }
0x361: {  	vm0 =	vgt.f32 v4, v7  }
0x362: {  	v4 =	vsel vm0, v4, v7  }
0x363: {  	v31 =	vsel vm0, $0x41F00000, v8;
	vm14 =	vgt.f32 v5, v4  }
0x364: {  	v4 =	vsel vm14, $0x41F80000, v31  }
0x365: {  	[tilespmem:v3+s15+$0x0] =	vst.idx.msk $0xffff, v4;
	v3 =	vmul.u32 $0xD, v6  }
0x366: {  	v4 =	vld.idx.msk [tilespmem:v2+s10+$0x0], $0xffff  }
0x367: {  	v32 =	vor.u32 $0x1, v2;
	_ =	sdelay $0x3  }
0x368: {  	[tilespmem:v3+s15+$0x0] =	vst.idx.msk $0xffff, v4  }
0x369: {  	v33 =	vadd.s32 $0x1, v3;
	v4 =	vld.idx.msk [tilespmem:v32+s10+$0x0], $0xffff  }
0x36a: {  	v34 =	vadd.s32 $0x2, v2;
	_ =	sdelay $0x3  }
0x36b: {  	[tilespmem:v33+s15+$0x0] =	vst.idx.msk $0xffff, v4  }
0x36c: {  	v35 =	vadd.s32 $0x2, v3;
	v4 =	vld.idx.msk [tilespmem:v34+s10+$0x0], $0xffff  }
0x36d: {  	v36 =	vadd.s32 $0x3, v2;
	_ =	sdelay $0x3  }
0x36e: {  	[tilespmem:v35+s15+$0x0] =	vst.idx.msk $0xffff, v4  }
0x36f: {  	v37 =	vadd.s32 $0x3, v3;
	v4 =	vld.idx.msk [tilespmem:v36+s10+$0x0], $0xffff  }
0x370: {  	v38 =	vadd.s32 $0x4, v2;
	_ =	sdelay $0x3  }
0x371: {  	[tilespmem:v37+s15+$0x0] =	vst.idx.msk $0xffff, v4  }
0x372: {  	v39 =	vadd.s32 $0x4, v3;
	v4 =	vld.idx.msk [tilespmem:v38+s10+$0x0], $0xffff  }
0x373: {  	v40 =	vadd.s32 $0x5, v2;
	_ =	sdelay $0x3  }
0x374: {  	[tilespmem:v39+s15+$0x0] =	vst.idx.msk $0xffff, v4  }
0x375: {  	v41 =	vadd.s32 $0x5, v3;
	v4 =	vld.idx.msk [tilespmem:v40+s10+$0x0], $0xffff  }
0x376: {  	v42 =	vadd.s32 $0x6, v2;
	_ =	sdelay $0x3  }
0x377: {  	[tilespmem:v41+s15+$0x0] =	vst.idx.msk $0xffff, v4  }
0x378: {  	v43 =	vadd.s32 $0x6, v3;
	v4 =	vld.idx.msk [tilespmem:v42+s10+$0x0], $0xffff  }
0x379: {  	v44 =	vadd.s32 $0x7, v2;
	_ =	sdelay $0x3  }
0x37a: {  	[tilespmem:v43+s15+$0x0] =	vst.idx.msk $0xffff, v4  }
0x37b: {  	v45 =	vadd.s32 $0x7, v3;
	v4 =	vand.u32 $0xFFFE, v2;
	v5 =	vld.idx.msk [tilespmem:v44+s10+$0x0], $0xffff  }
0x37c: {  	v46 =	vadd.s32 $0x8, v4;
	_ =	sdelay $0x3  }
0x37d: {  	v47 =	vand.u32 $0x1FFF, v3;
	[tilespmem:v45+s15+$0x0] =	vst.idx.msk $0xffff, v5  }
0x37e: {  	v48 =	vadd.s32 $0x8, v47;
	v5 =	vld.idx.msk [tilespmem:v46+s10+$0x0], $0xffff  }
0x37f: {  	v49 =	vadd.s32 $0x9, v2;
	_ =	sdelay $0x3  }
0x380: {  	[tilespmem:v48+s15+$0x0] =	vst.idx.msk $0xffff, v5  }
0x381: {  	v50 =	vadd.s32 $0x9, v3;
	v5 =	vld.idx.msk [tilespmem:v49+s10+$0x0], $0xffff  }
0x382: {  	v51 =	vadd.s32 $0xA, v2  }
0x383: {  	v52 =	vadd.s32 $0xB, v2;
	_ =	sdelay $0x1  }
0x384: {  	v9 =	vadd.s32 $0xC, v2  }
0x385: {  	[tilespmem:v50+s15+$0x0] =	vst.idx.msk $0xffff, v5  }
0x386: {  	v53 =	vadd.s32 $0xD, v2;
	v6 =	vld.idx.msk [tilespmem:v51+s10+$0x0], $0xffff  }
0x387: {  	v54 =	vld.idx.msk [tilespmem:v52+s10+$0x0], $0xffff  }
0x388: {  	v55 =	vadd.s32 $0xE, v2  }
0x389: {  	v9 =	vld.idx.msk [tilespmem:v9+s10+$0x0], $0xffff  }
0x38a: {  	v10 =	vadd.s32 $0xF, v2  }
0x38b: {  	v5 =	vld.idx.msk [tilespmem:v53+s10+$0x0], $0xffff  }
0x38c: {  	v11 =	vadd.s32 $0x10, v4;
	vm15 =	vgt.f32 v54, v6  }
0x38d: {  	v8 =	vld.idx.msk [tilespmem:v55+s10+$0x0], $0xffff;
	v6 =	vsel vm15, v54, v6  }
0x38e: {  	v56 =	vadd.s32 $0x11, v2;
	vm1 =	vgt.f32 v9, v6  }
0x38f: {  	v10 =	vld.idx.msk [tilespmem:v10+s10+$0x0], $0xffff;
	v6 =	vsel vm1, v9, v6  }
0x390: {  	vm2 =	vgt.f32 v5, v6  }
0x391: {  	v57 =	vld.idx.msk [tilespmem:v11+s10+$0x0], $0xffff;
	v5 =	vsel vm2, v5, v6  }
0x392: {  	vm3 =	vgt.f32 v8, v5  }
0x393: {  	v58 =	vld.idx.msk [tilespmem:v56+s10+$0x0], $0xffff;
	v59 =	vsel vm15, $0x3F800000, v1;
	v5 =	vsel vm3, v8, v5  }
0x394: {  	v7 =	vsel vm1, $0x40000000, v59;
	vm6 =	vgt.f32 v10, v5  }
0x395: {  	v60 =	vadd.s32 $0xA, v3;
	v7 =	vsel vm2, $0x40400000, v7;
	v5 =	vsel vm6, v10, v5  }
0x396: {  	v61 =	vadd.s32 $0x12, v2;
	v7 =	vsel vm3, $0x40800000, v7;
	vm7 =	vgt.f32 v57, v5  }
0x397: {  	v62 =	vadd.s32 $0x13, v2;
	v7 =	vsel vm6, $0x40A00000, v7;
	v5 =	vsel vm7, v57, v5  }
0x398: {  	v7 =	vsel vm7, $0x40C00000, v7;
	vm8 =	vgt.f32 v58, v5  }
0x399: {  	v63 =	vadd.s32 $0x14, v2;
	v6 =	vsel vm8, $0x40E00000, v7  }
0x39a: {  	[tilespmem:v60+s15+$0x0] =	vst.idx.msk $0xffff, v6  }
0x39b: {  	v12 =	vadd.s32 $0x15, v2;
	v13 =	vld.idx.msk [tilespmem:v61+s10+$0x0], $0xffff  }
0x39c: {  	v8 =	vld.idx.msk [tilespmem:v62+s10+$0x0], $0xffff  }
0x39d: {  	v14 =	vadd.s32 $0x16, v2  }
0x39e: {  	v5 =	vld.idx.msk [tilespmem:v63+s10+$0x0], $0xffff  }
0x39f: {  	v15 =	vadd.s32 $0x17, v2  }
0x3a0: {  	v6 =	vld.idx.msk [tilespmem:v12+s10+$0x0], $0xffff  }
0x3a1: {  	v16 =	vadd.s32 $0x18, v4;
	vm9 =	vgt.f32 v8, v13  }
0x3a2: {  	v9 =	vld.idx.msk [tilespmem:v14+s10+$0x0], $0xffff;
	v7 =	vsel vm9, v8, v13  }
0x3a3: {  	v17 =	vadd.s32 $0x19, v2;
	vm10 =	vgt.f32 v5, v7  }
0x3a4: {  	v10 =	vld.idx.msk [tilespmem:v15+s10+$0x0], $0xffff;
	v5 =	vsel vm10, v5, v7  }
0x3a5: {  	v18 =	vadd.s32 $0x1A, v2;
	vm11 =	vgt.f32 v6, v5  }
0x3a6: {  	v11 =	vld.idx.msk [tilespmem:v16+s10+$0x0], $0xffff;
	v5 =	vsel vm11, v6, v5  }
0x3a7: {  	v19 =	vadd.s32 $0x1B, v2;
	vm12 =	vgt.f32 v9, v5  }
0x3a8: {  	v8 =	vld.idx.msk [tilespmem:v17+s10+$0x0], $0xffff;
	v5 =	vsel vm12, v9, v5  }
0x3a9: {  	v20 =	vadd.s32 $0x1C, v2;
	vm4 =	vgt.f32 v10, v5  }
0x3aa: {  	v7 =	vld.idx.msk [tilespmem:v18+s10+$0x0], $0xffff;
	v5 =	vsel vm4, v10, v5  }
0x3ab: {  	v21 =	vadd.s32 $0x1D, v2;
	vm5 =	vgt.f32 v11, v5  }
0x3ac: {  	v6 =	vld.idx.msk [tilespmem:v19+s10+$0x0], $0xffff;
	v5 =	vsel vm5, v11, v5  }
0x3ad: {  	v22 =	vadd.s32 $0x1E, v2;
	vm6 =	vgt.f32 v8, v5  }
0x3ae: {  	v9 =	vld.idx.msk [tilespmem:v20+s10+$0x0], $0xffff;
	v5 =	vsel vm6, v8, v5  }
0x3af: {  	v23 =	vadd.s32 $0x1F, v2;
	vm7 =	vgt.f32 v7, v5  }
0x3b0: {  	v12 =	vsel vm9, $0x3F800000, v1;
	v10 =	vld.idx.msk [tilespmem:v21+s10+$0x0], $0xffff;
	v5 =	vsel vm7, v7, v5  }
0x3b1: {  	v24 =	vadd.s32 $0x20, v4;
	v12 =	vsel vm10, $0x40000000, v12;
	vm13 =	vgt.f32 v6, v5  }
0x3b2: {  	v12 =	vsel vm11, $0x40400000, v12;
	v11 =	vld.idx.msk [tilespmem:v22+s10+$0x0], $0xffff;
	v5 =	vsel vm13, v6, v5  }
0x3b3: {  	v25 =	vadd.s32 $0x21, v2;
	v12 =	vsel vm12, $0x40800000, v12;
	vm14 =	vgt.f32 v9, v5  }
0x3b4: {  	v12 =	vsel vm4, $0x40A00000, v12;
	v8 =	vld.idx.msk [tilespmem:v23+s10+$0x0], $0xffff;
	v5 =	vsel vm14, v9, v5  }
0x3b5: {  	v26 =	vsel vm5, $0x40C00000, v12;
	vm15 =	vgt.f32 v10, v5  }
0x3b6: {  	v7 =	vld.idx.msk [tilespmem:v24+s10+$0x0], $0xffff;
	v9 =	vsel vm6, $0x40E00000, v26;
	v5 =	vsel vm15, v10, v5  }
0x3b7: {  	v9 =	vsel vm7, $0x41000000, v9;
	vm7 =	vgt.f32 v11, v5  }
0x3b8: {  	v6 =	vld.idx.msk [tilespmem:v25+s10+$0x0], $0xffff;
	v9 =	vsel vm13, $0x41100000, v9;
	v5 =	vsel vm7, v11, v5  }
0x3b9: {  	v9 =	vsel vm14, $0x41200000, v9;
	vm8 =	vgt.f32 v8, v5  }
0x3ba: {  	v27 =	vadd.s32 $0xB, v3;
	v9 =	vsel vm15, $0x41300000, v9;
	v5 =	vsel vm8, v8, v5  }
0x3bb: {  	v28 =	vadd.s32 $0x22, v2;
	v9 =	vsel vm7, $0x41400000, v9;
	vm9 =	vgt.f32 v7, v5  }
0x3bc: {  	v29 =	vadd.s32 $0x23, v2;
	v9 =	vsel vm8, $0x41500000, v9;
	v5 =	vsel vm9, v7, v5  }
0x3bd: {  	v9 =	vsel vm9, $0x41600000, v9;
	vm10 =	vgt.f32 v6, v5  }
0x3be: {  	v30 =	vadd.s32 $0x24, v2;
	v6 =	vsel vm10, $0x41700000, v9  }
0x3bf: {  	[tilespmem:v27+s15+$0x0] =	vst.idx.msk $0xffff, v6  }
0x3c0: {  	v31 =	vadd.s32 $0x25, v2;
	v8 =	vld.idx.msk [tilespmem:v28+s10+$0x0], $0xffff  }
0x3c1: {  	v7 =	vld.idx.msk [tilespmem:v29+s10+$0x0], $0xffff  }
0x3c2: {  	v32 =	vadd.s32 $0x26, v2  }
0x3c3: {  	v5 =	vld.idx.msk [tilespmem:v30+s10+$0x0], $0xffff  }
0x3c4: {  	v33 =	vadd.s32 $0x27, v2  }
0x3c5: {  	v6 =	vld.idx.msk [tilespmem:v31+s10+$0x0], $0xffff  }
0x3c6: {  	v34 =	vadd.s32 $0x28, v4;
	vm0 =	vgt.f32 v7, v8  }
0x3c7: {  	v9 =	vld.idx.msk [tilespmem:v32+s10+$0x0], $0xffff;
	v7 =	vsel vm0, v7, v8  }
0x3c8: {  	v35 =	vadd.s32 $0x29, v2;
	vm1 =	vgt.f32 v5, v7  }
0x3c9: {  	v10 =	vld.idx.msk [tilespmem:v33+s10+$0x0], $0xffff;
	v5 =	vsel vm1, v5, v7  }
0x3ca: {  	v36 =	vadd.s32 $0x2A, v2;
	vm2 =	vgt.f32 v6, v5  }
0x3cb: {  	v11 =	vld.idx.msk [tilespmem:v34+s10+$0x0], $0xffff;
	v5 =	vsel vm2, v6, v5  }
0x3cc: {  	v37 =	vadd.s32 $0x2B, v2;
	vm3 =	vgt.f32 v9, v5  }
0x3cd: {  	v8 =	vld.idx.msk [tilespmem:v35+s10+$0x0], $0xffff;
	v5 =	vsel vm3, v9, v5  }
0x3ce: {  	v38 =	vadd.s32 $0x2C, v2;
	vm4 =	vgt.f32 v10, v5  }
0x3cf: {  	v7 =	vld.idx.msk [tilespmem:v36+s10+$0x0], $0xffff;
	v5 =	vsel vm4, v10, v5  }
0x3d0: {  	v39 =	vadd.s32 $0x2D, v2;
	vm5 =	vgt.f32 v11, v5  }
0x3d1: {  	v6 =	vld.idx.msk [tilespmem:v37+s10+$0x0], $0xffff;
	v5 =	vsel vm5, v11, v5  }
0x3d2: {  	v40 =	vadd.s32 $0x2E, v2;
	vm6 =	vgt.f32 v8, v5  }
0x3d3: {  	v9 =	vld.idx.msk [tilespmem:v38+s10+$0x0], $0xffff;
	v5 =	vsel vm6, v8, v5  }
0x3d4: {  	v41 =	vadd.s32 $0x2F, v2;
	vm7 =	vgt.f32 v7, v5  }
0x3d5: {  	v10 =	vld.idx.msk [tilespmem:v39+s10+$0x0], $0xffff;
	v5 =	vsel vm7, v7, v5  }
0x3d6: {  	v42 =	vadd.s32 $0x30, v4;
	vm8 =	vgt.f32 v6, v5  }
0x3d7: {  	v11 =	vld.idx.msk [tilespmem:v40+s10+$0x0], $0xffff;
	v5 =	vsel vm8, v6, v5  }
0x3d8: {  	v43 =	vadd.s32 $0x31, v2;
	vm9 =	vgt.f32 v9, v5  }
0x3d9: {  	v8 =	vld.idx.msk [tilespmem:v41+s10+$0x0], $0xffff;
	v5 =	vsel vm9, v9, v5  }
0x3da: {  	v44 =	vadd.s32 $0x32, v2;
	vm10 =	vgt.f32 v10, v5  }
0x3db: {  	v7 =	vld.idx.msk [tilespmem:v42+s10+$0x0], $0xffff;
	v5 =	vsel vm10, v10, v5  }
0x3dc: {  	v45 =	vadd.s32 $0x33, v2;
	vm11 =	vgt.f32 v11, v5  }
0x3dd: {  	v6 =	vld.idx.msk [tilespmem:v43+s10+$0x0], $0xffff;
	v5 =	vsel vm11, v11, v5  }
0x3de: {  	v46 =	vadd.s32 $0x34, v2;
	vm12 =	vgt.f32 v8, v5  }
0x3df: {  	v9 =	vld.idx.msk [tilespmem:v44+s10+$0x0], $0xffff;
	v5 =	vsel vm12, v8, v5  }
0x3e0: {  	v47 =	vadd.s32 $0x35, v2;
	vm13 =	vgt.f32 v7, v5  }
0x3e1: {  	v10 =	vld.idx.msk [tilespmem:v45+s10+$0x0], $0xffff;
	v5 =	vsel vm13, v7, v5  }
0x3e2: {  	v48 =	vadd.s32 $0x36, v2;
	vm14 =	vgt.f32 v6, v5  }
0x3e3: {  	v11 =	vld.idx.msk [tilespmem:v46+s10+$0x0], $0xffff;
	v5 =	vsel vm14, v6, v5  }
0x3e4: {  	v49 =	vadd.s32 $0x37, v2;
	vm15 =	vgt.f32 v9, v5  }
0x3e5: {  	v50 =	vsel vm0, $0x3F800000, v1;
	v8 =	vld.idx.msk [tilespmem:v47+s10+$0x0], $0xffff;
	v5 =	vsel vm15, v9, v5  }
0x3e6: {  	v51 =	vadd.s32 $0x38, v4;
	v12 =	vsel vm1, $0x40000000, v50;
	vm0 =	vgt.f32 v10, v5  }
0x3e7: {  	v12 =	vsel vm2, $0x40400000, v12;
	v7 =	vld.idx.msk [tilespmem:v48+s10+$0x0], $0xffff;
	v5 =	vsel vm0, v10, v5  }
0x3e8: {  	v52 =	vadd.s32 $0x39, v2;
	v12 =	vsel vm3, $0x40800000, v12;
	vm1 =	vgt.f32 v11, v5  }
0x3e9: {  	v12 =	vsel vm4, $0x40A00000, v12;
	v6 =	vld.idx.msk [tilespmem:v49+s10+$0x0], $0xffff;
	v5 =	vsel vm1, v11, v5  }
0x3ea: {  	v53 =	vadd.s32 $0x3A, v2;
	v12 =	vsel vm5, $0x40C00000, v12;
	vm2 =	vgt.f32 v8, v5  }
0x3eb: {  	v12 =	vsel vm6, $0x40E00000, v12;
	v9 =	vld.idx.msk [tilespmem:v51+s10+$0x0], $0xffff;
	v5 =	vsel vm2, v8, v5  }
0x3ec: {  	v54 =	vadd.s32 $0x3B, v2;
	v12 =	vsel vm7, $0x41000000, v12;
	vm3 =	vgt.f32 v7, v5  }
0x3ed: {  	v12 =	vsel vm8, $0x41100000, v12;
	v10 =	vld.idx.msk [tilespmem:v52+s10+$0x0], $0xffff;
	v5 =	vsel vm3, v7, v5  }
0x3ee: {  	v55 =	vadd.s32 $0x3C, v2;
	v12 =	vsel vm9, $0x41200000, v12;
	vm4 =	vgt.f32 v6, v5  }
0x3ef: {  	v12 =	vsel vm10, $0x41300000, v12;
	v11 =	vld.idx.msk [tilespmem:v53+s10+$0x0], $0xffff;
	v5 =	vsel vm4, v6, v5  }
0x3f0: {  	v56 =	vadd.s32 $0x3D, v2;
	v12 =	vsel vm11, $0x41400000, v12;
	vm11 =	vgt.f32 v9, v5  }
0x3f1: {  	v12 =	vsel vm12, $0x41500000, v12;
	v8 =	vld.idx.msk [tilespmem:v54+s10+$0x0], $0xffff;
	v5 =	vsel vm11, v9, v5  }
0x3f2: {  	v57 =	vadd.s32 $0x3E, v2;
	v12 =	vsel vm13, $0x41600000, v12;
	vm13 =	vgt.f32 v10, v5  }
0x3f3: {  	v12 =	vsel vm14, $0x41700000, v12;
	v7 =	vld.idx.msk [tilespmem:v55+s10+$0x0], $0xffff;
	v5 =	vsel vm13, v10, v5  }
0x3f4: {  	v58 =	vadd.s32 $0x3F, v2;
	v12 =	vsel vm15, $0x41800000, v12;
	vm15 =	vgt.f32 v11, v5  }
0x3f5: {  	v12 =	vsel vm0, $0x41880000, v12;
	v6 =	vld.idx.msk [tilespmem:v56+s10+$0x0], $0xffff;
	v5 =	vsel vm15, v11, v5  }
0x3f6: {  	v4 =	vadd.s32 $0x40, v4;
	v59 =	vsel vm1, $0x41900000, v12;
	vm9 =	vgt.f32 v8, v5  }
0x3f7: {  	v9 =	vld.idx.msk [tilespmem:v57+s10+$0x0], $0xffff;
	v11 =	vsel vm2, $0x41980000, v59;
	v5 =	vsel vm9, v8, v5  }
0x3f8: {  	v2 =	vadd.s32 $0x41, v2;
	v60 =	vsel vm3, $0x41A00000, v11;
	vm10 =	vgt.f32 v7, v5  }
0x3f9: {  	v10 =	vld.idx.msk [tilespmem:v58+s10+$0x0], $0xffff;
	v8 =	vsel vm4, $0x41A80000, v60;
	v5 =	vsel vm10, v7, v5  }
0x3fa: {  	v61 =	vsel vm11, $0x41B00000, v8;
	vm11 =	vgt.f32 v6, v5  }
0x3fb: {  	v4 =	vld.idx.msk [tilespmem:v4+s10+$0x0], $0xffff;
	v7 =	vsel vm13, $0x41B80000, v61;
	v5 =	vsel vm11, v6, v5  }
0x3fc: {  	v62 =	vsel vm15, $0x41C00000, v7;
	vm12 =	vgt.f32 v9, v5  }
0x3fd: {  	v2 =	vld.idx.msk [tilespmem:v2+s10+$0x0], $0xffff;
	v6 =	vsel vm9, $0x41C80000, v62;
	v5 =	vsel vm12, v9, v5  }
0x3fe: {  	v6 =	vsel vm10, $0x41D00000, v6;
	vm13 =	vgt.f32 v10, v5  }
0x3ff: {  	s18 =	sadd.s32 $0x1, s18;
	v3 =	vadd.s32 $0xC, v3;
	v6 =	vsel vm11, $0x41D80000, v6;
	v5 =	vsel vm13, v10, v5  }
0x400: {  	s19 =	smul.u32 $0xD, s19;
	p0 =	sne.s32 s18, $0x8;
	v6 =	vsel vm12, $0x41E00000, v6;
	vm14 =	vgt.f32 v4, v5  }
.Ltmp5:
0x401: {  	v6 =	vsel vm13, $0x41E80000, v6;
	v4 =	vsel vm14, v4, v5;
	(pc) =	sbr.rel @p0 .LBB2_2-.Ltmp5, $4  }
0x402: {  	v63 =	vsel vm14, $0x41F00000, v6;
	vm15 =	vgt.f32 v2, v4  }
0x403: {  	s19 =	sshrl.u32 s19, $0x3;
	v2 =	vsel vm15, $0x41F80000, v63  }
0x404: {  	s19 =	sadd.s32 s2, s19;
	[tilespmem:v3+s15+$0x0] =	vst.idx.msk $0xffff, v2  }
0x405: {  	[hbm4b:s19+s3] =	stream.linear.scatter [tilespmem:s15], [sflag:$0x4], $0x1A00, $0x38;
	[tilespmem:$0x13C00] =	vst v63  }
0x406: {  	s17 =	sadd.s32 $0x1, s17  }
0x407: {  	_ =	swait.ge [sflag:s16], $0x1A00;
	p0 =	sne.s32 s17, s9  }
.Ltmp6:
0x408: {  	[sflag:s16] =	ssyncset.done $0x0;
	(pc) =	sbr.rel @p0 .LBB2_1-.Ltmp6, $4  }
0x409: {  	[sflag:s16] =	ssyncadd.s32 $0xFFFFE600  }
0x40a: {  	_ =	swait.ge [sflag:s14], $0x1A00  }
0x40b: {  	[sflag:s14] =	ssyncset.done $0x0  }
0x40c: {  	[sflag:s14] =	ssyncadd.s32 $0xFFFFE600  }
0x40d: {  	_ =	sfence.sel $0x180000  }
0x40e: {  	[bflag:$0x0] =	sbarrier.arrive $0xFFFF  }
0x40f: {  	p0 =	sne.s32 s1, $0x0;
	_ =	strace $0x90000047  }
0x410: {  	s0 =	sadd.s32 @!p0 $0x100000, s0;
	[bflag:$0x2] =	sbarrier.arrive $0xFFFF  }
0x411: {  	[sflag:s0] =	ssyncadd.tile.s32 @!p0 $0x1;
	_ =	shalt  }
.Lfunc_end2:
_tile_overlayer_lowered:
.L_overlay_start_2:
0x412: {  	(tag) =	ssettag $0x2  }
0x413: {  	s0 =	rddreg [dreg:$0x0];
	s2 =	stileid.u32  }
0x414: {  	s1 =	rddreg [dreg:$0x1];
	p0 =	sne.s32 s2, $0x0  }
0x415: {  	s3 =	rddreg [dreg:$0x2];
	[bflag:$0x3] =	sbarrier.arrive $0xFFFF;
	s2 =	simm.s32 @!p0 $0x1C05  }
0x416: {  	[timem:s3], [sflag:s2] =	dma.local @!p0 [hbm:s0], s1  }
0x417: {  	s0 =	simm.s32 @!p0 $0x5  }
0x418: {  	_ =	swait.ge @!p0 [sflag:s0], s1  }
0x419: {  	s1 =	ssub.s32 @!p0 $0x0, s1;
	[sflag:s0] =	ssyncset.done @!p0 $0x0  }
0x41a: {  	[sflag:s0] =	ssyncadd.s32 @!p0 s1  }
0x41b: {  	[bflag:$0x3] =	sbarrier.arrive $0xFFFF  }
0x41c: {  	_ =	shalt  }

</sc_bundles>
